<compile_context>
chip_gen: v7x
topology: tpu7x:2x2x1
jax: 0.10.2.dev20260603
libtpu: 0.0.44.dev20260713+nightly
codegen_flags: <defaults>
</compile_context>

<pallas_src>
import dataclasses
import functools

import jax
import jax.numpy as jnp
from jax import lax
from jax.experimental import pallas as pl
from jax.experimental.pallas import tpu as pltpu
from jax.experimental.pallas import tpu_sc as plsc

NC = 2
NS = 16
NW = NC * NS
LANES = 16
CHUNK = 128

_MESH = plsc.VectorSubcoreMesh(core_axis_name="c", subcore_axis_name="s")

_NO_LAYOUT_CP = pltpu.CompilerParams()
if "needs_layout_passes" in pltpu.CompilerParams.__dataclass_fields__:
    _NO_LAYOUT_CP = dataclasses.replace(_NO_LAYOUT_CP, needs_layout_passes=False)


def _fill_const(ref, rows, value):
    cols = ref.shape[1]

    @pl.loop(0, rows)
    def _(i):
        @pl.loop(0, cols, step=LANES)
        def _(j):
            ref[i, pl.ds(j, LANES)] = jnp.full((LANES,), value, jnp.float32)


ZROWS = 40


def _strided_row_chunks(total_rows, worker, n_workers, body):
    n_chunks = total_rows // ZROWS
    iters = (n_chunks + n_workers - 1) // n_workers

    @pl.loop(0, iters)
    def _(i):
        c = i * n_workers + worker

        @pl.when(c < n_chunks)
        def _():
            body(c * ZROWS)


def _make_degree_kernel(n_edges, n_nodes, feat):
    assert n_edges % (NS * LANES) == 0
    epw = n_edges // NS
    n_pad = ((n_nodes + NS * LANES - 1) // (NS * LANES)) * (NS * LANES)
    spw = n_pad // NS
    brows = 40
    assert spw % brows == 0 and spw % LANES == 0

    @functools.partial(
        pl.kernel,
        out_type=jax.ShapeDtypeStruct((NC * n_nodes * feat,), jnp.float32),
        mesh=_MESH,
        scratch_types=[
            pltpu.VMEM((epw,), jnp.int32),
            pltpu.VMEM((n_pad,), jnp.float32),
            pltpu.VMEM((NS * spw,), jnp.float32),
            pltpu.VMEM((spw,), jnp.float32),
            pltpu.VMEM((brows * feat,), jnp.float32),
            pltpu.VMEM_SHARED((NS, n_pad), jnp.float32),
            pltpu.SemaphoreType.DMA,
        ],
        compiler_params=_NO_LAYOUT_CP,
    )
    def deg_kernel(idx_hbm, out_hbm, idx_v, hist, slices, red, brow, stage,
                   sem):
        cid = lax.axis_index("c")
        sid = lax.axis_index("s")

        idx_cp = pltpu.async_copy(
            idx_hbm.at[pl.ds(cid * n_edges + sid * epw, epw)], idx_v, sem)

        @pl.loop(0, n_pad, step=LANES)
        def _(i):
            hist[pl.ds(i, LANES)] = jnp.zeros((LANES,), jnp.float32)

        idx_cp.wait()
        ones16 = jnp.full((LANES,), 1.0, jnp.float32)

        @pl.loop(0, epw, step=LANES)
        def _(i):
            plsc.addupdate_scatter(hist, [idx_v[pl.ds(i, LANES)]], ones16)

        pltpu.sync_copy(hist, stage.at[sid])
        plsc.subcore_barrier()

        base = sid * spw
        for j in range(NS):
            pltpu.sync_copy(stage.at[j, pl.ds(base, spw)],
                            slices.at[pl.ds(j * spw, spw)])

        @pl.loop(0, spw, step=LANES)
        def _(i):
            acc = slices[pl.ds(i, LANES)]
            for j in range(1, NS):
                acc = acc + slices[pl.ds(j * spw + i, LANES)]
            red[pl.ds(i, LANES)] = acc

        assert n_nodes % brows == 0

        @pl.loop(0, spw // brows)
        def _(bi):
            @pl.when(base + bi * brows < n_nodes)
            def _():
                @pl.loop(0, brows)
                def _(k):
                    kvec = jnp.full((LANES,), 0, jnp.int32) + (bi * brows + k)
                    val = plsc.load_gather(red, [kvec])

                    @pl.loop(0, feat, step=LANES)
                    def _(c):
                        brow[pl.ds(k * feat + c, LANES)] = val

                pltpu.sync_copy(
                    brow,
                    out_hbm.at[pl.ds((cid * n_nodes + base + bi * brows) * feat,
                                     brows * feat)])

    return deg_kernel


def _make_aggregate_kernel(n_nodes, n_chunks, feat, n_acc):
    assert n_chunks % NW == 0 and n_nodes % ZROWS == 0
    cpw = n_chunks // NW
    n_phases = 2
    span = cpw // n_phases
    assert cpw % (2 * n_phases) == 0

    @functools.partial(
        pl.kernel,
        out_type=jax.ShapeDtypeStruct((NC * n_nodes, feat), jnp.float32),
        mesh=_MESH,
        scratch_types=[
            pltpu.VMEM((span, CHUNK), jnp.int32),
            pltpu.VMEM((span, CHUNK), jnp.int32),
            pltpu.VMEM((CHUNK, feat), jnp.float32),
            pltpu.VMEM((CHUNK, feat), jnp.float32),
            pltpu.VMEM((ZROWS, feat), jnp.float32),
            pltpu.VMEM_SHARED((n_acc, feat), jnp.float32),
            pltpu.SemaphoreType.DMA,
            pltpu.SemaphoreType.DMA,
            pltpu.SemaphoreType.DMA,
            pltpu.SemaphoreType.DMA,
        ],
    )
    def agg_kernel(x_hbm, src_hbm, dst_hbm, out_hbm,
                   sidx, didx, rows0, rows1, zeros_v, accum,
                   gsem0, gsem1, ssem0, ssem1):
        cid = lax.axis_index("c")
        sid = lax.axis_index("s")
        lw = cid * NS + sid
        _fill_const(zeros_v, ZROWS, 0.0)

        rows = (rows0, rows1)
        gsem = (gsem0, gsem1)
        ssem = (ssem0, ssem1)

        def load_idx_span(ph):
            base = lw * cpw + ph * span
            cp0 = pltpu.async_copy(src_hbm.at[pl.ds(base, span)], sidx, gsem0)
            cp1 = pltpu.async_copy(dst_hbm.at[pl.ds(base, span)], didx, gsem1)
            cp0.wait()
            cp1.wait()

        def start_gather(j, b):
            pltpu.make_async_copy(x_hbm.at[sidx.at[j]], rows[b], gsem[b]).start()

        def wait_gather(b):
            pltpu.make_async_copy(x_hbm.at[sidx.at[0]], rows[b], gsem[b]).wait()

        def start_scatter(j, b):
            pltpu.make_async_copy(rows[b], accum.at[didx.at[j]],
                                  ssem[b]).start(add=True)

        def wait_scatter(b):
            pltpu.make_async_copy(rows[b], accum.at[didx.at[0]], ssem[b]).wait()

        load_idx_span(0)
        _strided_row_chunks(
            n_nodes, sid, NS,
            lambda r: pltpu.sync_copy(zeros_v, accum.at[pl.ds(r, ZROWS)]))
        plsc.subcore_barrier()

        @pl.loop(0, n_phases)
        def _(ph):
            @pl.when(ph > 0)
            def _():
                load_idx_span(ph)

            start_gather(0, 0)

            @pl.loop(0, span // 2)
            def _(g):
                j0 = 2 * g
                wait_gather(0)
                start_scatter(j0, 0)

                @pl.when(g > 0)
                def _():
                    wait_scatter(1)

                start_gather(j0 + 1, 1)
                wait_gather(1)
                start_scatter(j0 + 1, 1)
                wait_scatter(0)

                @pl.when(g < span // 2 - 1)
                def _():
                    start_gather(j0 + 2, 0)

            wait_scatter(1)

        plsc.subcore_barrier()
        _strided_row_chunks(
            n_nodes, sid, NS,
            lambda r: pltpu.sync_copy(
                accum.at[pl.ds(r, ZROWS)],
                out_hbm.at[pl.ds(cid * n_nodes + r, ZROWS)]))

    return agg_kernel


def _norm_from_deg(deg_ref):
    return lax.rsqrt(jnp.maximum(deg_ref[:, 0], 1.0))


def _tc_pre_body(x_ref, degs_ref, w_ref, o_ref):
    norm = _norm_from_deg(degs_ref)
    o_ref[...] = jnp.dot(x_ref[...] * norm[:, None], w_ref[...],
                         preferred_element_type=jnp.float32)


def _tc_mid_body(p0_ref, p1_ref, degd_ref, b_ref, degs_ref, w_ref, o_ref):
    agg = p0_ref[...] + p1_ref[...]
    nd = _norm_from_deg(degd_ref)
    h = jnp.maximum(agg * nd[:, None] + b_ref[...], 0.0)
    ns = _norm_from_deg(degs_ref)
    o_ref[...] = jnp.dot(h * ns[:, None], w_ref[...],
                         preferred_element_type=jnp.float32)


def _tc_fin_body(p0_ref, p1_ref, degd_ref, b_ref, h_ref, c_ref):
    agg = p0_ref[...] + p1_ref[...]
    nd = _norm_from_deg(degd_ref)
    z = agg * nd[:, None] + b_ref[...]
    h = jax.nn.sigmoid(z)
    h_ref[...] = h
    c_ref[...] = jnp.where(h >= 0.5, 1.0, 0.0)


def kernel(in_feat, edge_index, W1, b1, W2, b2, W3, b3):
    n, f = in_feat.shape
    e = edge_index.shape[1]
    assert e % CHUNK == 0 and n % ZROWS == 0 and f % 128 == 0

    src = edge_index[0]
    dst = edge_index[1]
    idx_flat = edge_index.reshape(2 * e)

    degr = _make_degree_kernel(e, n, f)(idx_flat).reshape(NC, n, f)
    deg_src, deg_dst = degr[0], degr[1]

    span = CHUNK * 4 * NW
    e_pad = ((e + span - 1) // span) * span
    dummy_dst = n + (jnp.arange(e_pad - e, dtype=jnp.int32) % CHUNK)
    dummy_src = jnp.arange(e_pad - e, dtype=jnp.int32) % CHUNK
    src2d = jnp.concatenate(
        [src, dummy_src]).reshape(e_pad // CHUNK, CHUNK)
    dst2d = jnp.concatenate(
        [dst, dummy_dst]).reshape(e_pad // CHUNK, CHUNK)

    agg_kernel = _make_aggregate_kernel(n, e_pad // CHUNK, f, n + CHUNK)

    blk = 1000
    grid = (n // blk,)

    w_spec = pl.BlockSpec((f, f), lambda i: (0, 0))
    b_spec = pl.BlockSpec((1, f), lambda i: (0, 0))
    row_spec = pl.BlockSpec((blk, f), lambda i: (i, 0))

    tc_pre = pl.pallas_call(
        _tc_pre_body,
        out_shape=jax.ShapeDtypeStruct((n, f), jnp.float32),
        grid=grid,
        in_specs=[row_spec, row_spec, w_spec],
        out_specs=row_spec,
    )

    tc_mid = pl.pallas_call(
        _tc_mid_body,
        out_shape=jax.ShapeDtypeStruct((n, f), jnp.float32),
        grid=grid,
        in_specs=[row_spec, row_spec, row_spec, b_spec, row_spec, w_spec],
        out_specs=row_spec,
    )

    tc_fin = pl.pallas_call(
        _tc_fin_body,
        out_shape=(jax.ShapeDtypeStruct((n, f), jnp.float32),
                   jax.ShapeDtypeStruct((n, f), jnp.float32)),
        grid=grid,
        in_specs=[row_spec, row_spec, row_spec, b_spec],
        out_specs=(row_spec, row_spec),
    )

    b1r = b1.reshape(1, f)
    b2r = b2.reshape(1, f)
    b3r = b3.reshape(1, f)

    feat1 = tc_pre(in_feat, deg_src, W1)
    p = agg_kernel(feat1, src2d, dst2d).reshape(NC, n, f)
    feat2 = tc_mid(p[0], p[1], deg_dst, b1r, deg_src, W2)
    p = agg_kernel(feat2, src2d, dst2d).reshape(NC, n, f)
    feat3 = tc_mid(p[0], p[1], deg_dst, b2r, deg_src, W3)
    p = agg_kernel(feat3, src2d, dst2d).reshape(NC, n, f)
    h, h_clone = tc_fin(p[0], p[1], deg_dst, b3r)
    return (h, h_clone)

# --- scband reference (transcript-rebuilt; emitter-appended) ---
"""Pipeline reference for scband-gcn-76201309766164 (READ-ONLY COPY).

The authoritative reference and input builder live on the scoring server;
editing this copy changes nothing except your own understanding.
"""

import jax, jax.numpy as jnp
import numpy as np

N = 10000
E = 320000
IN_FEATS = 128
H_FEATS = 128
HID = (IN_FEATS + H_FEATS) // 2  # math.floor((h_feats+in_feats)/2) = 128


def setup_inputs(seed: int = 0) -> dict:
    key = jax.random.key(seed)
    ks = jax.random.split(key, 9)
    in_feat = jax.random.normal(ks[0], (N, IN_FEATS), dtype=jnp.float32)
    edge_index = jax.random.randint(ks[1], (2, E), 0, N, dtype=jnp.int32)
    def glorot(k, shape):
        fan_in, fan_out = shape[0], shape[1]
        limit = float(np.sqrt(6.0 / (fan_in + fan_out)))
        return jax.random.uniform(k, shape, dtype=jnp.float32, minval=-limit, maxval=limit)
    W1 = glorot(ks[2], (IN_FEATS, HID)); b1 = jnp.zeros((HID,), jnp.float32)
    W2 = glorot(ks[3], (HID, HID));      b2 = jnp.zeros((HID,), jnp.float32)
    W3 = glorot(ks[4], (HID, H_FEATS));  b3 = jnp.zeros((H_FEATS,), jnp.float32)
    return {"in_feat": in_feat, "edge_index": edge_index,
            "W1": W1, "b1": b1, "W2": W2, "b2": b2, "W3": W3, "b3": b3}


def _graph_conv(x, src, dst, W, b, n_nodes):
    # DGL GraphConv with norm='both': D_dst^{-1/2} A D_src^{-1/2} X W + b
    ones = jnp.ones((src.shape[0],), jnp.float32)
    deg_out = jnp.zeros((n_nodes,), jnp.float32).at[src].add(ones)
    deg_in = jnp.zeros((n_nodes,), jnp.float32).at[dst].add(ones)
    norm_src = jax.lax.rsqrt(jnp.maximum(deg_out, 1.0))
    norm_dst = jax.lax.rsqrt(jnp.maximum(deg_in, 1.0))
    feat = x * norm_src[:, None]
    feat = feat @ W
    msgs = jnp.take(feat, src, axis=0)
    agg = jnp.zeros((n_nodes, feat.shape[1]), jnp.float32).at[dst].add(msgs)
    return agg * norm_dst[:, None] + b


def reference(in_feat, edge_index, W1, b1, W2, b2, W3, b3):
    src = edge_index[0]
    dst = edge_index[1]
    n = in_feat.shape[0]
    h = _graph_conv(in_feat, src, dst, W1, b1, n)
    h = jax.nn.relu(h)
    h = _graph_conv(h, src, dst, W2, b2, n)
    h = jax.nn.relu(h)
    h = _graph_conv(h, src, dst, W3, b3, n)
    h = jax.nn.sigmoid(h)
    h_clone = jnp.where(h >= 0.5, 1.0, 0.0)
    return (h, h_clone)

if __name__ == "__main__":
    import jax
    _d = setup_inputs()
    print(jax.jit(kernel)(*tuple(_d.values())))

</pallas_src>

<mosaic_0001>
#map = affine_map<(d0, d1) -> (0)>
module attributes {stable_mosaic.version = 14 : i64} {
  func.func @deg_kernel(%arg0: i32, %arg1: i32, %arg2: memref<640000xi32, #tpu.memory_space<hbm>>, %arg3: memref<2560000xf32, #tpu.memory_space<hbm>>, %arg4: memref<20000xi32, #tpu.memory_space<vmem>>, %arg5: memref<10240xf32, #tpu.memory_space<vmem>>, %arg6: memref<10240xf32, #tpu.memory_space<vmem>>, %arg7: memref<640xf32, #tpu.memory_space<vmem>>, %arg8: memref<5120xf32, #tpu.memory_space<vmem>>, %arg9: memref<16x10240xf32, #tpu.memory_space<vmem_shared>>, %arg10: memref<!tpu.dma_semaphore, #tpu.memory_space<semaphore_mem>>) attributes {dimension_semantics = [#tpu.dimension_semantics<core_parallel>, #tpu.dimension_semantics<subcore_parallel>], iteration_bounds = array<i64: 2, 16>, scalar_prefetch = 0 : i64, scratch_operands = 7 : i64, tpu.core_type = #tpu.core_type<sc_vector_subcore>, window_params = [{transform_indices = #map}, {transform_indices = #map}]} {
    %mul3A = arith.constant 320000 : i32
    %mul3A_0 = arith.muli %arg0, %mul3A : i32
    %mul3A_1 = arith.constant 20000 : i32
    %mul3A_2 = arith.muli %arg1, %mul3A_1 : i32
    %add3A = arith.addi %mul3A_0, %mul3A_2 : i32
    %dma_start3A = tpu.memref_slice %arg2[%add3A] : memref<640000xi32, #tpu.memory_space<hbm>> -> memref<20000xi32, #tpu.memory_space<hbm>>
    %dma_start3A_3 = tpu.memref_slice %arg2[%add3A] : memref<640000xi32, #tpu.memory_space<hbm>> -> memref<20000xi32, #tpu.memory_space<hbm>>
    tpu.enqueue_dma source(%dma_start3A_3 : memref<20000xi32, #tpu.memory_space<hbm>>) target(%arg4 : memref<20000xi32, #tpu.memory_space<vmem>>) target_semaphore(%arg10 : memref<!tpu.dma_semaphore, #tpu.memory_space<semaphore_mem>>)
    %scan3A = arith.constant 0 : i32
    %scan3A_4 = arith.constant 640 : i32
    %scan3A_5 = arith.addi %scan3A, %scan3A_4 : i32
    %scan3A_6 = arith.constant 1 : i32
    scf.for %scan3A_42 = %scan3A to %scan3A_5 step %scan3A_6  : i32 {
      %mul3A_43 = arith.constant 16 : i32
      %mul3A_44 = arith.muli %scan3A_42, %mul3A_43 : i32
      %add3A_45 = arith.constant 0 : i32
      %add3A_46 = arith.addi %add3A_45, %mul3A_44 : i32
      %broadcast_in_dim3A_47 = arith.constant 0.000000e+00 : f32
      %broadcast_in_dim3A_48 = vector.broadcast %broadcast_in_dim3A_47 : f32 to vector<16xf32>
      %swap3A = arith.index_cast %add3A_46 : i32 to index
      %swap3A_49 = tpu.vector_load %arg5[%swap3A] {strides = array<i32>} : memref<10240xf32, #tpu.memory_space<vmem>>, vector<16xf32>,
      tpu.vector_store %arg5[%swap3A], %broadcast_in_dim3A_48 {strides = array<i32>} : memref<10240xf32, #tpu.memory_space<vmem>>, vector<16xf32>,
    }
    %scan3A_7 = arith.constant 640 : i32
    %dma_wait3A = tpu.memref_slice %arg2[%add3A] : memref<640000xi32, #tpu.memory_space<hbm>> -> memref<20000xi32, #tpu.memory_space<hbm>>
    %dma_wait3A_8 = tpu.memref_slice %arg2[%add3A] : memref<640000xi32, #tpu.memory_space<hbm>> -> memref<20000xi32, #tpu.memory_space<hbm>>
    tpu.wait_dma2 semaphore(%arg10 : memref<!tpu.dma_semaphore, #tpu.memory_space<semaphore_mem>>) src(%dma_wait3A_8 : memref<20000xi32, #tpu.memory_space<hbm>>) dst(%arg4 : memref<20000xi32, #tpu.memory_space<vmem>>)
    %broadcast_in_dim3A = arith.constant 1.000000e+00 : f32
    %broadcast_in_dim3A_9 = vector.broadcast %broadcast_in_dim3A : f32 to vector<16xf32>
    %scan3A_10 = arith.constant 0 : i32
    %scan3A_11 = arith.constant 1250 : i32
    %scan3A_12 = arith.addi %scan3A_10, %scan3A_11 : i32
    %scan3A_13 = arith.constant 1 : i32
    scf.for %scan3A_42 = %scan3A_10 to %scan3A_12 step %scan3A_13  : i32 {
      %mul3A_43 = arith.constant 16 : i32
      %mul3A_44 = arith.muli %scan3A_42, %mul3A_43 : i32
      %add3A_45 = arith.constant 0 : i32
      %add3A_46 = arith.addi %add3A_45, %mul3A_44 : i32
      %get3A = arith.index_cast %add3A_46 : i32 to index
      %get3A_47 = tpu.vector_load %arg4[%get3A] {strides = array<i32>} : memref<20000xi32, #tpu.memory_space<vmem>>, vector<16xi32>,
      tpu.vector_store_idx %arg5[%get3A_47], %broadcast_in_dim3A_9 {add = true} : memref<10240xf32, #tpu.memory_space<vmem>>[vector<16xi32>], vector<16xf32>,
    }
    %scan3A_14 = arith.constant 1250 : i32
    "tpu.region"() ({
      %run_scoped3A_42 = tpu.sem_alloc : memref<!tpu.dma_semaphore, #tpu.memory_space<semaphore_mem>>
      %dma_start3A_43 = arith.constant 0 : i32
      %dma_start3A_44 = tpu.memref_slice %arg9[%arg1, %dma_start3A_43] : memref<16x10240xf32, #tpu.memory_space<vmem_shared>> -> memref<1x10240xf32, #tpu.memory_space<vmem_shared>>
      %dma_start3A_45 = tpu.memref_squeeze %dma_start3A_44 : memref<1x10240xf32, #tpu.memory_space<vmem_shared>> -> memref<10240xf32, #tpu.memory_space<vmem_shared>>
      %dma_start3A_46 = arith.constant 0 : i32
      %dma_start3A_47 = tpu.memref_slice %arg9[%arg1, %dma_start3A_46] : memref<16x10240xf32, #tpu.memory_space<vmem_shared>> -> memref<1x10240xf32, #tpu.memory_space<vmem_shared>>
      %dma_start3A_48 = tpu.memref_squeeze %dma_start3A_47 : memref<1x10240xf32, #tpu.memory_space<vmem_shared>> -> memref<10240xf32, #tpu.memory_space<vmem_shared>>
      tpu.enqueue_dma source(%arg5 : memref<10240xf32, #tpu.memory_space<vmem>>) target(%dma_start3A_48 : memref<10240xf32, #tpu.memory_space<vmem_shared>>) target_semaphore(%run_scoped3A_42 : memref<!tpu.dma_semaphore, #tpu.memory_space<semaphore_mem>>)
      %dma_wait3A_49 = arith.constant 0 : i32
      %dma_wait3A_50 = tpu.memref_slice %arg9[%arg1, %dma_wait3A_49] : memref<16x10240xf32, #tpu.memory_space<vmem_shared>> -> memref<1x10240xf32, #tpu.memory_space<vmem_shared>>
      %dma_wait3A_51 = tpu.memref_squeeze %dma_wait3A_50 : memref<1x10240xf32, #tpu.memory_space<vmem_shared>> -> memref<10240xf32, #tpu.memory_space<vmem_shared>>
      %dma_wait3A_52 = arith.constant 0 : i32
      %dma_wait3A_53 = tpu.memref_slice %arg9[%arg1, %dma_wait3A_52] : memref<16x10240xf32, #tpu.memory_space<vmem_shared>> -> memref<1x10240xf32, #tpu.memory_space<vmem_shared>>
      %dma_wait3A_54 = tpu.memref_squeeze %dma_wait3A_53 : memref<1x10240xf32, #tpu.memory_space<vmem_shared>> -> memref<10240xf32, #tpu.memory_space<vmem_shared>>
      tpu.wait_dma2 semaphore(%run_scoped3A_42 : memref<!tpu.dma_semaphore, #tpu.memory_space<semaphore_mem>>) src(%arg5 : memref<10240xf32, #tpu.memory_space<vmem>>) dst(%dma_wait3A_54 : memref<10240xf32, #tpu.memory_space<vmem_shared>>)
      tpu.yield
    }) : () -> ()
    %barrier3A = arith.constant 0 : index
    tpu.barrier barrier_id(%barrier3A)
    %mul3A_15 = arith.constant 640 : i32
    %mul3A_16 = arith.muli %arg1, %mul3A_15 : i32
    %run_scoped3A = arith.constant 0 : i32
    "tpu.region"() ({
      %run_scoped3A_42 = tpu.sem_alloc : memref<!tpu.dma_semaphore, #tpu.memory_space<semaphore_mem>>
      %dma_start3A_43 = arith.constant 0 : i32
      %dma_start3A_44 = tpu.memref_slice %arg6[%dma_start3A_43] : memref<10240xf32, #tpu.memory_space<vmem>> -> memref<640xf32, #tpu.memory_space<vmem>>
      %dma_start3A_45 = tpu.memref_slice %arg9[%run_scoped3A, %mul3A_16] : memref<16x10240xf32, #tpu.memory_space<vmem_shared>> -> memref<1x640xf32, #tpu.memory_space<vmem_shared>>
      %dma_start3A_46 = tpu.memref_squeeze %dma_start3A_45 : memref<1x640xf32, #tpu.memory_space<vmem_shared>> -> memref<640xf32, #tpu.memory_space<vmem_shared>>
      %dma_start3A_47 = arith.constant 0 : i32
      %dma_start3A_48 = tpu.memref_slice %arg6[%dma_start3A_47] : memref<10240xf32, #tpu.memory_space<vmem>> -> memref<640xf32, #tpu.memory_space<vmem>>
      %dma_start3A_49 = tpu.memref_slice %arg9[%run_scoped3A, %mul3A_16] : memref<16x10240xf32, #tpu.memory_space<vmem_shared>> -> memref<1x640xf32, #tpu.memory_space<vmem_shared>>
      %dma_start3A_50 = tpu.memref_squeeze %dma_start3A_49 : memref<1x640xf32, #tpu.memory_space<vmem_shared>> -> memref<640xf32, #tpu.memory_space<vmem_shared>>
      tpu.enqueue_dma source(%dma_start3A_50 : memref<640xf32, #tpu.memory_space<vmem_shared>>) target(%dma_start3A_48 : memref<640xf32, #tpu.memory_space<vmem>>) target_semaphore(%run_scoped3A_42 : memref<!tpu.dma_semaphore, #tpu.memory_space<semaphore_mem>>)
      %dma_wait3A_51 = arith.constant 0 : i32
      %dma_wait3A_52 = tpu.memref_slice %arg6[%dma_wait3A_51] : memref<10240xf32, #tpu.memory_space<vmem>> -> memref<640xf32, #tpu.memory_space<vmem>>
      %dma_wait3A_53 = tpu.memref_slice %arg9[%run_scoped3A, %mul3A_16] : memref<16x10240xf32, #tpu.memory_space<vmem_shared>> -> memref<1x640xf32, #tpu.memory_space<vmem_shared>>
      %dma_wait3A_54 = tpu.memref_squeeze %dma_wait3A_53 : memref<1x640xf32, #tpu.memory_space<vmem_shared>> -> memref<640xf32, #tpu.memory_space<vmem_shared>>
      %dma_wait3A_55 = arith.constant 0 : i32
      %dma_wait3A_56 = tpu.memref_slice %arg6[%dma_wait3A_55] : memref<10240xf32, #tpu.memory_space<vmem>> -> memref<640xf32, #tpu.memory_space<vmem>>
      %dma_wait3A_57 = tpu.memref_slice %arg9[%run_scoped3A, %mul3A_16] : memref<16x10240xf32, #tpu.memory_space<vmem_shared>> -> memref<1x640xf32, #tpu.memory_space<vmem_shared>>
      %dma_wait3A_58 = tpu.memref_squeeze %dma_wait3A_57 : memref<1x640xf32, #tpu.memory_space<vmem_shared>> -> memref<640xf32, #tpu.memory_space<vmem_shared>>
      tpu.wait_dma2 semaphore(%run_scoped3A_42 : memref<!tpu.dma_semaphore, #tpu.memory_space<semaphore_mem>>) src(%dma_wait3A_58 : memref<640xf32, #tpu.memory_space<vmem_shared>>) dst(%dma_wait3A_56 : memref<640xf32, #tpu.memory_space<vmem>>)
      tpu.yield
    }) : () -> ()
    %run_scoped3A_17 = arith.constant 1 : i32
    "tpu.region"() ({
      %run_scoped3A_42 = tpu.sem_alloc : memref<!tpu.dma_semaphore, #tpu.memory_space<semaphore_mem>>
      %dma_start3A_43 = arith.constant 640 : i32
      %dma_start3A_44 = tpu.memref_slice %arg6[%dma_start3A_43] : memref<10240xf32, #tpu.memory_space<vmem>> -> memref<640xf32, #tpu.memory_space<vmem>>
      %dma_start3A_45 = tpu.memref_slice %arg9[%run_scoped3A_17, %mul3A_16] : memref<16x10240xf32, #tpu.memory_space<vmem_shared>> -> memref<1x640xf32, #tpu.memory_space<vmem_shared>>
      %dma_start3A_46 = tpu.memref_squeeze %dma_start3A_45 : memref<1x640xf32, #tpu.memory_space<vmem_shared>> -> memref<640xf32, #tpu.memory_space<vmem_shared>>
      %dma_start3A_47 = arith.constant 640 : i32
      %dma_start3A_48 = tpu.memref_slice %arg6[%dma_start3A_47] : memref<10240xf32, #tpu.memory_space<vmem>> -> memref<640xf32, #tpu.memory_space<vmem>>
      %dma_start3A_49 = tpu.memref_slice %arg9[%run_scoped3A_17, %mul3A_16] : memref<16x10240xf32, #tpu.memory_space<vmem_shared>> -> memref<1x640xf32, #tpu.memory_space<vmem_shared>>
      %dma_start3A_50 = tpu.memref_squeeze %dma_start3A_49 : memref<1x640xf32, #tpu.memory_space<vmem_shared>> -> memref<640xf32, #tpu.memory_space<vmem_shared>>
      tpu.enqueue_dma source(%dma_start3A_50 : memref<640xf32, #tpu.memory_space<vmem_shared>>) target(%dma_start3A_48 : memref<640xf32, #tpu.memory_space<vmem>>) target_semaphore(%run_scoped3A_42 : memref<!tpu.dma_semaphore, #tpu.memory_space<semaphore_mem>>)
      %dma_wait3A_51 = arith.constant 640 : i32
      %dma_wait3A_52 = tpu.memref_slice %arg6[%dma_wait3A_51] : memref<10240xf32, #tpu.memory_space<vmem>> -> memref<640xf32, #tpu.memory_space<vmem>>
      %dma_wait3A_53 = tpu.memref_slice %arg9[%run_scoped3A_17, %mul3A_16] : memref<16x10240xf32, #tpu.memory_space<vmem_shared>> -> memref<1x640xf32, #tpu.memory_space<vmem_shared>>
      %dma_wait3A_54 = tpu.memref_squeeze %dma_wait3A_53 : memref<1x640xf32, #tpu.memory_space<vmem_shared>> -> memref<640xf32, #tpu.memory_space<vmem_shared>>
      %dma_wait3A_55 = arith.constant 640 : i32
      %dma_wait3A_56 = tpu.memref_slice %arg6[%dma_wait3A_55] : memref<10240xf32, #tpu.memory_space<vmem>> -> memref<640xf32, #tpu.memory_space<vmem>>
      %dma_wait3A_57 = tpu.memref_slice %arg9[%run_scoped3A_17, %mul3A_16] : memref<16x10240xf32, #tpu.memory_space<vmem_shared>> -> memref<1x640xf32, #tpu.memory_space<vmem_shared>>
      %dma_wait3A_58 = tpu.memref_squeeze %dma_wait3A_57 : memref<1x640xf32, #tpu.memory_space<vmem_shared>> -> memref<640xf32, #tpu.memory_space<vmem_shared>>
      tpu.wait_dma2 semaphore(%run_scoped3A_42 : memref<!tpu.dma_semaphore, #tpu.memory_space<semaphore_mem>>) src(%dma_wait3A_58 : memref<640xf32, #tpu.memory_space<vmem_shared>>) dst(%dma_wait3A_56 : memref<640xf32, #tpu.memory_space<vmem>>)
      tpu.yield
    }) : () -> ()
    %run_scoped3A_18 = arith.constant 2 : i32
    "tpu.region"() ({
      %run_scoped3A_42 = tpu.sem_alloc : memref<!tpu.dma_semaphore, #tpu.memory_space<semaphore_mem>>
      %dma_start3A_43 = arith.constant 1280 : i32
      %dma_start3A_44 = tpu.memref_slice %arg6[%dma_start3A_43] : memref<10240xf32, #tpu.memory_space<vmem>> -> memref<640xf32, #tpu.memory_space<vmem>>
      %dma_start3A_45 = tpu.memref_slice %arg9[%run_scoped3A_18, %mul3A_16] : memref<16x10240xf32, #tpu.memory_space<vmem_shared>> -> memref<1x640xf32, #tpu.memory_space<vmem_shared>>
      %dma_start3A_46 = tpu.memref_squeeze %dma_start3A_45 : memref<1x640xf32, #tpu.memory_space<vmem_shared>> -> memref<640xf32, #tpu.memory_space<vmem_shared>>
      %dma_start3A_47 = arith.constant 1280 : i32
      %dma_start3A_48 = tpu.memref_slice %arg6[%dma_start3A_47] : memref<10240xf32, #tpu.memory_space<vmem>> -> memref<640xf32, #tpu.memory_space<vmem>>
      %dma_start3A_49 = tpu.memref_slice %arg9[%run_scoped3A_18, %mul3A_16] : memref<16x10240xf32, #tpu.memory_space<vmem_shared>> -> memref<1x640xf32, #tpu.memory_space<vmem_shared>>
      %dma_start3A_50 = tpu.memref_squeeze %dma_start3A_49 : memref<1x640xf32, #tpu.memory_space<vmem_shared>> -> memref<640xf32, #tpu.memory_space<vmem_shared>>
      tpu.enqueue_dma source(%dma_start3A_50 : memref<640xf32, #tpu.memory_space<vmem_shared>>) target(%dma_start3A_48 : memref<640xf32, #tpu.memory_space<vmem>>) target_semaphore(%run_scoped3A_42 : memref<!tpu.dma_semaphore, #tpu.memory_space<semaphore_mem>>)
      %dma_wait3A_51 = arith.constant 1280 : i32
      %dma_wait3A_52 = tpu.memref_slice %arg6[%dma_wait3A_51] : memref<10240xf32, #tpu.memory_space<vmem>> -> memref<640xf32, #tpu.memory_space<vmem>>
      %dma_wait3A_53 = tpu.memref_slice %arg9[%run_scoped3A_18, %mul3A_16] : memref<16x10240xf32, #tpu.memory_space<vmem_shared>> -> memref<1x640xf32, #tpu.memory_space<vmem_shared>>
      %dma_wait3A_54 = tpu.memref_squeeze %dma_wait3A_53 : memref<1x640xf32, #tpu.memory_space<vmem_shared>> -> memref<640xf32, #tpu.memory_space<vmem_shared>>
      %dma_wait3A_55 = arith.constant 1280 : i32
      %dma_wait3A_56 = tpu.memref_slice %arg6[%dma_wait3A_55] : memref<10240xf32, #tpu.memory_space<vmem>> -> memref<640xf32, #tpu.memory_space<vmem>>
      %dma_wait3A_57 = tpu.memref_slice %arg9[%run_scoped3A_18, %mul3A_16] : memref<16x10240xf32, #tpu.memory_space<vmem_shared>> -> memref<1x640xf32, #tpu.memory_space<vmem_shared>>
      %dma_wait3A_58 = tpu.memref_squeeze %dma_wait3A_57 : memref<1x640xf32, #tpu.memory_space<vmem_shared>> -> memref<640xf32, #tpu.memory_space<vmem_shared>>
      tpu.wait_dma2 semaphore(%run_scoped3A_42 : memref<!tpu.dma_semaphore, #tpu.memory_space<semaphore_mem>>) src(%dma_wait3A_58 : memref<640xf32, #tpu.memory_space<vmem_shared>>) dst(%dma_wait3A_56 : memref<640xf32, #tpu.memory_space<vmem>>)
      tpu.yield
    }) : () -> ()
    %run_scoped3A_19 = arith.constant 3 : i32
    "tpu.region"() ({
      %run_scoped3A_42 = tpu.sem_alloc : memref<!tpu.dma_semaphore, #tpu.memory_space<semaphore_mem>>
      %dma_start3A_43 = arith.constant 1920 : i32
      %dma_start3A_44 = tpu.memref_slice %arg6[%dma_start3A_43] : memref<10240xf32, #tpu.memory_space<vmem>> -> memref<640xf32, #tpu.memory_space<vmem>>
      %dma_start3A_45 = tpu.memref_slice %arg9[%run_scoped3A_19, %mul3A_16] : memref<16x10240xf32, #tpu.memory_space<vmem_shared>> -> memref<1x640xf32, #tpu.memory_space<vmem_shared>>
      %dma_start3A_46 = tpu.memref_squeeze %dma_start3A_45 : memref<1x640xf32, #tpu.memory_space<vmem_shared>> -> memref<640xf32, #tpu.memory_space<vmem_shared>>
      %dma_start3A_47 = arith.constant 1920 : i32
      %dma_start3A_48 = tpu.memref_slice %arg6[%dma_start3A_47] : memref<10240xf32, #tpu.memory_space<vmem>> -> memref<640xf32, #tpu.memory_space<vmem>>
      %dma_start3A_49 = tpu.memref_slice %arg9[%run_scoped3A_19, %mul3A_16] : memref<16x10240xf32, #tpu.memory_space<vmem_shared>> -> memref<1x640xf32, #tpu.memory_space<vmem_shared>>
      %dma_start3A_50 = tpu.memref_squeeze %dma_start3A_49 : memref<1x640xf32, #tpu.memory_space<vmem_shared>> -> memref<640xf32, #tpu.memory_space<vmem_shared>>
      tpu.enqueue_dma source(%dma_start3A_50 : memref<640xf32, #tpu.memory_space<vmem_shared>>) target(%dma_start3A_48 : memref<640xf32, #tpu.memory_space<vmem>>) target_semaphore(%run_scoped3A_42 : memref<!tpu.dma_semaphore, #tpu.memory_space<semaphore_mem>>)
      %dma_wait3A_51 = arith.constant 1920 : i32
      %dma_wait3A_52 = tpu.memref_slice %arg6[%dma_wait3A_51] : memref<10240xf32, #tpu.memory_space<vmem>> -> memref<640xf32, #tpu.memory_space<vmem>>
      %dma_wait3A_53 = tpu.memref_slice %arg9[%run_scoped3A_19, %mul3A_16] : memref<16x10240xf32, #tpu.memory_space<vmem_shared>> -> memref<1x640xf32, #tpu.memory_space<vmem_shared>>
      %dma_wait3A_54 = tpu.memref_squeeze %dma_wait3A_53 : memref<1x640xf32, #tpu.memory_space<vmem_shared>> -> memref<640xf32, #tpu.memory_space<vmem_shared>>
      %dma_wait3A_55 = arith.constant 1920 : i32
      %dma_wait3A_56 = tpu.memref_slice %arg6[%dma_wait3A_55] : memref<10240xf32, #tpu.memory_space<vmem>> -> memref<640xf32, #tpu.memory_space<vmem>>
      %dma_wait3A_57 = tpu.memref_slice %arg9[%run_scoped3A_19, %mul3A_16] : memref<16x10240xf32, #tpu.memory_space<vmem_shared>> -> memref<1x640xf32, #tpu.memory_space<vmem_shared>>
      %dma_wait3A_58 = tpu.memref_squeeze %dma_wait3A_57 : memref<1x640xf32, #tpu.memory_space<vmem_shared>> -> memref<640xf32, #tpu.memory_space<vmem_shared>>
      tpu.wait_dma2 semaphore(%run_scoped3A_42 : memref<!tpu.dma_semaphore, #tpu.memory_space<semaphore_mem>>) src(%dma_wait3A_58 : memref<640xf32, #tpu.memory_space<vmem_shared>>) dst(%dma_wait3A_56 : memref<640xf32, #tpu.memory_space<vmem>>)
      tpu.yield
    }) : () -> ()
    %run_scoped3A_20 = arith.constant 4 : i32
    "tpu.region"() ({
      %run_scoped3A_42 = tpu.sem_alloc : memref<!tpu.dma_semaphore, #tpu.memory_space<semaphore_mem>>
      %dma_start3A_43 = arith.constant 2560 : i32
      %dma_start3A_44 = tpu.memref_slice %arg6[%dma_start3A_43] : memref<10240xf32, #tpu.memory_space<vmem>> -> memref<640xf32, #tpu.memory_space<vmem>>
      %dma_start3A_45 = tpu.memref_slice %arg9[%run_scoped3A_20, %mul3A_16] : memref<16x10240xf32, #tpu.memory_space<vmem_shared>> -> memref<1x640xf32, #tpu.memory_space<vmem_shared>>
      %dma_start3A_46 = tpu.memref_squeeze %dma_start3A_45 : memref<1x640xf32, #tpu.memory_space<vmem_shared>> -> memref<640xf32, #tpu.memory_space<vmem_shared>>
      %dma_start3A_47 = arith.constant 2560 : i32
      %dma_start3A_48 = tpu.memref_slice %arg6[%dma_start3A_47] : memref<10240xf32, #tpu.memory_space<vmem>> -> memref<640xf32, #tpu.memory_space<vmem>>
      %dma_start3A_49 = tpu.memref_slice %arg9[%run_scoped3A_20, %mul3A_16] : memref<16x10240xf32, #tpu.memory_space<vmem_shared>> -> memref<1x640xf32, #tpu.memory_space<vmem_shared>>
      %dma_start3A_50 = tpu.memref_squeeze %dma_start3A_49 : memref<1x640xf32, #tpu.memory_space<vmem_shared>> -> memref<640xf32, #tpu.memory_space<vmem_shared>>
      tpu.enqueue_dma source(%dma_start3A_50 : memref<640xf32, #tpu.memory_space<vmem_shared>>) target(%dma_start3A_48 : memref<640xf32, #tpu.memory_space<vmem>>) target_semaphore(%run_scoped3A_42 : memref<!tpu.dma_semaphore, #tpu.memory_space<semaphore_mem>>)
      %dma_wait3A_51 = arith.constant 2560 : i32
      %dma_wait3A_52 = tpu.memref_slice %arg6[%dma_wait3A_51] : memref<10240xf32, #tpu.memory_space<vmem>> -> memref<640xf32, #tpu.memory_space<vmem>>
      %dma_wait3A_53 = tpu.memref_slice %arg9[%run_scoped3A_20, %mul3A_16] : memref<16x10240xf32, #tpu.memory_space<vmem_shared>> -> memref<1x640xf32, #tpu.memory_space<vmem_shared>>
      %dma_wait3A_54 = tpu.memref_squeeze %dma_wait3A_53 : memref<1x640xf32, #tpu.memory_space<vmem_shared>> -> memref<640xf32, #tpu.memory_space<vmem_shared>>
      %dma_wait3A_55 = arith.constant 2560 : i32
      %dma_wait3A_56 = tpu.memref_slice %arg6[%dma_wait3A_55] : memref<10240xf32, #tpu.memory_space<vmem>> -> memref<640xf32, #tpu.memory_space<vmem>>
      %dma_wait3A_57 = tpu.memref_slice %arg9[%run_scoped3A_20, %mul3A_16] : memref<16x10240xf32, #tpu.memory_space<vmem_shared>> -> memref<1x640xf32, #tpu.memory_space<vmem_shared>>
      %dma_wait3A_58 = tpu.memref_squeeze %dma_wait3A_57 : memref<1x640xf32, #tpu.memory_space<vmem_shared>> -> memref<640xf32, #tpu.memory_space<vmem_shared>>
      tpu.wait_dma2 semaphore(%run_scoped3A_42 : memref<!tpu.dma_semaphore, #tpu.memory_space<semaphore_mem>>) src(%dma_wait3A_58 : memref<640xf32, #tpu.memory_space<vmem_shared>>) dst(%dma_wait3A_56 : memref<640xf32, #tpu.memory_space<vmem>>)
      tpu.yield
    }) : () -> ()
    %run_scoped3A_21 = arith.constant 5 : i32
    "tpu.region"() ({
      %run_scoped3A_42 = tpu.sem_alloc : memref<!tpu.dma_semaphore, #tpu.memory_space<semaphore_mem>>
      %dma_start3A_43 = arith.constant 3200 : i32
      %dma_start3A_44 = tpu.memref_slice %arg6[%dma_start3A_43] : memref<10240xf32, #tpu.memory_space<vmem>> -> memref<640xf32, #tpu.memory_space<vmem>>
      %dma_start3A_45 = tpu.memref_slice %arg9[%run_scoped3A_21, %mul3A_16] : memref<16x10240xf32, #tpu.memory_space<vmem_shared>> -> memref<1x640xf32, #tpu.memory_space<vmem_shared>>
      %dma_start3A_46 = tpu.memref_squeeze %dma_start3A_45 : memref<1x640xf32, #tpu.memory_space<vmem_shared>> -> memref<640xf32, #tpu.memory_space<vmem_shared>>
      %dma_start3A_47 = arith.constant 3200 : i32
      %dma_start3A_48 = tpu.memref_slice %arg6[%dma_start3A_47] : memref<10240xf32, #tpu.memory_space<vmem>> -> memref<640xf32, #tpu.memory_space<vmem>>
      %dma_start3A_49 = tpu.memref_slice %arg9[%run_scoped3A_21, %mul3A_16] : memref<16x10240xf32, #tpu.memory_space<vmem_shared>> -> memref<1x640xf32, #tpu.memory_space<vmem_shared>>
      %dma_start3A_50 = tpu.memref_squeeze %dma_start3A_49 : memref<1x640xf32, #tpu.memory_space<vmem_shared>> -> memref<640xf32, #tpu.memory_space<vmem_shared>>
      tpu.enqueue_dma source(%dma_start3A_50 : memref<640xf32, #tpu.memory_space<vmem_shared>>) target(%dma_start3A_48 : memref<640xf32, #tpu.memory_space<vmem>>) target_semaphore(%run_scoped3A_42 : memref<!tpu.dma_semaphore, #tpu.memory_space<semaphore_mem>>)
      %dma_wait3A_51 = arith.constant 3200 : i32
      %dma_wait3A_52 = tpu.memref_slice %arg6[%dma_wait3A_51] : memref<10240xf32, #tpu.memory_space<vmem>> -> memref<640xf32, #tpu.memory_space<vmem>>
      %dma_wait3A_53 = tpu.memref_slice %arg9[%run_scoped3A_21, %mul3A_16] : memref<16x10240xf32, #tpu.memory_space<vmem_shared>> -> memref<1x640xf32, #tpu.memory_space<vmem_shared>>
      %dma_wait3A_54 = tpu.memref_squeeze %dma_wait3A_53 : memref<1x640xf32, #tpu.memory_space<vmem_shared>> -> memref<640xf32, #tpu.memory_space<vmem_shared>>
      %dma_wait3A_55 = arith.constant 3200 : i32
      %dma_wait3A_56 = tpu.memref_slice %arg6[%dma_wait3A_55] : memref<10240xf32, #tpu.memory_space<vmem>> -> memref<640xf32, #tpu.memory_space<vmem>>
      %dma_wait3A_57 = tpu.memref_slice %arg9[%run_scoped3A_21, %mul3A_16] : memref<16x10240xf32, #tpu.memory_space<vmem_shared>> -> memref<1x640xf32, #tpu.memory_space<vmem_shared>>
      %dma_wait3A_58 = tpu.memref_squeeze %dma_wait3A_57 : memref<1x640xf32, #tpu.memory_space<vmem_shared>> -> memref<640xf32, #tpu.memory_space<vmem_shared>>
      tpu.wait_dma2 semaphore(%run_scoped3A_42 : memref<!tpu.dma_semaphore, #tpu.memory_space<semaphore_mem>>) src(%dma_wait3A_58 : memref<640xf32, #tpu.memory_space<vmem_shared>>) dst(%dma_wait3A_56 : memref<640xf32, #tpu.memory_space<vmem>>)
      tpu.yield
    }) : () -> ()
    %run_scoped3A_22 = arith.constant 6 : i32
    "tpu.region"() ({
      %run_scoped3A_42 = tpu.sem_alloc : memref<!tpu.dma_semaphore, #tpu.memory_space<semaphore_mem>>
      %dma_start3A_43 = arith.constant 3840 : i32
      %dma_start3A_44 = tpu.memref_slice %arg6[%dma_start3A_43] : memref<10240xf32, #tpu.memory_space<vmem>> -> memref<640xf32, #tpu.memory_space<vmem>>
      %dma_start3A_45 = tpu.memref_slice %arg9[%run_scoped3A_22, %mul3A_16] : memref<16x10240xf32, #tpu.memory_space<vmem_shared>> -> memref<1x640xf32, #tpu.memory_space<vmem_shared>>
      %dma_start3A_46 = tpu.memref_squeeze %dma_start3A_45 : memref<1x640xf32, #tpu.memory_space<vmem_shared>> -> memref<640xf32, #tpu.memory_space<vmem_shared>>
      %dma_start3A_47 = arith.constant 3840 : i32
      %dma_start3A_48 = tpu.memref_slice %arg6[%dma_start3A_47] : memref<10240xf32, #tpu.memory_space<vmem>> -> memref<640xf32, #tpu.memory_space<vmem>>
      %dma_start3A_49 = tpu.memref_slice %arg9[%run_scoped3A_22, %mul3A_16] : memref<16x10240xf32, #tpu.memory_space<vmem_shared>> -> memref<1x640xf32, #tpu.memory_space<vmem_shared>>
      %dma_start3A_50 = tpu.memref_squeeze %dma_start3A_49 : memref<1x640xf32, #tpu.memory_space<vmem_shared>> -> memref<640xf32, #tpu.memory_space<vmem_shared>>
      tpu.enqueue_dma source(%dma_start3A_50 : memref<640xf32, #tpu.memory_space<vmem_shared>>) target(%dma_start3A_48 : memref<640xf32, #tpu.memory_space<vmem>>) target_semaphore(%run_scoped3A_42 : memref<!tpu.dma_semaphore, #tpu.memory_space<semaphore_mem>>)
      %dma_wait3A_51 = arith.constant 3840 : i32
      %dma_wait3A_52 = tpu.memref_slice %arg6[%dma_wait3A_51] : memref<10240xf32, #tpu.memory_space<vmem>> -> memref<640xf32, #tpu.memory_space<vmem>>
      %dma_wait3A_53 = tpu.memref_slice %arg9[%run_scoped3A_22, %mul3A_16] : memref<16x10240xf32, #tpu.memory_space<vmem_shared>> -> memref<1x640xf32, #tpu.memory_space<vmem_shared>>
      %dma_wait3A_54 = tpu.memref_squeeze %dma_wait3A_53 : memref<1x640xf32, #tpu.memory_space<vmem_shared>> -> memref<640xf32, #tpu.memory_space<vmem_shared>>
      %dma_wait3A_55 = arith.constant 3840 : i32
      %dma_wait3A_56 = tpu.memref_slice %arg6[%dma_wait3A_55] : memref<10240xf32, #tpu.memory_space<vmem>> -> memref<640xf32, #tpu.memory_space<vmem>>
      %dma_wait3A_57 = tpu.memref_slice %arg9[%run_scoped3A_22, %mul3A_16] : memref<16x10240xf32, #tpu.memory_space<vmem_shared>> -> memref<1x640xf32, #tpu.memory_space<vmem_shared>>
      %dma_wait3A_58 = tpu.memref_squeeze %dma_wait3A_57 : memref<1x640xf32, #tpu.memory_space<vmem_shared>> -> memref<640xf32, #tpu.memory_space<vmem_shared>>
      tpu.wait_dma2 semaphore(%run_scoped3A_42 : memref<!tpu.dma_semaphore, #tpu.memory_space<semaphore_mem>>) src(%dma_wait3A_58 : memref<640xf32, #tpu.memory_space<vmem_shared>>) dst(%dma_wait3A_56 : memref<640xf32, #tpu.memory_space<vmem>>)
      tpu.yield
    }) : () -> ()
    %run_scoped3A_23 = arith.constant 7 : i32
    "tpu.region"() ({
      %run_scoped3A_42 = tpu.sem_alloc : memref<!tpu.dma_semaphore, #tpu.memory_space<semaphore_mem>>
      %dma_start3A_43 = arith.constant 4480 : i32
      %dma_start3A_44 = tpu.memref_slice %arg6[%dma_start3A_43] : memref<10240xf32, #tpu.memory_space<vmem>> -> memref<640xf32, #tpu.memory_space<vmem>>
      %dma_start3A_45 = tpu.memref_slice %arg9[%run_scoped3A_23, %mul3A_16] : memref<16x10240xf32, #tpu.memory_space<vmem_shared>> -> memref<1x640xf32, #tpu.memory_space<vmem_shared>>
      %dma_start3A_46 = tpu.memref_squeeze %dma_start3A_45 : memref<1x640xf32, #tpu.memory_space<vmem_shared>> -> memref<640xf32, #tpu.memory_space<vmem_shared>>
      %dma_start3A_47 = arith.constant 4480 : i32
      %dma_start3A_48 = tpu.memref_slice %arg6[%dma_start3A_47] : memref<10240xf32, #tpu.memory_space<vmem>> -> memref<640xf32, #tpu.memory_space<vmem>>
      %dma_start3A_49 = tpu.memref_slice %arg9[%run_scoped3A_23, %mul3A_16] : memref<16x10240xf32, #tpu.memory_space<vmem_shared>> -> memref<1x640xf32, #tpu.memory_space<vmem_shared>>
      %dma_start3A_50 = tpu.memref_squeeze %dma_start3A_49 : memref<1x640xf32, #tpu.memory_space<vmem_shared>> -> memref<640xf32, #tpu.memory_space<vmem_shared>>
      tpu.enqueue_dma source(%dma_start3A_50 : memref<640xf32, #tpu.memory_space<vmem_shared>>) target(%dma_start3A_48 : memref<640xf32, #tpu.memory_space<vmem>>) target_semaphore(%run_scoped3A_42 : memref<!tpu.dma_semaphore, #tpu.memory_space<semaphore_mem>>)
      %dma_wait3A_51 = arith.constant 4480 : i32
      %dma_wait3A_52 = tpu.memref_slice %arg6[%dma_wait3A_51] : memref<10240xf32, #tpu.memory_space<vmem>> -> memref<640xf32, #tpu.memory_space<vmem>>
      %dma_wait3A_53 = tpu.memref_slice %arg9[%run_scoped3A_23, %mul3A_16] : memref<16x10240xf32, #tpu.memory_space<vmem_shared>> -> memref<1x640xf32, #tpu.memory_space<vmem_shared>>
      %dma_wait3A_54 = tpu.memref_squeeze %dma_wait3A_53 : memref<1x640xf32, #tpu.memory_space<vmem_shared>> -> memref<640xf32, #tpu.memory_space<vmem_shared>>
      %dma_wait3A_55 = arith.constant 4480 : i32
      %dma_wait3A_56 = tpu.memref_slice %arg6[%dma_wait3A_55] : memref<10240xf32, #tpu.memory_space<vmem>> -> memref<640xf32, #tpu.memory_space<vmem>>
      %dma_wait3A_57 = tpu.memref_slice %arg9[%run_scoped3A_23, %mul3A_16] : memref<16x10240xf32, #tpu.memory_space<vmem_shared>> -> memref<1x640xf32, #tpu.memory_space<vmem_shared>>
      %dma_wait3A_58 = tpu.memref_squeeze %dma_wait3A_57 : memref<1x640xf32, #tpu.memory_space<vmem_shared>> -> memref<640xf32, #tpu.memory_space<vmem_shared>>
      tpu.wait_dma2 semaphore(%run_scoped3A_42 : memref<!tpu.dma_semaphore, #tpu.memory_space<semaphore_mem>>) src(%dma_wait3A_58 : memref<640xf32, #tpu.memory_space<vmem_shared>>) dst(%dma_wait3A_56 : memref<640xf32, #tpu.memory_space<vmem>>)
      tpu.yield
    }) : () -> ()
    %run_scoped3A_24 = arith.constant 8 : i32
    "tpu.region"() ({
      %run_scoped3A_42 = tpu.sem_alloc : memref<!tpu.dma_semaphore, #tpu.memory_space<semaphore_mem>>
      %dma_start3A_43 = arith.constant 5120 : i32
      %dma_start3A_44 = tpu.memref_slice %arg6[%dma_start3A_43] : memref<10240xf32, #tpu.memory_space<vmem>> -> memref<640xf32, #tpu.memory_space<vmem>>
      %dma_start3A_45 = tpu.memref_slice %arg9[%run_scoped3A_24, %mul3A_16] : memref<16x10240xf32, #tpu.memory_space<vmem_shared>> -> memref<1x640xf32, #tpu.memory_space<vmem_shared>>
      %dma_start3A_46 = tpu.memref_squeeze %dma_start3A_45 : memref<1x640xf32, #tpu.memory_space<vmem_shared>> -> memref<640xf32, #tpu.memory_space<vmem_shared>>
      %dma_start3A_47 = arith.constant 5120 : i32
      %dma_start3A_48 = tpu.memref_slice %arg6[%dma_start3A_47] : memref<10240xf32, #tpu.memory_space<vmem>> -> memref<640xf32, #tpu.memory_space<vmem>>
      %dma_start3A_49 = tpu.memref_slice %arg9[%run_scoped3A_24, %mul3A_16] : memref<16x10240xf32, #tpu.memory_space<vmem_shared>> -> memref<1x640xf32, #tpu.memory_space<vmem_shared>>
      %dma_start3A_50 = tpu.memref_squeeze %dma_start3A_49 : memref<1x640xf32, #tpu.memory_space<vmem_shared>> -> memref<640xf32, #tpu.memory_space<vmem_shared>>
      tpu.enqueue_dma source(%dma_start3A_50 : memref<640xf32, #tpu.memory_space<vmem_shared>>) target(%dma_start3A_48 : memref<640xf32, #tpu.memory_space<vmem>>) target_semaphore(%run_scoped3A_42 : memref<!tpu.dma_semaphore, #tpu.memory_space<semaphore_mem>>)
      %dma_wait3A_51 = arith.constant 5120 : i32
      %dma_wait3A_52 = tpu.memref_slice %arg6[%dma_wait3A_51] : memref<10240xf32, #tpu.memory_space<vmem>> -> memref<640xf32, #tpu.memory_space<vmem>>
      %dma_wait3A_53 = tpu.memref_slice %arg9[%run_scoped3A_24, %mul3A_16] : memref<16x10240xf32, #tpu.memory_space<vmem_shared>> -> memref<1x640xf32, #tpu.memory_space<vmem_shared>>
      %dma_wait3A_54 = tpu.memref_squeeze %dma_wait3A_53 : memref<1x640xf32, #tpu.memory_space<vmem_shared>> -> memref<640xf32, #tpu.memory_space<vmem_shared>>
      %dma_wait3A_55 = arith.constant 5120 : i32
      %dma_wait3A_56 = tpu.memref_slice %arg6[%dma_wait3A_55] : memref<10240xf32, #tpu.memory_space<vmem>> -> memref<640xf32, #tpu.memory_space<vmem>>
      %dma_wait3A_57 = tpu.memref_slice %arg9[%run_scoped3A_24, %mul3A_16] : memref<16x10240xf32, #tpu.memory_space<vmem_shared>> -> memref<1x640xf32, #tpu.memory_space<vmem_shared>>
      %dma_wait3A_58 = tpu.memref_squeeze %dma_wait3A_57 : memref<1x640xf32, #tpu.memory_space<vmem_shared>> -> memref<640xf32, #tpu.memory_space<vmem_shared>>
      tpu.wait_dma2 semaphore(%run_scoped3A_42 : memref<!tpu.dma_semaphore, #tpu.memory_space<semaphore_mem>>) src(%dma_wait3A_58 : memref<640xf32, #tpu.memory_space<vmem_shared>>) dst(%dma_wait3A_56 : memref<640xf32, #tpu.memory_space<vmem>>)
      tpu.yield
    }) : () -> ()
    %run_scoped3A_25 = arith.constant 9 : i32
    "tpu.region"() ({
      %run_scoped3A_42 = tpu.sem_alloc : memref<!tpu.dma_semaphore, #tpu.memory_space<semaphore_mem>>
      %dma_start3A_43 = arith.constant 5760 : i32
      %dma_start3A_44 = tpu.memref_slice %arg6[%dma_start3A_43] : memref<10240xf32, #tpu.memory_space<vmem>> -> memref<640xf32, #tpu.memory_space<vmem>>
      %dma_start3A_45 = tpu.memref_slice %arg9[%run_scoped3A_25, %mul3A_16] : memref<16x10240xf32, #tpu.memory_space<vmem_shared>> -> memref<1x640xf32, #tpu.memory_space<vmem_shared>>
      %dma_start3A_46 = tpu.memref_squeeze %dma_start3A_45 : memref<1x640xf32, #tpu.memory_space<vmem_shared>> -> memref<640xf32, #tpu.memory_space<vmem_shared>>
      %dma_start3A_47 = arith.constant 5760 : i32
      %dma_start3A_48 = tpu.memref_slice %arg6[%dma_start3A_47] : memref<10240xf32, #tpu.memory_space<vmem>> -> memref<640xf32, #tpu.memory_space<vmem>>
      %dma_start3A_49 = tpu.memref_slice %arg9[%run_scoped3A_25, %mul3A_16] : memref<16x10240xf32, #tpu.memory_space<vmem_shared>> -> memref<1x640xf32, #tpu.memory_space<vmem_shared>>
      %dma_start3A_50 = tpu.memref_squeeze %dma_start3A_49 : memref<1x640xf32, #tpu.memory_space<vmem_shared>> -> memref<640xf32, #tpu.memory_space<vmem_shared>>
      tpu.enqueue_dma source(%dma_start3A_50 : memref<640xf32, #tpu.memory_space<vmem_shared>>) target(%dma_start3A_48 : memref<640xf32, #tpu.memory_space<vmem>>) target_semaphore(%run_scoped3A_42 : memref<!tpu.dma_semaphore, #tpu.memory_space<semaphore_mem>>)
      %dma_wait3A_51 = arith.constant 5760 : i32
      %dma_wait3A_52 = tpu.memref_slice %arg6[%dma_wait3A_51] : memref<10240xf32, #tpu.memory_space<vmem>> -> memref<640xf32, #tpu.memory_space<vmem>>
      %dma_wait3A_53 = tpu.memref_slice %arg9[%run_scoped3A_25, %mul3A_16] : memref<16x10240xf32, #tpu.memory_space<vmem_shared>> -> memref<1x640xf32, #tpu.memory_space<vmem_shared>>
      %dma_wait3A_54 = tpu.memref_squeeze %dma_wait3A_53 : memref<1x640xf32, #tpu.memory_space<vmem_shared>> -> memref<640xf32, #tpu.memory_space<vmem_shared>>
      %dma_wait3A_55 = arith.constant 5760 : i32
      %dma_wait3A_56 = tpu.memref_slice %arg6[%dma_wait3A_55] : memref<10240xf32, #tpu.memory_space<vmem>> -> memref<640xf32, #tpu.memory_space<vmem>>
      %dma_wait3A_57 = tpu.memref_slice %arg9[%run_scoped3A_25, %mul3A_16] : memref<16x10240xf32, #tpu.memory_space<vmem_shared>> -> memref<1x640xf32, #tpu.memory_space<vmem_shared>>
      %dma_wait3A_58 = tpu.memref_squeeze %dma_wait3A_57 : memref<1x640xf32, #tpu.memory_space<vmem_shared>> -> memref<640xf32, #tpu.memory_space<vmem_shared>>
      tpu.wait_dma2 semaphore(%run_scoped3A_42 : memref<!tpu.dma_semaphore, #tpu.memory_space<semaphore_mem>>) src(%dma_wait3A_58 : memref<640xf32, #tpu.memory_space<vmem_shared>>) dst(%dma_wait3A_56 : memref<640xf32, #tpu.memory_space<vmem>>)
      tpu.yield
    }) : () -> ()
    %run_scoped3A_26 = arith.constant 10 : i32
    "tpu.region"() ({
      %run_scoped3A_42 = tpu.sem_alloc : memref<!tpu.dma_semaphore, #tpu.memory_space<semaphore_mem>>
      %dma_start3A_43 = arith.constant 6400 : i32
      %dma_start3A_44 = tpu.memref_slice %arg6[%dma_start3A_43] : memref<10240xf32, #tpu.memory_space<vmem>> -> memref<640xf32, #tpu.memory_space<vmem>>
      %dma_start3A_45 = tpu.memref_slice %arg9[%run_scoped3A_26, %mul3A_16] : memref<16x10240xf32, #tpu.memory_space<vmem_shared>> -> memref<1x640xf32, #tpu.memory_space<vmem_shared>>
      %dma_start3A_46 = tpu.memref_squeeze %dma_start3A_45 : memref<1x640xf32, #tpu.memory_space<vmem_shared>> -> memref<640xf32, #tpu.memory_space<vmem_shared>>
      %dma_start3A_47 = arith.constant 6400 : i32
      %dma_start3A_48 = tpu.memref_slice %arg6[%dma_start3A_47] : memref<10240xf32, #tpu.memory_space<vmem>> -> memref<640xf32, #tpu.memory_space<vmem>>
      %dma_start3A_49 = tpu.memref_slice %arg9[%run_scoped3A_26, %mul3A_16] : memref<16x10240xf32, #tpu.memory_space<vmem_shared>> -> memref<1x640xf32, #tpu.memory_space<vmem_shared>>
      %dma_start3A_50 = tpu.memref_squeeze %dma_start3A_49 : memref<1x640xf32, #tpu.memory_space<vmem_shared>> -> memref<640xf32, #tpu.memory_space<vmem_shared>>
      tpu.enqueue_dma source(%dma_start3A_50 : memref<640xf32, #tpu.memory_space<vmem_shared>>) target(%dma_start3A_48 : memref<640xf32, #tpu.memory_space<vmem>>) target_semaphore(%run_scoped3A_42 : memref<!tpu.dma_semaphore, #tpu.memory_space<semaphore_mem>>)
      %dma_wait3A_51 = arith.constant 6400 : i32
      %dma_wait3A_52 = tpu.memref_slice %arg6[%dma_wait3A_51] : memref<10240xf32, #tpu.memory_space<vmem>> -> memref<640xf32, #tpu.memory_space<vmem>>
      %dma_wait3A_53 = tpu.memref_slice %arg9[%run_scoped3A_26, %mul3A_16] : memref<16x10240xf32, #tpu.memory_space<vmem_shared>> -> memref<1x640xf32, #tpu.memory_space<vmem_shared>>
      %dma_wait3A_54 = tpu.memref_squeeze %dma_wait3A_53 : memref<1x640xf32, #tpu.memory_space<vmem_shared>> -> memref<640xf32, #tpu.memory_space<vmem_shared>>
      %dma_wait3A_55 = arith.constant 6400 : i32
      %dma_wait3A_56 = tpu.memref_slice %arg6[%dma_wait3A_55] : memref<10240xf32, #tpu.memory_space<vmem>> -> memref<640xf32, #tpu.memory_space<vmem>>
      %dma_wait3A_57 = tpu.memref_slice %arg9[%run_scoped3A_26, %mul3A_16] : memref<16x10240xf32, #tpu.memory_space<vmem_shared>> -> memref<1x640xf32, #tpu.memory_space<vmem_shared>>
      %dma_wait3A_58 = tpu.memref_squeeze %dma_wait3A_57 : memref<1x640xf32, #tpu.memory_space<vmem_shared>> -> memref<640xf32, #tpu.memory_space<vmem_shared>>
      tpu.wait_dma2 semaphore(%run_scoped3A_42 : memref<!tpu.dma_semaphore, #tpu.memory_space<semaphore_mem>>) src(%dma_wait3A_58 : memref<640xf32, #tpu.memory_space<vmem_shared>>) dst(%dma_wait3A_56 : memref<640xf32, #tpu.memory_space<vmem>>)
      tpu.yield
    }) : () -> ()
    %run_scoped3A_27 = arith.constant 11 : i32
    "tpu.region"() ({
      %run_scoped3A_42 = tpu.sem_alloc : memref<!tpu.dma_semaphore, #tpu.memory_space<semaphore_mem>>
      %dma_start3A_43 = arith.constant 7040 : i32
      %dma_start3A_44 = tpu.memref_slice %arg6[%dma_start3A_43] : memref<10240xf32, #tpu.memory_space<vmem>> -> memref<640xf32, #tpu.memory_space<vmem>>
      %dma_start3A_45 = tpu.memref_slice %arg9[%run_scoped3A_27, %mul3A_16] : memref<16x10240xf32, #tpu.memory_space<vmem_shared>> -> memref<1x640xf32, #tpu.memory_space<vmem_shared>>
      %dma_start3A_46 = tpu.memref_squeeze %dma_start3A_45 : memref<1x640xf32, #tpu.memory_space<vmem_shared>> -> memref<640xf32, #tpu.memory_space<vmem_shared>>
      %dma_start3A_47 = arith.constant 7040 : i32
      %dma_start3A_48 = tpu.memref_slice %arg6[%dma_start3A_47] : memref<10240xf32, #tpu.memory_space<vmem>> -> memref<640xf32, #tpu.memory_space<vmem>>
      %dma_start3A_49 = tpu.memref_slice %arg9[%run_scoped3A_27, %mul3A_16] : memref<16x10240xf32, #tpu.memory_space<vmem_shared>> -> memref<1x640xf32, #tpu.memory_space<vmem_shared>>
      %dma_start3A_50 = tpu.memref_squeeze %dma_start3A_49 : memref<1x640xf32, #tpu.memory_space<vmem_shared>> -> memref<640xf32, #tpu.memory_space<vmem_shared>>
      tpu.enqueue_dma source(%dma_start3A_50 : memref<640xf32, #tpu.memory_space<vmem_shared>>) target(%dma_start3A_48 : memref<640xf32, #tpu.memory_space<vmem>>) target_semaphore(%run_scoped3A_42 : memref<!tpu.dma_semaphore, #tpu.memory_space<semaphore_mem>>)
      %dma_wait3A_51 = arith.constant 7040 : i32
      %dma_wait3A_52 = tpu.memref_slice %arg6[%dma_wait3A_51] : memref<10240xf32, #tpu.memory_space<vmem>> -> memref<640xf32, #tpu.memory_space<vmem>>
      %dma_wait3A_53 = tpu.memref_slice %arg9[%run_scoped3A_27, %mul3A_16] : memref<16x10240xf32, #tpu.memory_space<vmem_shared>> -> memref<1x640xf32, #tpu.memory_space<vmem_shared>>
      %dma_wait3A_54 = tpu.memref_squeeze %dma_wait3A_53 : memref<1x640xf32, #tpu.memory_space<vmem_shared>> -> memref<640xf32, #tpu.memory_space<vmem_shared>>
      %dma_wait3A_55 = arith.constant 7040 : i32
      %dma_wait3A_56 = tpu.memref_slice %arg6[%dma_wait3A_55] : memref<10240xf32, #tpu.memory_space<vmem>> -> memref<640xf32, #tpu.memory_space<vmem>>
      %dma_wait3A_57 = tpu.memref_slice %arg9[%run_scoped3A_27, %mul3A_16] : memref<16x10240xf32, #tpu.memory_space<vmem_shared>> -> memref<1x640xf32, #tpu.memory_space<vmem_shared>>
      %dma_wait3A_58 = tpu.memref_squeeze %dma_wait3A_57 : memref<1x640xf32, #tpu.memory_space<vmem_shared>> -> memref<640xf32, #tpu.memory_space<vmem_shared>>
      tpu.wait_dma2 semaphore(%run_scoped3A_42 : memref<!tpu.dma_semaphore, #tpu.memory_space<semaphore_mem>>) src(%dma_wait3A_58 : memref<640xf32, #tpu.memory_space<vmem_shared>>) dst(%dma_wait3A_56 : memref<640xf32, #tpu.memory_space<vmem>>)
      tpu.yield
    }) : () -> ()
    %run_scoped3A_28 = arith.constant 12 : i32
    "tpu.region"() ({
      %run_scoped3A_42 = tpu.sem_alloc : memref<!tpu.dma_semaphore, #tpu.memory_space<semaphore_mem>>
      %dma_start3A_43 = arith.constant 7680 : i32
      %dma_start3A_44 = tpu.memref_slice %arg6[%dma_start3A_43] : memref<10240xf32, #tpu.memory_space<vmem>> -> memref<640xf32, #tpu.memory_space<vmem>>
      %dma_start3A_45 = tpu.memref_slice %arg9[%run_scoped3A_28, %mul3A_16] : memref<16x10240xf32, #tpu.memory_space<vmem_shared>> -> memref<1x640xf32, #tpu.memory_space<vmem_shared>>
      %dma_start3A_46 = tpu.memref_squeeze %dma_start3A_45 : memref<1x640xf32, #tpu.memory_space<vmem_shared>> -> memref<640xf32, #tpu.memory_space<vmem_shared>>
      %dma_start3A_47 = arith.constant 7680 : i32
      %dma_start3A_48 = tpu.memref_slice %arg6[%dma_start3A_47] : memref<10240xf32, #tpu.memory_space<vmem>> -> memref<640xf32, #tpu.memory_space<vmem>>
      %dma_start3A_49 = tpu.memref_slice %arg9[%run_scoped3A_28, %mul3A_16] : memref<16x10240xf32, #tpu.memory_space<vmem_shared>> -> memref<1x640xf32, #tpu.memory_space<vmem_shared>>
      %dma_start3A_50 = tpu.memref_squeeze %dma_start3A_49 : memref<1x640xf32, #tpu.memory_space<vmem_shared>> -> memref<640xf32, #tpu.memory_space<vmem_shared>>
      tpu.enqueue_dma source(%dma_start3A_50 : memref<640xf32, #tpu.memory_space<vmem_shared>>) target(%dma_start3A_48 : memref<640xf32, #tpu.memory_space<vmem>>) target_semaphore(%run_scoped3A_42 : memref<!tpu.dma_semaphore, #tpu.memory_space<semaphore_mem>>)
      %dma_wait3A_51 = arith.constant 7680 : i32
      %dma_wait3A_52 = tpu.memref_slice %arg6[%dma_wait3A_51] : memref<10240xf32, #tpu.memory_space<vmem>> -> memref<640xf32, #tpu.memory_space<vmem>>
      %dma_wait3A_53 = tpu.memref_slice %arg9[%run_scoped3A_28, %mul3A_16] : memref<16x10240xf32, #tpu.memory_space<vmem_shared>> -> memref<1x640xf32, #tpu.memory_space<vmem_shared>>
      %dma_wait3A_54 = tpu.memref_squeeze %dma_wait3A_53 : memref<1x640xf32, #tpu.memory_space<vmem_shared>> -> memref<640xf32, #tpu.memory_space<vmem_shared>>
      %dma_wait3A_55 = arith.constant 7680 : i32
      %dma_wait3A_56 = tpu.memref_slice %arg6[%dma_wait3A_55] : memref<10240xf32, #tpu.memory_space<vmem>> -> memref<640xf32, #tpu.memory_space<vmem>>
      %dma_wait3A_57 = tpu.memref_slice %arg9[%run_scoped3A_28, %mul3A_16] : memref<16x10240xf32, #tpu.memory_space<vmem_shared>> -> memref<1x640xf32, #tpu.memory_space<vmem_shared>>
      %dma_wait3A_58 = tpu.memref_squeeze %dma_wait3A_57 : memref<1x640xf32, #tpu.memory_space<vmem_shared>> -> memref<640xf32, #tpu.memory_space<vmem_shared>>
      tpu.wait_dma2 semaphore(%run_scoped3A_42 : memref<!tpu.dma_semaphore, #tpu.memory_space<semaphore_mem>>) src(%dma_wait3A_58 : memref<640xf32, #tpu.memory_space<vmem_shared>>) dst(%dma_wait3A_56 : memref<640xf32, #tpu.memory_space<vmem>>)
      tpu.yield
    }) : () -> ()
    %run_scoped3A_29 = arith.constant 13 : i32
    "tpu.region"() ({
      %run_scoped3A_42 = tpu.sem_alloc : memref<!tpu.dma_semaphore, #tpu.memory_space<semaphore_mem>>
      %dma_start3A_43 = arith.constant 8320 : i32
      %dma_start3A_44 = tpu.memref_slice %arg6[%dma_start3A_43] : memref<10240xf32, #tpu.memory_space<vmem>> -> memref<640xf32, #tpu.memory_space<vmem>>
      %dma_start3A_45 = tpu.memref_slice %arg9[%run_scoped3A_29, %mul3A_16] : memref<16x10240xf32, #tpu.memory_space<vmem_shared>> -> memref<1x640xf32, #tpu.memory_space<vmem_shared>>
      %dma_start3A_46 = tpu.memref_squeeze %dma_start3A_45 : memref<1x640xf32, #tpu.memory_space<vmem_shared>> -> memref<640xf32, #tpu.memory_space<vmem_shared>>
      %dma_start3A_47 = arith.constant 8320 : i32
      %dma_start3A_48 = tpu.memref_slice %arg6[%dma_start3A_47] : memref<10240xf32, #tpu.memory_space<vmem>> -> memref<640xf32, #tpu.memory_space<vmem>>
      %dma_start3A_49 = tpu.memref_slice %arg9[%run_scoped3A_29, %mul3A_16] : memref<16x10240xf32, #tpu.memory_space<vmem_shared>> -> memref<1x640xf32, #tpu.memory_space<vmem_shared>>
      %dma_start3A_50 = tpu.memref_squeeze %dma_start3A_49 : memref<1x640xf32, #tpu.memory_space<vmem_shared>> -> memref<640xf32, #tpu.memory_space<vmem_shared>>
      tpu.enqueue_dma source(%dma_start3A_50 : memref<640xf32, #tpu.memory_space<vmem_shared>>) target(%dma_start3A_48 : memref<640xf32, #tpu.memory_space<vmem>>) target_semaphore(%run_scoped3A_42 : memref<!tpu.dma_semaphore, #tpu.memory_space<semaphore_mem>>)
      %dma_wait3A_51 = arith.constant 8320 : i32
      %dma_wait3A_52 = tpu.memref_slice %arg6[%dma_wait3A_51] : memref<10240xf32, #tpu.memory_space<vmem>> -> memref<640xf32, #tpu.memory_space<vmem>>
      %dma_wait3A_53 = tpu.memref_slice %arg9[%run_scoped3A_29, %mul3A_16] : memref<16x10240xf32, #tpu.memory_space<vmem_shared>> -> memref<1x640xf32, #tpu.memory_space<vmem_shared>>
      %dma_wait3A_54 = tpu.memref_squeeze %dma_wait3A_53 : memref<1x640xf32, #tpu.memory_space<vmem_shared>> -> memref<640xf32, #tpu.memory_space<vmem_shared>>
      %dma_wait3A_55 = arith.constant 8320 : i32
      %dma_wait3A_56 = tpu.memref_slice %arg6[%dma_wait3A_55] : memref<10240xf32, #tpu.memory_space<vmem>> -> memref<640xf32, #tpu.memory_space<vmem>>
      %dma_wait3A_57 = tpu.memref_slice %arg9[%run_scoped3A_29, %mul3A_16] : memref<16x10240xf32, #tpu.memory_space<vmem_shared>> -> memref<1x640xf32, #tpu.memory_space<vmem_shared>>
      %dma_wait3A_58 = tpu.memref_squeeze %dma_wait3A_57 : memref<1x640xf32, #tpu.memory_space<vmem_shared>> -> memref<640xf32, #tpu.memory_space<vmem_shared>>
      tpu.wait_dma2 semaphore(%run_scoped3A_42 : memref<!tpu.dma_semaphore, #tpu.memory_space<semaphore_mem>>) src(%dma_wait3A_58 : memref<640xf32, #tpu.memory_space<vmem_shared>>) dst(%dma_wait3A_56 : memref<640xf32, #tpu.memory_space<vmem>>)
      tpu.yield
    }) : () -> ()
    %run_scoped3A_30 = arith.constant 14 : i32
    "tpu.region"() ({
      %run_scoped3A_42 = tpu.sem_alloc : memref<!tpu.dma_semaphore, #tpu.memory_space<semaphore_mem>>
      %dma_start3A_43 = arith.constant 8960 : i32
      %dma_start3A_44 = tpu.memref_slice %arg6[%dma_start3A_43] : memref<10240xf32, #tpu.memory_space<vmem>> -> memref<640xf32, #tpu.memory_space<vmem>>
      %dma_start3A_45 = tpu.memref_slice %arg9[%run_scoped3A_30, %mul3A_16] : memref<16x10240xf32, #tpu.memory_space<vmem_shared>> -> memref<1x640xf32, #tpu.memory_space<vmem_shared>>
      %dma_start3A_46 = tpu.memref_squeeze %dma_start3A_45 : memref<1x640xf32, #tpu.memory_space<vmem_shared>> -> memref<640xf32, #tpu.memory_space<vmem_shared>>
      %dma_start3A_47 = arith.constant 8960 : i32
      %dma_start3A_48 = tpu.memref_slice %arg6[%dma_start3A_47] : memref<10240xf32, #tpu.memory_space<vmem>> -> memref<640xf32, #tpu.memory_space<vmem>>
      %dma_start3A_49 = tpu.memref_slice %arg9[%run_scoped3A_30, %mul3A_16] : memref<16x10240xf32, #tpu.memory_space<vmem_shared>> -> memref<1x640xf32, #tpu.memory_space<vmem_shared>>
      %dma_start3A_50 = tpu.memref_squeeze %dma_start3A_49 : memref<1x640xf32, #tpu.memory_space<vmem_shared>> -> memref<640xf32, #tpu.memory_space<vmem_shared>>
      tpu.enqueue_dma source(%dma_start3A_50 : memref<640xf32, #tpu.memory_space<vmem_shared>>) target(%dma_start3A_48 : memref<640xf32, #tpu.memory_space<vmem>>) target_semaphore(%run_scoped3A_42 : memref<!tpu.dma_semaphore, #tpu.memory_space<semaphore_mem>>)
      %dma_wait3A_51 = arith.constant 8960 : i32
      %dma_wait3A_52 = tpu.memref_slice %arg6[%dma_wait3A_51] : memref<10240xf32, #tpu.memory_space<vmem>> -> memref<640xf32, #tpu.memory_space<vmem>>
      %dma_wait3A_53 = tpu.memref_slice %arg9[%run_scoped3A_30, %mul3A_16] : memref<16x10240xf32, #tpu.memory_space<vmem_shared>> -> memref<1x640xf32, #tpu.memory_space<vmem_shared>>
      %dma_wait3A_54 = tpu.memref_squeeze %dma_wait3A_53 : memref<1x640xf32, #tpu.memory_space<vmem_shared>> -> memref<640xf32, #tpu.memory_space<vmem_shared>>
      %dma_wait3A_55 = arith.constant 8960 : i32
      %dma_wait3A_56 = tpu.memref_slice %arg6[%dma_wait3A_55] : memref<10240xf32, #tpu.memory_space<vmem>> -> memref<640xf32, #tpu.memory_space<vmem>>
      %dma_wait3A_57 = tpu.memref_slice %arg9[%run_scoped3A_30, %mul3A_16] : memref<16x10240xf32, #tpu.memory_space<vmem_shared>> -> memref<1x640xf32, #tpu.memory_space<vmem_shared>>
      %dma_wait3A_58 = tpu.memref_squeeze %dma_wait3A_57 : memref<1x640xf32, #tpu.memory_space<vmem_shared>> -> memref<640xf32, #tpu.memory_space<vmem_shared>>
      tpu.wait_dma2 semaphore(%run_scoped3A_42 : memref<!tpu.dma_semaphore, #tpu.memory_space<semaphore_mem>>) src(%dma_wait3A_58 : memref<640xf32, #tpu.memory_space<vmem_shared>>) dst(%dma_wait3A_56 : memref<640xf32, #tpu.memory_space<vmem>>)
      tpu.yield
    }) : () -> ()
    %run_scoped3A_31 = arith.constant 15 : i32
    "tpu.region"() ({
      %run_scoped3A_42 = tpu.sem_alloc : memref<!tpu.dma_semaphore, #tpu.memory_space<semaphore_mem>>
      %dma_start3A_43 = arith.constant 9600 : i32
      %dma_start3A_44 = tpu.memref_slice %arg6[%dma_start3A_43] : memref<10240xf32, #tpu.memory_space<vmem>> -> memref<640xf32, #tpu.memory_space<vmem>>
      %dma_start3A_45 = tpu.memref_slice %arg9[%run_scoped3A_31, %mul3A_16] : memref<16x10240xf32, #tpu.memory_space<vmem_shared>> -> memref<1x640xf32, #tpu.memory_space<vmem_shared>>
      %dma_start3A_46 = tpu.memref_squeeze %dma_start3A_45 : memref<1x640xf32, #tpu.memory_space<vmem_shared>> -> memref<640xf32, #tpu.memory_space<vmem_shared>>
      %dma_start3A_47 = arith.constant 9600 : i32
      %dma_start3A_48 = tpu.memref_slice %arg6[%dma_start3A_47] : memref<10240xf32, #tpu.memory_space<vmem>> -> memref<640xf32, #tpu.memory_space<vmem>>
      %dma_start3A_49 = tpu.memref_slice %arg9[%run_scoped3A_31, %mul3A_16] : memref<16x10240xf32, #tpu.memory_space<vmem_shared>> -> memref<1x640xf32, #tpu.memory_space<vmem_shared>>
      %dma_start3A_50 = tpu.memref_squeeze %dma_start3A_49 : memref<1x640xf32, #tpu.memory_space<vmem_shared>> -> memref<640xf32, #tpu.memory_space<vmem_shared>>
      tpu.enqueue_dma source(%dma_start3A_50 : memref<640xf32, #tpu.memory_space<vmem_shared>>) target(%dma_start3A_48 : memref<640xf32, #tpu.memory_space<vmem>>) target_semaphore(%run_scoped3A_42 : memref<!tpu.dma_semaphore, #tpu.memory_space<semaphore_mem>>)
      %dma_wait3A_51 = arith.constant 9600 : i32
      %dma_wait3A_52 = tpu.memref_slice %arg6[%dma_wait3A_51] : memref<10240xf32, #tpu.memory_space<vmem>> -> memref<640xf32, #tpu.memory_space<vmem>>
      %dma_wait3A_53 = tpu.memref_slice %arg9[%run_scoped3A_31, %mul3A_16] : memref<16x10240xf32, #tpu.memory_space<vmem_shared>> -> memref<1x640xf32, #tpu.memory_space<vmem_shared>>
      %dma_wait3A_54 = tpu.memref_squeeze %dma_wait3A_53 : memref<1x640xf32, #tpu.memory_space<vmem_shared>> -> memref<640xf32, #tpu.memory_space<vmem_shared>>
      %dma_wait3A_55 = arith.constant 9600 : i32
      %dma_wait3A_56 = tpu.memref_slice %arg6[%dma_wait3A_55] : memref<10240xf32, #tpu.memory_space<vmem>> -> memref<640xf32, #tpu.memory_space<vmem>>
      %dma_wait3A_57 = tpu.memref_slice %arg9[%run_scoped3A_31, %mul3A_16] : memref<16x10240xf32, #tpu.memory_space<vmem_shared>> -> memref<1x640xf32, #tpu.memory_space<vmem_shared>>
      %dma_wait3A_58 = tpu.memref_squeeze %dma_wait3A_57 : memref<1x640xf32, #tpu.memory_space<vmem_shared>> -> memref<640xf32, #tpu.memory_space<vmem_shared>>
      tpu.wait_dma2 semaphore(%run_scoped3A_42 : memref<!tpu.dma_semaphore, #tpu.memory_space<semaphore_mem>>) src(%dma_wait3A_58 : memref<640xf32, #tpu.memory_space<vmem_shared>>) dst(%dma_wait3A_56 : memref<640xf32, #tpu.memory_space<vmem>>)
      tpu.yield
    }) : () -> ()
    %scan3A_32 = arith.constant 0 : i32
    %scan3A_33 = arith.constant 40 : i32
    %scan3A_34 = arith.addi %scan3A_32, %scan3A_33 : i32
    %scan3A_35 = arith.constant 1 : i32
    scf.for %scan3A_42 = %scan3A_32 to %scan3A_34 step %scan3A_35  : i32 {
      %mul3A_43 = arith.constant 16 : i32
      %mul3A_44 = arith.muli %scan3A_42, %mul3A_43 : i32
      %add3A_45 = arith.constant 0 : i32
      %add3A_46 = arith.addi %add3A_45, %mul3A_44 : i32
      %get3A = arith.index_cast %add3A_46 : i32 to index
      %get3A_47 = tpu.vector_load %arg6[%get3A] {strides = array<i32>} : memref<10240xf32, #tpu.memory_space<vmem>>, vector<16xf32>,
      %add3A_48 = arith.constant 640 : i32
      %add3A_49 = arith.addi %add3A_48, %add3A_46 : i32
      %get3A_50 = arith.index_cast %add3A_49 : i32 to index
      %get3A_51 = tpu.vector_load %arg6[%get3A_50] {strides = array<i32>} : memref<10240xf32, #tpu.memory_space<vmem>>, vector<16xf32>,
      %add3A_52 = arith.addf %get3A_47, %get3A_51 : vector<16xf32>
      %add3A_53 = arith.constant 1280 : i32
      %add3A_54 = arith.addi %add3A_53, %add3A_46 : i32
      %get3A_55 = arith.index_cast %add3A_54 : i32 to index
      %get3A_56 = tpu.vector_load %arg6[%get3A_55] {strides = array<i32>} : memref<10240xf32, #tpu.memory_space<vmem>>, vector<16xf32>,
      %add3A_57 = arith.addf %add3A_52, %get3A_56 : vector<16xf32>
      %add3A_58 = arith.constant 1920 : i32
      %add3A_59 = arith.addi %add3A_58, %add3A_46 : i32
      %get3A_60 = arith.index_cast %add3A_59 : i32 to index
      %get3A_61 = tpu.vector_load %arg6[%get3A_60] {strides = array<i32>} : memref<10240xf32, #tpu.memory_space<vmem>>, vector<16xf32>,
      %add3A_62 = arith.addf %add3A_57, %get3A_61 : vector<16xf32>
      %add3A_63 = arith.constant 2560 : i32
      %add3A_64 = arith.addi %add3A_63, %add3A_46 : i32
      %get3A_65 = arith.index_cast %add3A_64 : i32 to index
      %get3A_66 = tpu.vector_load %arg6[%get3A_65] {strides = array<i32>} : memref<10240xf32, #tpu.memory_space<vmem>>, vector<16xf32>,
      %add3A_67 = arith.addf %add3A_62, %get3A_66 : vector<16xf32>
      %add3A_68 = arith.constant 3200 : i32
      %add3A_69 = arith.addi %add3A_68, %add3A_46 : i32
      %get3A_70 = arith.index_cast %add3A_69 : i32 to index
      %get3A_71 = tpu.vector_load %arg6[%get3A_70] {strides = array<i32>} : memref<10240xf32, #tpu.memory_space<vmem>>, vector<16xf32>,
      %add3A_72 = arith.addf %add3A_67, %get3A_71 : vector<16xf32>
      %add3A_73 = arith.constant 3840 : i32
      %add3A_74 = arith.addi %add3A_73, %add3A_46 : i32
      %get3A_75 = arith.index_cast %add3A_74 : i32 to index
      %get3A_76 = tpu.vector_load %arg6[%get3A_75] {strides = array<i32>} : memref<10240xf32, #tpu.memory_space<vmem>>, vector<16xf32>,
      %add3A_77 = arith.addf %add3A_72, %get3A_76 : vector<16xf32>
      %add3A_78 = arith.constant 4480 : i32
      %add3A_79 = arith.addi %add3A_78, %add3A_46 : i32
      %get3A_80 = arith.index_cast %add3A_79 : i32 to index
      %get3A_81 = tpu.vector_load %arg6[%get3A_80] {strides = array<i32>} : memref<10240xf32, #tpu.memory_space<vmem>>, vector<16xf32>,
      %add3A_82 = arith.addf %add3A_77, %get3A_81 : vector<16xf32>
      %add3A_83 = arith.constant 5120 : i32
      %add3A_84 = arith.addi %add3A_83, %add3A_46 : i32
      %get3A_85 = arith.index_cast %add3A_84 : i32 to index
      %get3A_86 = tpu.vector_load %arg6[%get3A_85] {strides = array<i32>} : memref<10240xf32, #tpu.memory_space<vmem>>, vector<16xf32>,
      %add3A_87 = arith.addf %add3A_82, %get3A_86 : vector<16xf32>
      %add3A_88 = arith.constant 5760 : i32
      %add3A_89 = arith.addi %add3A_88, %add3A_46 : i32
      %get3A_90 = arith.index_cast %add3A_89 : i32 to index
      %get3A_91 = tpu.vector_load %arg6[%get3A_90] {strides = array<i32>} : memref<10240xf32, #tpu.memory_space<vmem>>, vector<16xf32>,
      %add3A_92 = arith.addf %add3A_87, %get3A_91 : vector<16xf32>
      %add3A_93 = arith.constant 6400 : i32
      %add3A_94 = arith.addi %add3A_93, %add3A_46 : i32
      %get3A_95 = arith.index_cast %add3A_94 : i32 to index
      %get3A_96 = tpu.vector_load %arg6[%get3A_95] {strides = array<i32>} : memref<10240xf32, #tpu.memory_space<vmem>>, vector<16xf32>,
      %add3A_97 = arith.addf %add3A_92, %get3A_96 : vector<16xf32>
      %add3A_98 = arith.constant 7040 : i32
      %add3A_99 = arith.addi %add3A_98, %add3A_46 : i32
      %get3A_100 = arith.index_cast %add3A_99 : i32 to index
      %get3A_101 = tpu.vector_load %arg6[%get3A_100] {strides = array<i32>} : memref<10240xf32, #tpu.memory_space<vmem>>, vector<16xf32>,
      %add3A_102 = arith.addf %add3A_97, %get3A_101 : vector<16xf32>
      %add3A_103 = arith.constant 7680 : i32
      %add3A_104 = arith.addi %add3A_103, %add3A_46 : i32
      %get3A_105 = arith.index_cast %add3A_104 : i32 to index
      %get3A_106 = tpu.vector_load %arg6[%get3A_105] {strides = array<i32>} : memref<10240xf32, #tpu.memory_space<vmem>>, vector<16xf32>,
      %add3A_107 = arith.addf %add3A_102, %get3A_106 : vector<16xf32>
      %add3A_108 = arith.constant 8320 : i32
      %add3A_109 = arith.addi %add3A_108, %add3A_46 : i32
      %get3A_110 = arith.index_cast %add3A_109 : i32 to index
      %get3A_111 = tpu.vector_load %arg6[%get3A_110] {strides = array<i32>} : memref<10240xf32, #tpu.memory_space<vmem>>, vector<16xf32>,
      %add3A_112 = arith.addf %add3A_107, %get3A_111 : vector<16xf32>
      %add3A_113 = arith.constant 8960 : i32
      %add3A_114 = arith.addi %add3A_113, %add3A_46 : i32
      %get3A_115 = arith.index_cast %add3A_114 : i32 to index
      %get3A_116 = tpu.vector_load %arg6[%get3A_115] {strides = array<i32>} : memref<10240xf32, #tpu.memory_space<vmem>>, vector<16xf32>,
      %add3A_117 = arith.addf %add3A_112, %get3A_116 : vector<16xf32>
      %add3A_118 = arith.constant 9600 : i32
      %add3A_119 = arith.addi %add3A_118, %add3A_46 : i32
      %get3A_120 = arith.index_cast %add3A_119 : i32 to index
      %get3A_121 = tpu.vector_load %arg6[%get3A_120] {strides = array<i32>} : memref<10240xf32, #tpu.memory_space<vmem>>, vector<16xf32>,
      %add3A_122 = arith.addf %add3A_117, %get3A_121 : vector<16xf32>
      %swap3A = arith.index_cast %add3A_46 : i32 to index
      %swap3A_123 = tpu.vector_load %arg7[%swap3A] {strides = array<i32>} : memref<640xf32, #tpu.memory_space<vmem>>, vector<16xf32>,
      tpu.vector_store %arg7[%swap3A], %add3A_122 {strides = array<i32>} : memref<640xf32, #tpu.memory_space<vmem>>, vector<16xf32>,
    }
    %scan3A_36 = arith.constant 40 : i32
    %scan3A_37 = arith.constant 0 : i32
    %scan3A_38 = arith.constant 16 : i32
    %scan3A_39 = arith.addi %scan3A_37, %scan3A_38 : i32
    %scan3A_40 = arith.constant 1 : i32
    scf.for %scan3A_42 = %scan3A_37 to %scan3A_39 step %scan3A_40  : i32 {
      %mul3A_43 = arith.constant 1 : i32
      %mul3A_44 = arith.muli %scan3A_42, %mul3A_43 : i32
      %add3A_45 = arith.constant 0 : i32
      %add3A_46 = arith.addi %add3A_45, %mul3A_44 : i32
      %mul3A_47 = arith.constant 40 : i32
      %mul3A_48 = arith.muli %add3A_46, %mul3A_47 : i32
      %add3A_49 = arith.addi %mul3A_16, %mul3A_48 : i32
      %lt3A = arith.constant 10000 : i32
      %lt3A_50 = arith.cmpi slt, %add3A_49, %lt3A : i32
      %convert_element_type3A = arith.extui %lt3A_50 : i1 to i32
      %cond3A = arith.constant 0 : i32
      %cond3A_51 = arith.cmpi ne, %convert_element_type3A, %cond3A : i32
      scf.if %cond3A_51 {
        %scan3A_52 = arith.constant 0 : i32
        %scan3A_53 = arith.constant 40 : i32
        %scan3A_54 = arith.addi %scan3A_52, %scan3A_53 : i32
        %scan3A_55 = arith.constant 1 : i32
        scf.for %scan3A_65 = %scan3A_52 to %scan3A_54 step %scan3A_55  : i32 {
          %mul3A_66 = arith.constant 1 : i32
          %mul3A_67 = arith.muli %scan3A_65, %mul3A_66 : i32
          %add3A_68 = arith.constant 0 : i32
          %add3A_69 = arith.addi %add3A_68, %mul3A_67 : i32
          %broadcast_in_dim3A_70 = arith.constant 0 : i32
          %broadcast_in_dim3A_71 = vector.broadcast %broadcast_in_dim3A_70 : i32 to vector<16xi32>
          %mul3A_72 = arith.constant 40 : i32
          %mul3A_73 = arith.muli %add3A_46, %mul3A_72 : i32
          %add3A_74 = arith.addi %mul3A_73, %add3A_69 : i32
          %add3A_75 = vector.broadcast %add3A_74 : i32 to vector<16xi32>
          %add3A_76 = arith.addi %broadcast_in_dim3A_71, %add3A_75 : vector<16xi32>
          %gather3A = tpu.vector_load_idx %arg7[%add3A_76] : memref<640xf32, #tpu.memory_space<vmem>>[vector<16xi32>], vector<16xf32>,
          %scan3A_77 = arith.constant 0 : i32
          %scan3A_78 = arith.constant 8 : i32
          %scan3A_79 = arith.addi %scan3A_77, %scan3A_78 : i32
          %scan3A_80 = arith.constant 1 : i32
          scf.for %scan3A_82 = %scan3A_77 to %scan3A_79 step %scan3A_80  : i32 {
            %mul3A_83 = arith.constant 16 : i32
            %mul3A_84 = arith.muli %scan3A_82, %mul3A_83 : i32
            %add3A_85 = arith.constant 0 : i32
            %add3A_86 = arith.addi %add3A_85, %mul3A_84 : i32
            %mul3A_87 = arith.constant 128 : i32
            %mul3A_88 = arith.muli %add3A_69, %mul3A_87 : i32
            %add3A_89 = arith.addi %mul3A_88, %add3A_86 : i32
            %swap3A = arith.index_cast %add3A_89 : i32 to index
            %swap3A_90 = tpu.vector_load %arg8[%swap3A] {strides = array<i32>} : memref<5120xf32, #tpu.memory_space<vmem>>, vector<16xf32>,
            tpu.vector_store %arg8[%swap3A], %gather3A {strides = array<i32>} : memref<5120xf32, #tpu.memory_space<vmem>>, vector<16xf32>,
          }
          %scan3A_81 = arith.constant 8 : i32
        }
        %scan3A_56 = arith.constant 40 : i32
        %mul3A_57 = arith.constant 10000 : i32
        %mul3A_58 = arith.muli %arg0, %mul3A_57 : i32
        %add3A_59 = arith.addi %mul3A_58, %mul3A_16 : i32
        %mul3A_60 = arith.constant 40 : i32
        %mul3A_61 = arith.muli %add3A_46, %mul3A_60 : i32
        %add3A_62 = arith.addi %add3A_59, %mul3A_61 : i32
        %mul3A_63 = arith.constant 128 : i32
        %mul3A_64 = arith.muli %add3A_62, %mul3A_63 : i32
        "tpu.region"() ({
          %run_scoped3A_65 = tpu.sem_alloc : memref<!tpu.dma_semaphore, #tpu.memory_space<semaphore_mem>>
          %dma_start3A_66 = tpu.memref_slice %arg3[%mul3A_64] : memref<2560000xf32, #tpu.memory_space<hbm>> -> memref<5120xf32, #tpu.memory_space<hbm>>
          %dma_start3A_67 = tpu.memref_slice %arg3[%mul3A_64] : memref<2560000xf32, #tpu.memory_space<hbm>> -> memref<5120xf32, #tpu.memory_space<hbm>>
          tpu.enqueue_dma source(%arg8 : memref<5120xf32, #tpu.memory_space<vmem>>) target(%dma_start3A_67 : memref<5120xf32, #tpu.memory_space<hbm>>) target_semaphore(%run_scoped3A_65 : memref<!tpu.dma_semaphore, #tpu.memory_space<semaphore_mem>>)
          %dma_wait3A_68 = tpu.memref_slice %arg3[%mul3A_64] : memref<2560000xf32, #tpu.memory_space<hbm>> -> memref<5120xf32, #tpu.memory_space<hbm>>
          %dma_wait3A_69 = tpu.memref_slice %arg3[%mul3A_64] : memref<2560000xf32, #tpu.memory_space<hbm>> -> memref<5120xf32, #tpu.memory_space<hbm>>
          tpu.wait_dma2 semaphore(%run_scoped3A_65 : memref<!tpu.dma_semaphore, #tpu.memory_space<semaphore_mem>>) src(%arg8 : memref<5120xf32, #tpu.memory_space<vmem>>) dst(%dma_wait3A_69 : memref<5120xf32, #tpu.memory_space<hbm>>)
          tpu.yield
        }) : () -> ()
      } else {
      }
    }
    %scan3A_41 = arith.constant 16 : i32
    return
  }
}

#map = affine_map<(d0, d1) -> (0, 0)>
module attributes {stable_mosaic.version = 14 : i64} {
  func.func @agg_kernel(%arg0: i32, %arg1: i32, %arg2: memref<10000x128xf32, #tpu.memory_space<hbm>>, %arg3: memref<2560x128xi32, #tpu.memory_space<hbm>>, %arg4: memref<2560x128xi32, #tpu.memory_space<hbm>>, %arg5: memref<20000x128xf32, #tpu.memory_space<hbm>>, %arg6: memref<40x128xi32, #tpu.memory_space<vmem>>, %arg7: memref<40x128xi32, #tpu.memory_space<vmem>>, %arg8: memref<128x128xf32, #tpu.memory_space<vmem>>, %arg9: memref<128x128xf32, #tpu.memory_space<vmem>>, %arg10: memref<40x128xf32, #tpu.memory_space<vmem>>, %arg11: memref<10128x128xf32, #tpu.memory_space<vmem_shared>>, %arg12: memref<!tpu.dma_semaphore, #tpu.memory_space<semaphore_mem>>, %arg13: memref<!tpu.dma_semaphore, #tpu.memory_space<semaphore_mem>>, %arg14: memref<!tpu.dma_semaphore, #tpu.memory_space<semaphore_mem>>, %arg15: memref<!tpu.dma_semaphore, #tpu.memory_space<semaphore_mem>>) attributes {dimension_semantics = [#tpu.dimension_semantics<core_parallel>, #tpu.dimension_semantics<subcore_parallel>], iteration_bounds = array<i64: 2, 16>, scalar_prefetch = 0 : i64, scratch_operands = 10 : i64, tpu.core_type = #tpu.core_type<sc_vector_subcore>, window_params = [{transform_indices = #map}, {transform_indices = #map}, {transform_indices = #map}, {transform_indices = #map}]} {
    %mul3A = arith.constant 16 : i32
    %mul3A_0 = arith.muli %arg0, %mul3A : i32
    %add3A = arith.addi %mul3A_0, %arg1 : i32
    %scan3A = arith.constant 0 : i32
    %scan3A_1 = arith.constant 40 : i32
    %scan3A_2 = arith.addi %scan3A, %scan3A_1 : i32
    %scan3A_3 = arith.constant 1 : i32
    scf.for %scan3A_39 = %scan3A to %scan3A_2 step %scan3A_3  : i32 {
      %mul3A_40 = arith.constant 1 : i32
      %mul3A_41 = arith.muli %scan3A_39, %mul3A_40 : i32
      %add3A_42 = arith.constant 0 : i32
      %add3A_43 = arith.addi %add3A_42, %mul3A_41 : i32
      %scan3A_44 = arith.constant 0 : i32
      %scan3A_45 = arith.constant 8 : i32
      %scan3A_46 = arith.addi %scan3A_44, %scan3A_45 : i32
      %scan3A_47 = arith.constant 1 : i32
      scf.for %scan3A_49 = %scan3A_44 to %scan3A_46 step %scan3A_47  : i32 {
        %mul3A_50 = arith.constant 16 : i32
        %mul3A_51 = arith.muli %scan3A_49, %mul3A_50 : i32
        %add3A_52 = arith.constant 0 : i32
        %add3A_53 = arith.addi %add3A_52, %mul3A_51 : i32
        %broadcast_in_dim3A = arith.constant 0.000000e+00 : f32
        %broadcast_in_dim3A_54 = vector.broadcast %broadcast_in_dim3A : f32 to vector<16xf32>
        %swap3A = arith.index_cast %add3A_43 : i32 to index
        %swap3A_55 = arith.index_cast %add3A_53 : i32 to index
        %swap3A_56 = tpu.vector_load %arg10[%swap3A, %swap3A_55] {strides = array<i32>} : memref<40x128xf32, #tpu.memory_space<vmem>>, vector<1x16xf32>,
        %swap3A_57 = vector.shape_cast %swap3A_56 : vector<1x16xf32> to vector<16xf32>
        %swap3A_58 = vector.shape_cast %broadcast_in_dim3A_54 : vector<16xf32> to vector<1x16xf32>
        tpu.vector_store %arg10[%swap3A, %swap3A_55], %swap3A_58 {strides = array<i32>} : memref<40x128xf32, #tpu.memory_space<vmem>>, vector<1x16xf32>,
      }
      %scan3A_48 = arith.constant 8 : i32
    }
    %scan3A_4 = arith.constant 40 : i32
    %mul3A_5 = arith.constant 80 : i32
    %mul3A_6 = arith.muli %add3A, %mul3A_5 : i32
    %add3A_7 = arith.constant 0 : i32
    %add3A_8 = arith.addi %mul3A_6, %add3A_7 : i32
    %dma_start3A = arith.constant 0 : i32
    %dma_start3A_9 = tpu.memref_slice %arg3[%add3A_8, %dma_start3A] : memref<2560x128xi32, #tpu.memory_space<hbm>> -> memref<40x128xi32, #tpu.memory_space<hbm>>
    %dma_start3A_10 = arith.constant 0 : i32
    %dma_start3A_11 = tpu.memref_slice %arg3[%add3A_8, %dma_start3A_10] : memref<2560x128xi32, #tpu.memory_space<hbm>> -> memref<40x128xi32, #tpu.memory_space<hbm>>
    tpu.enqueue_dma source(%dma_start3A_11 : memref<40x128xi32, #tpu.memory_space<hbm>>) target(%arg6 : memref<40x128xi32, #tpu.memory_space<vmem>>) target_semaphore(%arg12 : memref<!tpu.dma_semaphore, #tpu.memory_space<semaphore_mem>>)
    %dma_start3A_12 = arith.constant 0 : i32
    %dma_start3A_13 = tpu.memref_slice %arg4[%add3A_8, %dma_start3A_12] : memref<2560x128xi32, #tpu.memory_space<hbm>> -> memref<40x128xi32, #tpu.memory_space<hbm>>
    %dma_start3A_14 = arith.constant 0 : i32
    %dma_start3A_15 = tpu.memref_slice %arg4[%add3A_8, %dma_start3A_14] : memref<2560x128xi32, #tpu.memory_space<hbm>> -> memref<40x128xi32, #tpu.memory_space<hbm>>
    tpu.enqueue_dma source(%dma_start3A_15 : memref<40x128xi32, #tpu.memory_space<hbm>>) target(%arg7 : memref<40x128xi32, #tpu.memory_space<vmem>>) target_semaphore(%arg13 : memref<!tpu.dma_semaphore, #tpu.memory_space<semaphore_mem>>)
    %dma_wait3A = arith.constant 0 : i32
    %dma_wait3A_16 = tpu.memref_slice %arg3[%add3A_8, %dma_wait3A] : memref<2560x128xi32, #tpu.memory_space<hbm>> -> memref<40x128xi32, #tpu.memory_space<hbm>>
    %dma_wait3A_17 = arith.constant 0 : i32
    %dma_wait3A_18 = tpu.memref_slice %arg3[%add3A_8, %dma_wait3A_17] : memref<2560x128xi32, #tpu.memory_space<hbm>> -> memref<40x128xi32, #tpu.memory_space<hbm>>
    tpu.wait_dma2 semaphore(%arg12 : memref<!tpu.dma_semaphore, #tpu.memory_space<semaphore_mem>>) src(%dma_wait3A_18 : memref<40x128xi32, #tpu.memory_space<hbm>>) dst(%arg6 : memref<40x128xi32, #tpu.memory_space<vmem>>)
    %dma_wait3A_19 = arith.constant 0 : i32
    %dma_wait3A_20 = tpu.memref_slice %arg4[%add3A_8, %dma_wait3A_19] : memref<2560x128xi32, #tpu.memory_space<hbm>> -> memref<40x128xi32, #tpu.memory_space<hbm>>
    %dma_wait3A_21 = arith.constant 0 : i32
    %dma_wait3A_22 = tpu.memref_slice %arg4[%add3A_8, %dma_wait3A_21] : memref<2560x128xi32, #tpu.memory_space<hbm>> -> memref<40x128xi32, #tpu.memory_space<hbm>>
    tpu.wait_dma2 semaphore(%arg13 : memref<!tpu.dma_semaphore, #tpu.memory_space<semaphore_mem>>) src(%dma_wait3A_22 : memref<40x128xi32, #tpu.memory_space<hbm>>) dst(%arg7 : memref<40x128xi32, #tpu.memory_space<vmem>>)
    %scan3A_23 = arith.constant 0 : i32
    %scan3A_24 = arith.constant 16 : i32
    %scan3A_25 = arith.addi %scan3A_23, %scan3A_24 : i32
    %scan3A_26 = arith.constant 1 : i32
    scf.for %scan3A_39 = %scan3A_23 to %scan3A_25 step %scan3A_26  : i32 {
      %mul3A_40 = arith.constant 1 : i32
      %mul3A_41 = arith.muli %scan3A_39, %mul3A_40 : i32
      %add3A_42 = arith.constant 0 : i32
      %add3A_43 = arith.addi %add3A_42, %mul3A_41 : i32
      %mul3A_44 = arith.constant 16 : i32
      %mul3A_45 = arith.muli %add3A_43, %mul3A_44 : i32
      %add3A_46 = arith.addi %mul3A_45, %arg1 : i32
      %lt3A = arith.constant 250 : i32
      %lt3A_47 = arith.cmpi slt, %add3A_46, %lt3A : i32
      %convert_element_type3A = arith.extui %lt3A_47 : i1 to i32
      %cond3A = arith.constant 0 : i32
      %cond3A_48 = arith.cmpi ne, %convert_element_type3A, %cond3A : i32
      scf.if %cond3A_48 {
        %mul3A_49 = arith.constant 40 : i32
        %mul3A_50 = arith.muli %add3A_46, %mul3A_49 : i32
        "tpu.region"() ({
          %run_scoped3A = tpu.sem_alloc : memref<!tpu.dma_semaphore, #tpu.memory_space<semaphore_mem>>
          %dma_start3A_51 = arith.constant 0 : i32
          %dma_start3A_52 = tpu.memref_slice %arg11[%mul3A_50, %dma_start3A_51] : memref<10128x128xf32, #tpu.memory_space<vmem_shared>> -> memref<40x128xf32, #tpu.memory_space<vmem_shared>>
          %dma_start3A_53 = arith.constant 0 : i32
          %dma_start3A_54 = tpu.memref_slice %arg11[%mul3A_50, %dma_start3A_53] : memref<10128x128xf32, #tpu.memory_space<vmem_shared>> -> memref<40x128xf32, #tpu.memory_space<vmem_shared>>
          tpu.enqueue_dma source(%arg10 : memref<40x128xf32, #tpu.memory_space<vmem>>) target(%dma_start3A_54 : memref<40x128xf32, #tpu.memory_space<vmem_shared>>) target_semaphore(%run_scoped3A : memref<!tpu.dma_semaphore, #tpu.memory_space<semaphore_mem>>)
          %dma_wait3A_55 = arith.constant 0 : i32
          %dma_wait3A_56 = tpu.memref_slice %arg11[%mul3A_50, %dma_wait3A_55] : memref<10128x128xf32, #tpu.memory_space<vmem_shared>> -> memref<40x128xf32, #tpu.memory_space<vmem_shared>>
          %dma_wait3A_57 = arith.constant 0 : i32
          %dma_wait3A_58 = tpu.memref_slice %arg11[%mul3A_50, %dma_wait3A_57] : memref<10128x128xf32, #tpu.memory_space<vmem_shared>> -> memref<40x128xf32, #tpu.memory_space<vmem_shared>>
          tpu.wait_dma2 semaphore(%run_scoped3A : memref<!tpu.dma_semaphore, #tpu.memory_space<semaphore_mem>>) src(%arg10 : memref<40x128xf32, #tpu.memory_space<vmem>>) dst(%dma_wait3A_58 : memref<40x128xf32, #tpu.memory_space<vmem_shared>>)
          tpu.yield
        }) : () -> ()
      } else {
      }
    }
    %scan3A_27 = arith.constant 16 : i32
    %barrier3A = arith.constant 0 : index
    tpu.barrier barrier_id(%barrier3A)
    %scan3A_28 = arith.constant 0 : i32
    %scan3A_29 = arith.constant 2 : i32
    %scan3A_30 = arith.addi %scan3A_28, %scan3A_29 : i32
    %scan3A_31 = arith.constant 1 : i32
    scf.for %scan3A_39 = %scan3A_28 to %scan3A_30 step %scan3A_31  : i32 {
      %mul3A_40 = arith.constant 1 : i32
      %mul3A_41 = arith.muli %scan3A_39, %mul3A_40 : i32
      %add3A_42 = arith.constant 0 : i32
      %add3A_43 = arith.addi %add3A_42, %mul3A_41 : i32
      %gt3A = arith.constant 0 : i32
      %gt3A_44 = arith.cmpi sgt, %add3A_43, %gt3A : i32
      %convert_element_type3A = arith.extui %gt3A_44 : i1 to i32
      %cond3A = arith.constant 0 : i32
      %cond3A_45 = arith.cmpi ne, %convert_element_type3A, %cond3A : i32
      scf.if %cond3A_45 {
        %mul3A_65 = arith.constant 80 : i32
        %mul3A_66 = arith.muli %add3A, %mul3A_65 : i32
        %mul3A_67 = arith.constant 40 : i32
        %mul3A_68 = arith.muli %add3A_43, %mul3A_67 : i32
        %add3A_69 = arith.addi %mul3A_66, %mul3A_68 : i32
        %dma_start3A_70 = arith.constant 0 : i32
        %dma_start3A_71 = tpu.memref_slice %arg3[%add3A_69, %dma_start3A_70] : memref<2560x128xi32, #tpu.memory_space<hbm>> -> memref<40x128xi32, #tpu.memory_space<hbm>>
        %dma_start3A_72 = arith.constant 0 : i32
        %dma_start3A_73 = tpu.memref_slice %arg3[%add3A_69, %dma_start3A_72] : memref<2560x128xi32, #tpu.memory_space<hbm>> -> memref<40x128xi32, #tpu.memory_space<hbm>>
        tpu.enqueue_dma source(%dma_start3A_73 : memref<40x128xi32, #tpu.memory_space<hbm>>) target(%arg6 : memref<40x128xi32, #tpu.memory_space<vmem>>) target_semaphore(%arg12 : memref<!tpu.dma_semaphore, #tpu.memory_space<semaphore_mem>>)
        %dma_start3A_74 = arith.constant 0 : i32
        %dma_start3A_75 = tpu.memref_slice %arg4[%add3A_69, %dma_start3A_74] : memref<2560x128xi32, #tpu.memory_space<hbm>> -> memref<40x128xi32, #tpu.memory_space<hbm>>
        %dma_start3A_76 = arith.constant 0 : i32
        %dma_start3A_77 = tpu.memref_slice %arg4[%add3A_69, %dma_start3A_76] : memref<2560x128xi32, #tpu.memory_space<hbm>> -> memref<40x128xi32, #tpu.memory_space<hbm>>
        tpu.enqueue_dma source(%dma_start3A_77 : memref<40x128xi32, #tpu.memory_space<hbm>>) target(%arg7 : memref<40x128xi32, #tpu.memory_space<vmem>>) target_semaphore(%arg13 : memref<!tpu.dma_semaphore, #tpu.memory_space<semaphore_mem>>)
        %dma_wait3A_78 = arith.constant 0 : i32
        %dma_wait3A_79 = tpu.memref_slice %arg3[%add3A_69, %dma_wait3A_78] : memref<2560x128xi32, #tpu.memory_space<hbm>> -> memref<40x128xi32, #tpu.memory_space<hbm>>
        %dma_wait3A_80 = arith.constant 0 : i32
        %dma_wait3A_81 = tpu.memref_slice %arg3[%add3A_69, %dma_wait3A_80] : memref<2560x128xi32, #tpu.memory_space<hbm>> -> memref<40x128xi32, #tpu.memory_space<hbm>>
        tpu.wait_dma2 semaphore(%arg12 : memref<!tpu.dma_semaphore, #tpu.memory_space<semaphore_mem>>) src(%dma_wait3A_81 : memref<40x128xi32, #tpu.memory_space<hbm>>) dst(%arg6 : memref<40x128xi32, #tpu.memory_space<vmem>>)
        %dma_wait3A_82 = arith.constant 0 : i32
        %dma_wait3A_83 = tpu.memref_slice %arg4[%add3A_69, %dma_wait3A_82] : memref<2560x128xi32, #tpu.memory_space<hbm>> -> memref<40x128xi32, #tpu.memory_space<hbm>>
        %dma_wait3A_84 = arith.constant 0 : i32
        %dma_wait3A_85 = tpu.memref_slice %arg4[%add3A_69, %dma_wait3A_84] : memref<2560x128xi32, #tpu.memory_space<hbm>> -> memref<40x128xi32, #tpu.memory_space<hbm>>
        tpu.wait_dma2 semaphore(%arg13 : memref<!tpu.dma_semaphore, #tpu.memory_space<semaphore_mem>>) src(%dma_wait3A_85 : memref<40x128xi32, #tpu.memory_space<hbm>>) dst(%arg7 : memref<40x128xi32, #tpu.memory_space<vmem>>)
      } else {
      }
      %dma_start3A_46 = arith.constant 0 : i32
      %dma_start3A_47 = arith.constant 0 : i32
      %dma_start3A_48 = tpu.memref_slice %arg6[%dma_start3A_46, %dma_start3A_47] : memref<40x128xi32, #tpu.memory_space<vmem>> -> memref<1x128xi32, #tpu.memory_space<vmem>>
      %dma_start3A_49 = tpu.memref_squeeze %dma_start3A_48 : memref<1x128xi32, #tpu.memory_space<vmem>> -> memref<128xi32, #tpu.memory_space<vmem>>
      %dma_start3A_50 = arith.constant 0 : i32
      %dma_start3A_51 = arith.constant 0 : i32
      %dma_start3A_52 = tpu.memref_slice %arg2[%dma_start3A_50, %dma_start3A_51] : memref<10000x128xf32, #tpu.memory_space<hbm>> -> memref<10000x128xf32, #tpu.memory_space<hbm>>
      tpu.enqueue_indirect_dma source(%dma_start3A_52 : memref<10000x128xf32, #tpu.memory_space<hbm>>) target(%arg8 : memref<128x128xf32, #tpu.memory_space<vmem>>) offsets(%dma_start3A_49 : memref<128xi32, #tpu.memory_space<vmem>>) semaphore(%arg12 : memref<!tpu.dma_semaphore, #tpu.memory_space<semaphore_mem>>)
      %scan3A_53 = arith.constant 0 : i32
      %scan3A_54 = arith.constant 20 : i32
      %scan3A_55 = arith.addi %scan3A_53, %scan3A_54 : i32
      %scan3A_56 = arith.constant 1 : i32
      scf.for %scan3A_65 = %scan3A_53 to %scan3A_55 step %scan3A_56  : i32 {
        %mul3A_66 = arith.constant 1 : i32
        %mul3A_67 = arith.muli %scan3A_65, %mul3A_66 : i32
        %add3A_68 = arith.constant 0 : i32
        %add3A_69 = arith.addi %add3A_68, %mul3A_67 : i32
        %mul3A_70 = arith.constant 2 : i32
        %mul3A_71 = arith.muli %mul3A_70, %add3A_69 : i32
        %dma_wait3A_72 = arith.constant 0 : i32
        %dma_wait3A_73 = arith.constant 0 : i32
        %dma_wait3A_74 = tpu.memref_slice %arg6[%dma_wait3A_72, %dma_wait3A_73] : memref<40x128xi32, #tpu.memory_space<vmem>> -> memref<1x128xi32, #tpu.memory_space<vmem>>
        %dma_wait3A_75 = tpu.memref_squeeze %dma_wait3A_74 : memref<1x128xi32, #tpu.memory_space<vmem>> -> memref<128xi32, #tpu.memory_space<vmem>>
        %dma_wait3A_76 = arith.constant 0 : i32
        %dma_wait3A_77 = arith.constant 0 : i32
        %dma_wait3A_78 = tpu.memref_slice %arg2[%dma_wait3A_76, %dma_wait3A_77] : memref<10000x128xf32, #tpu.memory_space<hbm>> -> memref<10000x128xf32, #tpu.memory_space<hbm>>
        tpu.wait_indirect_dma semaphore(%arg12 : memref<!tpu.dma_semaphore, #tpu.memory_space<semaphore_mem>>) src(%dma_wait3A_78 : memref<10000x128xf32, #tpu.memory_space<hbm>>) dst(%arg8 : memref<128x128xf32, #tpu.memory_space<vmem>>)
        %dma_start3A_79 = arith.constant 0 : i32
        %dma_start3A_80 = tpu.memref_slice %arg7[%mul3A_71, %dma_start3A_79] : memref<40x128xi32, #tpu.memory_space<vmem>> -> memref<1x128xi32, #tpu.memory_space<vmem>>
        %dma_start3A_81 = tpu.memref_squeeze %dma_start3A_80 : memref<1x128xi32, #tpu.memory_space<vmem>> -> memref<128xi32, #tpu.memory_space<vmem>>
        %dma_start3A_82 = arith.constant 0 : i32
        %dma_start3A_83 = arith.constant 0 : i32
        %dma_start3A_84 = tpu.memref_slice %arg11[%dma_start3A_82, %dma_start3A_83] : memref<10128x128xf32, #tpu.memory_space<vmem_shared>> -> memref<10128x128xf32, #tpu.memory_space<vmem_shared>>
        tpu.enqueue_indirect_dma source(%arg8 : memref<128x128xf32, #tpu.memory_space<vmem>>) target(%dma_start3A_84 : memref<10128x128xf32, #tpu.memory_space<vmem_shared>>) offsets(%dma_start3A_81 : memref<128xi32, #tpu.memory_space<vmem>>) semaphore(%arg14 : memref<!tpu.dma_semaphore, #tpu.memory_space<semaphore_mem>>) {add = true}
        %gt3A_85 = arith.constant 0 : i32
        %gt3A_86 = arith.cmpi sgt, %add3A_69, %gt3A_85 : i32
        %convert_element_type3A_87 = arith.extui %gt3A_86 : i1 to i32
        %cond3A_88 = arith.constant 0 : i32
        %cond3A_89 = arith.cmpi ne, %convert_element_type3A_87, %cond3A_88 : i32
        scf.if %cond3A_89 {
          %dma_wait3A_124 = arith.constant 0 : i32
          %dma_wait3A_125 = arith.constant 0 : i32
          %dma_wait3A_126 = tpu.memref_slice %arg7[%dma_wait3A_124, %dma_wait3A_125] : memref<40x128xi32, #tpu.memory_space<vmem>> -> memref<1x128xi32, #tpu.memory_space<vmem>>
          %dma_wait3A_127 = tpu.memref_squeeze %dma_wait3A_126 : memref<1x128xi32, #tpu.memory_space<vmem>> -> memref<128xi32, #tpu.memory_space<vmem>>
          %dma_wait3A_128 = arith.constant 0 : i32
          %dma_wait3A_129 = arith.constant 0 : i32
          %dma_wait3A_130 = tpu.memref_slice %arg11[%dma_wait3A_128, %dma_wait3A_129] : memref<10128x128xf32, #tpu.memory_space<vmem_shared>> -> memref<10128x128xf32, #tpu.memory_space<vmem_shared>>
          tpu.wait_indirect_dma semaphore(%arg15 : memref<!tpu.dma_semaphore, #tpu.memory_space<semaphore_mem>>) src(%arg9 : memref<128x128xf32, #tpu.memory_space<vmem>>) dst(%dma_wait3A_130 : memref<10128x128xf32, #tpu.memory_space<vmem_shared>>)
        } else {
        }
        %add3A_90 = arith.constant 1 : i32
        %add3A_91 = arith.addi %mul3A_71, %add3A_90 : i32
        %dma_start3A_92 = arith.constant 0 : i32
        %dma_start3A_93 = tpu.memref_slice %arg6[%add3A_91, %dma_start3A_92] : memref<40x128xi32, #tpu.memory_space<vmem>> -> memref<1x128xi32, #tpu.memory_space<vmem>>
        %dma_start3A_94 = tpu.memref_squeeze %dma_start3A_93 : memref<1x128xi32, #tpu.memory_space<vmem>> -> memref<128xi32, #tpu.memory_space<vmem>>
        %dma_start3A_95 = arith.constant 0 : i32
        %dma_start3A_96 = arith.constant 0 : i32
        %dma_start3A_97 = tpu.memref_slice %arg2[%dma_start3A_95, %dma_start3A_96] : memref<10000x128xf32, #tpu.memory_space<hbm>> -> memref<10000x128xf32, #tpu.memory_space<hbm>>
        tpu.enqueue_indirect_dma source(%dma_start3A_97 : memref<10000x128xf32, #tpu.memory_space<hbm>>) target(%arg9 : memref<128x128xf32, #tpu.memory_space<vmem>>) offsets(%dma_start3A_94 : memref<128xi32, #tpu.memory_space<vmem>>) semaphore(%arg13 : memref<!tpu.dma_semaphore, #tpu.memory_space<semaphore_mem>>)
        %dma_wait3A_98 = arith.constant 0 : i32
        %dma_wait3A_99 = arith.constant 0 : i32
        %dma_wait3A_100 = tpu.memref_slice %arg6[%dma_wait3A_98, %dma_wait3A_99] : memref<40x128xi32, #tpu.memory_space<vmem>> -> memref<1x128xi32, #tpu.memory_space<vmem>>
        %dma_wait3A_101 = tpu.memref_squeeze %dma_wait3A_100 : memref<1x128xi32, #tpu.memory_space<vmem>> -> memref<128xi32, #tpu.memory_space<vmem>>
        %dma_wait3A_102 = arith.constant 0 : i32
        %dma_wait3A_103 = arith.constant 0 : i32
        %dma_wait3A_104 = tpu.memref_slice %arg2[%dma_wait3A_102, %dma_wait3A_103] : memref<10000x128xf32, #tpu.memory_space<hbm>> -> memref<10000x128xf32, #tpu.memory_space<hbm>>
        tpu.wait_indirect_dma semaphore(%arg13 : memref<!tpu.dma_semaphore, #tpu.memory_space<semaphore_mem>>) src(%dma_wait3A_104 : memref<10000x128xf32, #tpu.memory_space<hbm>>) dst(%arg9 : memref<128x128xf32, #tpu.memory_space<vmem>>)
        %add3A_105 = arith.constant 1 : i32
        %add3A_106 = arith.addi %mul3A_71, %add3A_105 : i32
        %dma_start3A_107 = arith.constant 0 : i32
        %dma_start3A_108 = tpu.memref_slice %arg7[%add3A_106, %dma_start3A_107] : memref<40x128xi32, #tpu.memory_space<vmem>> -> memref<1x128xi32, #tpu.memory_space<vmem>>
        %dma_start3A_109 = tpu.memref_squeeze %dma_start3A_108 : memref<1x128xi32, #tpu.memory_space<vmem>> -> memref<128xi32, #tpu.memory_space<vmem>>
        %dma_start3A_110 = arith.constant 0 : i32
        %dma_start3A_111 = arith.constant 0 : i32
        %dma_start3A_112 = tpu.memref_slice %arg11[%dma_start3A_110, %dma_start3A_111] : memref<10128x128xf32, #tpu.memory_space<vmem_shared>> -> memref<10128x128xf32, #tpu.memory_space<vmem_shared>>
        tpu.enqueue_indirect_dma source(%arg9 : memref<128x128xf32, #tpu.memory_space<vmem>>) target(%dma_start3A_112 : memref<10128x128xf32, #tpu.memory_space<vmem_shared>>) offsets(%dma_start3A_109 : memref<128xi32, #tpu.memory_space<vmem>>) semaphore(%arg15 : memref<!tpu.dma_semaphore, #tpu.memory_space<semaphore_mem>>) {add = true}
        %dma_wait3A_113 = arith.constant 0 : i32
        %dma_wait3A_114 = arith.constant 0 : i32
        %dma_wait3A_115 = tpu.memref_slice %arg7[%dma_wait3A_113, %dma_wait3A_114] : memref<40x128xi32, #tpu.memory_space<vmem>> -> memref<1x128xi32, #tpu.memory_space<vmem>>
        %dma_wait3A_116 = tpu.memref_squeeze %dma_wait3A_115 : memref<1x128xi32, #tpu.memory_space<vmem>> -> memref<128xi32, #tpu.memory_space<vmem>>
        %dma_wait3A_117 = arith.constant 0 : i32
        %dma_wait3A_118 = arith.constant 0 : i32
        %dma_wait3A_119 = tpu.memref_slice %arg11[%dma_wait3A_117, %dma_wait3A_118] : memref<10128x128xf32, #tpu.memory_space<vmem_shared>> -> memref<10128x128xf32, #tpu.memory_space<vmem_shared>>
        tpu.wait_indirect_dma semaphore(%arg14 : memref<!tpu.dma_semaphore, #tpu.memory_space<semaphore_mem>>) src(%arg8 : memref<128x128xf32, #tpu.memory_space<vmem>>) dst(%dma_wait3A_119 : memref<10128x128xf32, #tpu.memory_space<vmem_shared>>)
        %lt3A = arith.constant 19 : i32
        %lt3A_120 = arith.cmpi slt, %add3A_69, %lt3A : i32
        %convert_element_type3A_121 = arith.extui %lt3A_120 : i1 to i32
        %cond3A_122 = arith.constant 0 : i32
        %cond3A_123 = arith.cmpi ne, %convert_element_type3A_121, %cond3A_122 : i32
        scf.if %cond3A_123 {
          %add3A_124 = arith.constant 2 : i32
          %add3A_125 = arith.addi %mul3A_71, %add3A_124 : i32
          %dma_start3A_126 = arith.constant 0 : i32
          %dma_start3A_127 = tpu.memref_slice %arg6[%add3A_125, %dma_start3A_126] : memref<40x128xi32, #tpu.memory_space<vmem>> -> memref<1x128xi32, #tpu.memory_space<vmem>>
          %dma_start3A_128 = tpu.memref_squeeze %dma_start3A_127 : memref<1x128xi32, #tpu.memory_space<vmem>> -> memref<128xi32, #tpu.memory_space<vmem>>
          %dma_start3A_129 = arith.constant 0 : i32
          %dma_start3A_130 = arith.constant 0 : i32
          %dma_start3A_131 = tpu.memref_slice %arg2[%dma_start3A_129, %dma_start3A_130] : memref<10000x128xf32, #tpu.memory_space<hbm>> -> memref<10000x128xf32, #tpu.memory_space<hbm>>
          tpu.enqueue_indirect_dma source(%dma_start3A_131 : memref<10000x128xf32, #tpu.memory_space<hbm>>) target(%arg8 : memref<128x128xf32, #tpu.memory_space<vmem>>) offsets(%dma_start3A_128 : memref<128xi32, #tpu.memory_space<vmem>>) semaphore(%arg12 : memref<!tpu.dma_semaphore, #tpu.memory_space<semaphore_mem>>)
        } else {
        }
      }
      %scan3A_57 = arith.constant 20 : i32
      %dma_wait3A_58 = arith.constant 0 : i32
      %dma_wait3A_59 = arith.constant 0 : i32
      %dma_wait3A_60 = tpu.memref_slice %arg7[%dma_wait3A_58, %dma_wait3A_59] : memref<40x128xi32, #tpu.memory_space<vmem>> -> memref<1x128xi32, #tpu.memory_space<vmem>>
      %dma_wait3A_61 = tpu.memref_squeeze %dma_wait3A_60 : memref<1x128xi32, #tpu.memory_space<vmem>> -> memref<128xi32, #tpu.memory_space<vmem>>
      %dma_wait3A_62 = arith.constant 0 : i32
      %dma_wait3A_63 = arith.constant 0 : i32
      %dma_wait3A_64 = tpu.memref_slice %arg11[%dma_wait3A_62, %dma_wait3A_63] : memref<10128x128xf32, #tpu.memory_space<vmem_shared>> -> memref<10128x128xf32, #tpu.memory_space<vmem_shared>>
      tpu.wait_indirect_dma semaphore(%arg15 : memref<!tpu.dma_semaphore, #tpu.memory_space<semaphore_mem>>) src(%arg9 : memref<128x128xf32, #tpu.memory_space<vmem>>) dst(%dma_wait3A_64 : memref<10128x128xf32, #tpu.memory_space<vmem_shared>>)
    }
    %scan3A_32 = arith.constant 2 : i32
    %barrier3A_33 = arith.constant 0 : index
    tpu.barrier barrier_id(%barrier3A_33)
    %scan3A_34 = arith.constant 0 : i32
    %scan3A_35 = arith.constant 16 : i32
    %scan3A_36 = arith.addi %scan3A_34, %scan3A_35 : i32
    %scan3A_37 = arith.constant 1 : i32
    scf.for %scan3A_39 = %scan3A_34 to %scan3A_36 step %scan3A_37  : i32 {
      %mul3A_40 = arith.constant 1 : i32
      %mul3A_41 = arith.muli %scan3A_39, %mul3A_40 : i32
      %add3A_42 = arith.constant 0 : i32
      %add3A_43 = arith.addi %add3A_42, %mul3A_41 : i32
      %mul3A_44 = arith.constant 16 : i32
      %mul3A_45 = arith.muli %add3A_43, %mul3A_44 : i32
      %add3A_46 = arith.addi %mul3A_45, %arg1 : i32
      %lt3A = arith.constant 250 : i32
      %lt3A_47 = arith.cmpi slt, %add3A_46, %lt3A : i32
      %convert_element_type3A = arith.extui %lt3A_47 : i1 to i32
      %cond3A = arith.constant 0 : i32
      %cond3A_48 = arith.cmpi ne, %convert_element_type3A, %cond3A : i32
      scf.if %cond3A_48 {
        %mul3A_49 = arith.constant 40 : i32
        %mul3A_50 = arith.muli %add3A_46, %mul3A_49 : i32
        %mul3A_51 = arith.constant 10000 : i32
        %mul3A_52 = arith.muli %arg0, %mul3A_51 : i32
        %add3A_53 = arith.addi %mul3A_52, %mul3A_50 : i32
        "tpu.region"() ({
          %run_scoped3A = tpu.sem_alloc : memref<!tpu.dma_semaphore, #tpu.memory_space<semaphore_mem>>
          %dma_start3A_54 = arith.constant 0 : i32
          %dma_start3A_55 = tpu.memref_slice %arg5[%add3A_53, %dma_start3A_54] : memref<20000x128xf32, #tpu.memory_space<hbm>> -> memref<40x128xf32, #tpu.memory_space<hbm>>
          %dma_start3A_56 = arith.constant 0 : i32
          %dma_start3A_57 = tpu.memref_slice %arg11[%mul3A_50, %dma_start3A_56] : memref<10128x128xf32, #tpu.memory_space<vmem_shared>> -> memref<40x128xf32, #tpu.memory_space<vmem_shared>>
          tpu.enqueue_dma source(%dma_start3A_57 : memref<40x128xf32, #tpu.memory_space<vmem_shared>>) target(%dma_start3A_55 : memref<40x128xf32, #tpu.memory_space<hbm>>) target_semaphore(%run_scoped3A : memref<!tpu.dma_semaphore, #tpu.memory_space<semaphore_mem>>)
          %dma_wait3A_58 = arith.constant 0 : i32
          %dma_wait3A_59 = tpu.memref_slice %arg5[%add3A_53, %dma_wait3A_58] : memref<20000x128xf32, #tpu.memory_space<hbm>> -> memref<40x128xf32, #tpu.memory_space<hbm>>
          %dma_wait3A_60 = arith.constant 0 : i32
          %dma_wait3A_61 = tpu.memref_slice %arg11[%mul3A_50, %dma_wait3A_60] : memref<10128x128xf32, #tpu.memory_space<vmem_shared>> -> memref<40x128xf32, #tpu.memory_space<vmem_shared>>
          tpu.wait_dma2 semaphore(%run_scoped3A : memref<!tpu.dma_semaphore, #tpu.memory_space<semaphore_mem>>) src(%dma_wait3A_61 : memref<40x128xf32, #tpu.memory_space<vmem_shared>>) dst(%dma_wait3A_59 : memref<40x128xf32, #tpu.memory_space<hbm>>)
          tpu.yield
        }) : () -> ()
      } else {
      }
    }
    %scan3A_38 = arith.constant 16 : i32
    return
  }
}

#map = affine_map<(d0, d1) -> (0, 0)>
module attributes {stable_mosaic.version = 14 : i64} {
  func.func @agg_kernel(%arg0: i32, %arg1: i32, %arg2: memref<10000x128xf32, #tpu.memory_space<hbm>>, %arg3: memref<2560x128xi32, #tpu.memory_space<hbm>>, %arg4: memref<2560x128xi32, #tpu.memory_space<hbm>>, %arg5: memref<20000x128xf32, #tpu.memory_space<hbm>>, %arg6: memref<40x128xi32, #tpu.memory_space<vmem>>, %arg7: memref<40x128xi32, #tpu.memory_space<vmem>>, %arg8: memref<128x128xf32, #tpu.memory_space<vmem>>, %arg9: memref<128x128xf32, #tpu.memory_space<vmem>>, %arg10: memref<40x128xf32, #tpu.memory_space<vmem>>, %arg11: memref<10128x128xf32, #tpu.memory_space<vmem_shared>>, %arg12: memref<!tpu.dma_semaphore, #tpu.memory_space<semaphore_mem>>, %arg13: memref<!tpu.dma_semaphore, #tpu.memory_space<semaphore_mem>>, %arg14: memref<!tpu.dma_semaphore, #tpu.memory_space<semaphore_mem>>, %arg15: memref<!tpu.dma_semaphore, #tpu.memory_space<semaphore_mem>>) attributes {dimension_semantics = [#tpu.dimension_semantics<core_parallel>, #tpu.dimension_semantics<subcore_parallel>], iteration_bounds = array<i64: 2, 16>, scalar_prefetch = 0 : i64, scratch_operands = 10 : i64, tpu.core_type = #tpu.core_type<sc_vector_subcore>, window_params = [{transform_indices = #map}, {transform_indices = #map}, {transform_indices = #map}, {transform_indices = #map}]} {
    %mul3A = arith.constant 16 : i32
    %mul3A_0 = arith.muli %arg0, %mul3A : i32
    %add3A = arith.addi %mul3A_0, %arg1 : i32
    %scan3A = arith.constant 0 : i32
    %scan3A_1 = arith.constant 40 : i32
    %scan3A_2 = arith.addi %scan3A, %scan3A_1 : i32
    %scan3A_3 = arith.constant 1 : i32
    scf.for %scan3A_39 = %scan3A to %scan3A_2 step %scan3A_3  : i32 {
      %mul3A_40 = arith.constant 1 : i32
      %mul3A_41 = arith.muli %scan3A_39, %mul3A_40 : i32
      %add3A_42 = arith.constant 0 : i32
      %add3A_43 = arith.addi %add3A_42, %mul3A_41 : i32
      %scan3A_44 = arith.constant 0 : i32
      %scan3A_45 = arith.constant 8 : i32
      %scan3A_46 = arith.addi %scan3A_44, %scan3A_45 : i32
      %scan3A_47 = arith.constant 1 : i32
      scf.for %scan3A_49 = %scan3A_44 to %scan3A_46 step %scan3A_47  : i32 {
        %mul3A_50 = arith.constant 16 : i32
        %mul3A_51 = arith.muli %scan3A_49, %mul3A_50 : i32
        %add3A_52 = arith.constant 0 : i32
        %add3A_53 = arith.addi %add3A_52, %mul3A_51 : i32
        %broadcast_in_dim3A = arith.constant 0.000000e+00 : f32
        %broadcast_in_dim3A_54 = vector.broadcast %broadcast_in_dim3A : f32 to vector<16xf32>
        %swap3A = arith.index_cast %add3A_43 : i32 to index
        %swap3A_55 = arith.index_cast %add3A_53 : i32 to index
        %swap3A_56 = tpu.vector_load %arg10[%swap3A, %swap3A_55] {strides = array<i32>} : memref<40x128xf32, #tpu.memory_space<vmem>>, vector<1x16xf32>,
        %swap3A_57 = vector.shape_cast %swap3A_56 : vector<1x16xf32> to vector<16xf32>
        %swap3A_58 = vector.shape_cast %broadcast_in_dim3A_54 : vector<16xf32> to vector<1x16xf32>
        tpu.vector_store %arg10[%swap3A, %swap3A_55], %swap3A_58 {strides = array<i32>} : memref<40x128xf32, #tpu.memory_space<vmem>>, vector<1x16xf32>,
      }
      %scan3A_48 = arith.constant 8 : i32
    }
    %scan3A_4 = arith.constant 40 : i32
    %mul3A_5 = arith.constant 80 : i32
    %mul3A_6 = arith.muli %add3A, %mul3A_5 : i32
    %add3A_7 = arith.constant 0 : i32
    %add3A_8 = arith.addi %mul3A_6, %add3A_7 : i32
    %dma_start3A = arith.constant 0 : i32
    %dma_start3A_9 = tpu.memref_slice %arg3[%add3A_8, %dma_start3A] : memref<2560x128xi32, #tpu.memory_space<hbm>> -> memref<40x128xi32, #tpu.memory_space<hbm>>
    %dma_start3A_10 = arith.constant 0 : i32
    %dma_start3A_11 = tpu.memref_slice %arg3[%add3A_8, %dma_start3A_10] : memref<2560x128xi32, #tpu.memory_space<hbm>> -> memref<40x128xi32, #tpu.memory_space<hbm>>
    tpu.enqueue_dma source(%dma_start3A_11 : memref<40x128xi32, #tpu.memory_space<hbm>>) target(%arg6 : memref<40x128xi32, #tpu.memory_space<vmem>>) target_semaphore(%arg12 : memref<!tpu.dma_semaphore, #tpu.memory_space<semaphore_mem>>)
    %dma_start3A_12 = arith.constant 0 : i32
    %dma_start3A_13 = tpu.memref_slice %arg4[%add3A_8, %dma_start3A_12] : memref<2560x128xi32, #tpu.memory_space<hbm>> -> memref<40x128xi32, #tpu.memory_space<hbm>>
    %dma_start3A_14 = arith.constant 0 : i32
    %dma_start3A_15 = tpu.memref_slice %arg4[%add3A_8, %dma_start3A_14] : memref<2560x128xi32, #tpu.memory_space<hbm>> -> memref<40x128xi32, #tpu.memory_space<hbm>>
    tpu.enqueue_dma source(%dma_start3A_15 : memref<40x128xi32, #tpu.memory_space<hbm>>) target(%arg7 : memref<40x128xi32, #tpu.memory_space<vmem>>) target_semaphore(%arg13 : memref<!tpu.dma_semaphore, #tpu.memory_space<semaphore_mem>>)
    %dma_wait3A = arith.constant 0 : i32
    %dma_wait3A_16 = tpu.memref_slice %arg3[%add3A_8, %dma_wait3A] : memref<2560x128xi32, #tpu.memory_space<hbm>> -> memref<40x128xi32, #tpu.memory_space<hbm>>
    %dma_wait3A_17 = arith.constant 0 : i32
    %dma_wait3A_18 = tpu.memref_slice %arg3[%add3A_8, %dma_wait3A_17] : memref<2560x128xi32, #tpu.memory_space<hbm>> -> memref<40x128xi32, #tpu.memory_space<hbm>>
    tpu.wait_dma2 semaphore(%arg12 : memref<!tpu.dma_semaphore, #tpu.memory_space<semaphore_mem>>) src(%dma_wait3A_18 : memref<40x128xi32, #tpu.memory_space<hbm>>) dst(%arg6 : memref<40x128xi32, #tpu.memory_space<vmem>>)
    %dma_wait3A_19 = arith.constant 0 : i32
    %dma_wait3A_20 = tpu.memref_slice %arg4[%add3A_8, %dma_wait3A_19] : memref<2560x128xi32, #tpu.memory_space<hbm>> -> memref<40x128xi32, #tpu.memory_space<hbm>>
    %dma_wait3A_21 = arith.constant 0 : i32
    %dma_wait3A_22 = tpu.memref_slice %arg4[%add3A_8, %dma_wait3A_21] : memref<2560x128xi32, #tpu.memory_space<hbm>> -> memref<40x128xi32, #tpu.memory_space<hbm>>
    tpu.wait_dma2 semaphore(%arg13 : memref<!tpu.dma_semaphore, #tpu.memory_space<semaphore_mem>>) src(%dma_wait3A_22 : memref<40x128xi32, #tpu.memory_space<hbm>>) dst(%arg7 : memref<40x128xi32, #tpu.memory_space<vmem>>)
    %scan3A_23 = arith.constant 0 : i32
    %scan3A_24 = arith.constant 16 : i32
    %scan3A_25 = arith.addi %scan3A_23, %scan3A_24 : i32
    %scan3A_26 = arith.constant 1 : i32
    scf.for %scan3A_39 = %scan3A_23 to %scan3A_25 step %scan3A_26  : i32 {
      %mul3A_40 = arith.constant 1 : i32
      %mul3A_41 = arith.muli %scan3A_39, %mul3A_40 : i32
      %add3A_42 = arith.constant 0 : i32
      %add3A_43 = arith.addi %add3A_42, %mul3A_41 : i32
      %mul3A_44 = arith.constant 16 : i32
      %mul3A_45 = arith.muli %add3A_43, %mul3A_44 : i32
      %add3A_46 = arith.addi %mul3A_45, %arg1 : i32
      %lt3A = arith.constant 250 : i32
      %lt3A_47 = arith.cmpi slt, %add3A_46, %lt3A : i32
      %convert_element_type3A = arith.extui %lt3A_47 : i1 to i32
      %cond3A = arith.constant 0 : i32
      %cond3A_48 = arith.cmpi ne, %convert_element_type3A, %cond3A : i32
      scf.if %cond3A_48 {
        %mul3A_49 = arith.constant 40 : i32
        %mul3A_50 = arith.muli %add3A_46, %mul3A_49 : i32
        "tpu.region"() ({
          %run_scoped3A = tpu.sem_alloc : memref<!tpu.dma_semaphore, #tpu.memory_space<semaphore_mem>>
          %dma_start3A_51 = arith.constant 0 : i32
          %dma_start3A_52 = tpu.memref_slice %arg11[%mul3A_50, %dma_start3A_51] : memref<10128x128xf32, #tpu.memory_space<vmem_shared>> -> memref<40x128xf32, #tpu.memory_space<vmem_shared>>
          %dma_start3A_53 = arith.constant 0 : i32
          %dma_start3A_54 = tpu.memref_slice %arg11[%mul3A_50, %dma_start3A_53] : memref<10128x128xf32, #tpu.memory_space<vmem_shared>> -> memref<40x128xf32, #tpu.memory_space<vmem_shared>>
          tpu.enqueue_dma source(%arg10 : memref<40x128xf32, #tpu.memory_space<vmem>>) target(%dma_start3A_54 : memref<40x128xf32, #tpu.memory_space<vmem_shared>>) target_semaphore(%run_scoped3A : memref<!tpu.dma_semaphore, #tpu.memory_space<semaphore_mem>>)
          %dma_wait3A_55 = arith.constant 0 : i32
          %dma_wait3A_56 = tpu.memref_slice %arg11[%mul3A_50, %dma_wait3A_55] : memref<10128x128xf32, #tpu.memory_space<vmem_shared>> -> memref<40x128xf32, #tpu.memory_space<vmem_shared>>
          %dma_wait3A_57 = arith.constant 0 : i32
          %dma_wait3A_58 = tpu.memref_slice %arg11[%mul3A_50, %dma_wait3A_57] : memref<10128x128xf32, #tpu.memory_space<vmem_shared>> -> memref<40x128xf32, #tpu.memory_space<vmem_shared>>
          tpu.wait_dma2 semaphore(%run_scoped3A : memref<!tpu.dma_semaphore, #tpu.memory_space<semaphore_mem>>) src(%arg10 : memref<40x128xf32, #tpu.memory_space<vmem>>) dst(%dma_wait3A_58 : memref<40x128xf32, #tpu.memory_space<vmem_shared>>)
          tpu.yield
        }) : () -> ()
      } else {
      }
    }
    %scan3A_27 = arith.constant 16 : i32
    %barrier3A = arith.constant 0 : index
    tpu.barrier barrier_id(%barrier3A)
    %scan3A_28 = arith.constant 0 : i32
    %scan3A_29 = arith.constant 2 : i32
    %scan3A_30 = arith.addi %scan3A_28, %scan3A_29 : i32
    %scan3A_31 = arith.constant 1 : i32
    scf.for %scan3A_39 = %scan3A_28 to %scan3A_30 step %scan3A_31  : i32 {
      %mul3A_40 = arith.constant 1 : i32
      %mul3A_41 = arith.muli %scan3A_39, %mul3A_40 : i32
      %add3A_42 = arith.constant 0 : i32
      %add3A_43 = arith.addi %add3A_42, %mul3A_41 : i32
      %gt3A = arith.constant 0 : i32
      %gt3A_44 = arith.cmpi sgt, %add3A_43, %gt3A : i32
      %convert_element_type3A = arith.extui %gt3A_44 : i1 to i32
      %cond3A = arith.constant 0 : i32
      %cond3A_45 = arith.cmpi ne, %convert_element_type3A, %cond3A : i32
      scf.if %cond3A_45 {
        %mul3A_65 = arith.constant 80 : i32
        %mul3A_66 = arith.muli %add3A, %mul3A_65 : i32
        %mul3A_67 = arith.constant 40 : i32
        %mul3A_68 = arith.muli %add3A_43, %mul3A_67 : i32
        %add3A_69 = arith.addi %mul3A_66, %mul3A_68 : i32
        %dma_start3A_70 = arith.constant 0 : i32
        %dma_start3A_71 = tpu.memref_slice %arg3[%add3A_69, %dma_start3A_70] : memref<2560x128xi32, #tpu.memory_space<hbm>> -> memref<40x128xi32, #tpu.memory_space<hbm>>
        %dma_start3A_72 = arith.constant 0 : i32
        %dma_start3A_73 = tpu.memref_slice %arg3[%add3A_69, %dma_start3A_72] : memref<2560x128xi32, #tpu.memory_space<hbm>> -> memref<40x128xi32, #tpu.memory_space<hbm>>
        tpu.enqueue_dma source(%dma_start3A_73 : memref<40x128xi32, #tpu.memory_space<hbm>>) target(%arg6 : memref<40x128xi32, #tpu.memory_space<vmem>>) target_semaphore(%arg12 : memref<!tpu.dma_semaphore, #tpu.memory_space<semaphore_mem>>)
        %dma_start3A_74 = arith.constant 0 : i32
        %dma_start3A_75 = tpu.memref_slice %arg4[%add3A_69, %dma_start3A_74] : memref<2560x128xi32, #tpu.memory_space<hbm>> -> memref<40x128xi32, #tpu.memory_space<hbm>>
        %dma_start3A_76 = arith.constant 0 : i32
        %dma_start3A_77 = tpu.memref_slice %arg4[%add3A_69, %dma_start3A_76] : memref<2560x128xi32, #tpu.memory_space<hbm>> -> memref<40x128xi32, #tpu.memory_space<hbm>>
        tpu.enqueue_dma source(%dma_start3A_77 : memref<40x128xi32, #tpu.memory_space<hbm>>) target(%arg7 : memref<40x128xi32, #tpu.memory_space<vmem>>) target_semaphore(%arg13 : memref<!tpu.dma_semaphore, #tpu.memory_space<semaphore_mem>>)
        %dma_wait3A_78 = arith.constant 0 : i32
        %dma_wait3A_79 = tpu.memref_slice %arg3[%add3A_69, %dma_wait3A_78] : memref<2560x128xi32, #tpu.memory_space<hbm>> -> memref<40x128xi32, #tpu.memory_space<hbm>>
        %dma_wait3A_80 = arith.constant 0 : i32
        %dma_wait3A_81 = tpu.memref_slice %arg3[%add3A_69, %dma_wait3A_80] : memref<2560x128xi32, #tpu.memory_space<hbm>> -> memref<40x128xi32, #tpu.memory_space<hbm>>
        tpu.wait_dma2 semaphore(%arg12 : memref<!tpu.dma_semaphore, #tpu.memory_space<semaphore_mem>>) src(%dma_wait3A_81 : memref<40x128xi32, #tpu.memory_space<hbm>>) dst(%arg6 : memref<40x128xi32, #tpu.memory_space<vmem>>)
        %dma_wait3A_82 = arith.constant 0 : i32
        %dma_wait3A_83 = tpu.memref_slice %arg4[%add3A_69, %dma_wait3A_82] : memref<2560x128xi32, #tpu.memory_space<hbm>> -> memref<40x128xi32, #tpu.memory_space<hbm>>
        %dma_wait3A_84 = arith.constant 0 : i32
        %dma_wait3A_85 = tpu.memref_slice %arg4[%add3A_69, %dma_wait3A_84] : memref<2560x128xi32, #tpu.memory_space<hbm>> -> memref<40x128xi32, #tpu.memory_space<hbm>>
        tpu.wait_dma2 semaphore(%arg13 : memref<!tpu.dma_semaphore, #tpu.memory_space<semaphore_mem>>) src(%dma_wait3A_85 : memref<40x128xi32, #tpu.memory_space<hbm>>) dst(%arg7 : memref<40x128xi32, #tpu.memory_space<vmem>>)
      } else {
      }
      %dma_start3A_46 = arith.constant 0 : i32
      %dma_start3A_47 = arith.constant 0 : i32
      %dma_start3A_48 = tpu.memref_slice %arg6[%dma_start3A_46, %dma_start3A_47] : memref<40x128xi32, #tpu.memory_space<vmem>> -> memref<1x128xi32, #tpu.memory_space<vmem>>
      %dma_start3A_49 = tpu.memref_squeeze %dma_start3A_48 : memref<1x128xi32, #tpu.memory_space<vmem>> -> memref<128xi32, #tpu.memory_space<vmem>>
      %dma_start3A_50 = arith.constant 0 : i32
      %dma_start3A_51 = arith.constant 0 : i32
      %dma_start3A_52 = tpu.memref_slice %arg2[%dma_start3A_50, %dma_start3A_51] : memref<10000x128xf32, #tpu.memory_space<hbm>> -> memref<10000x128xf32, #tpu.memory_space<hbm>>
      tpu.enqueue_indirect_dma source(%dma_start3A_52 : memref<10000x128xf32, #tpu.memory_space<hbm>>) target(%arg8 : memref<128x128xf32, #tpu.memory_space<vmem>>) offsets(%dma_start3A_49 : memref<128xi32, #tpu.memory_space<vmem>>) semaphore(%arg12 : memref<!tpu.dma_semaphore, #tpu.memory_space<semaphore_mem>>)
      %scan3A_53 = arith.constant 0 : i32
      %scan3A_54 = arith.constant 20 : i32
      %scan3A_55 = arith.addi %scan3A_53, %scan3A_54 : i32
      %scan3A_56 = arith.constant 1 : i32
      scf.for %scan3A_65 = %scan3A_53 to %scan3A_55 step %scan3A_56  : i32 {
        %mul3A_66 = arith.constant 1 : i32
        %mul3A_67 = arith.muli %scan3A_65, %mul3A_66 : i32
        %add3A_68 = arith.constant 0 : i32
        %add3A_69 = arith.addi %add3A_68, %mul3A_67 : i32
        %mul3A_70 = arith.constant 2 : i32
        %mul3A_71 = arith.muli %mul3A_70, %add3A_69 : i32
        %dma_wait3A_72 = arith.constant 0 : i32
        %dma_wait3A_73 = arith.constant 0 : i32
        %dma_wait3A_74 = tpu.memref_slice %arg6[%dma_wait3A_72, %dma_wait3A_73] : memref<40x128xi32, #tpu.memory_space<vmem>> -> memref<1x128xi32, #tpu.memory_space<vmem>>
        %dma_wait3A_75 = tpu.memref_squeeze %dma_wait3A_74 : memref<1x128xi32, #tpu.memory_space<vmem>> -> memref<128xi32, #tpu.memory_space<vmem>>
        %dma_wait3A_76 = arith.constant 0 : i32
        %dma_wait3A_77 = arith.constant 0 : i32
        %dma_wait3A_78 = tpu.memref_slice %arg2[%dma_wait3A_76, %dma_wait3A_77] : memref<10000x128xf32, #tpu.memory_space<hbm>> -> memref<10000x128xf32, #tpu.memory_space<hbm>>
        tpu.wait_indirect_dma semaphore(%arg12 : memref<!tpu.dma_semaphore, #tpu.memory_space<semaphore_mem>>) src(%dma_wait3A_78 : memref<10000x128xf32, #tpu.memory_space<hbm>>) dst(%arg8 : memref<128x128xf32, #tpu.memory_space<vmem>>)
        %dma_start3A_79 = arith.constant 0 : i32
        %dma_start3A_80 = tpu.memref_slice %arg7[%mul3A_71, %dma_start3A_79] : memref<40x128xi32, #tpu.memory_space<vmem>> -> memref<1x128xi32, #tpu.memory_space<vmem>>
        %dma_start3A_81 = tpu.memref_squeeze %dma_start3A_80 : memref<1x128xi32, #tpu.memory_space<vmem>> -> memref<128xi32, #tpu.memory_space<vmem>>
        %dma_start3A_82 = arith.constant 0 : i32
        %dma_start3A_83 = arith.constant 0 : i32
        %dma_start3A_84 = tpu.memref_slice %arg11[%dma_start3A_82, %dma_start3A_83] : memref<10128x128xf32, #tpu.memory_space<vmem_shared>> -> memref<10128x128xf32, #tpu.memory_space<vmem_shared>>
        tpu.enqueue_indirect_dma source(%arg8 : memref<128x128xf32, #tpu.memory_space<vmem>>) target(%dma_start3A_84 : memref<10128x128xf32, #tpu.memory_space<vmem_shared>>) offsets(%dma_start3A_81 : memref<128xi32, #tpu.memory_space<vmem>>) semaphore(%arg14 : memref<!tpu.dma_semaphore, #tpu.memory_space<semaphore_mem>>) {add = true}
        %gt3A_85 = arith.constant 0 : i32
        %gt3A_86 = arith.cmpi sgt, %add3A_69, %gt3A_85 : i32
        %convert_element_type3A_87 = arith.extui %gt3A_86 : i1 to i32
        %cond3A_88 = arith.constant 0 : i32
        %cond3A_89 = arith.cmpi ne, %convert_element_type3A_87, %cond3A_88 : i32
        scf.if %cond3A_89 {
          %dma_wait3A_124 = arith.constant 0 : i32
          %dma_wait3A_125 = arith.constant 0 : i32
          %dma_wait3A_126 = tpu.memref_slice %arg7[%dma_wait3A_124, %dma_wait3A_125] : memref<40x128xi32, #tpu.memory_space<vmem>> -> memref<1x128xi32, #tpu.memory_space<vmem>>
          %dma_wait3A_127 = tpu.memref_squeeze %dma_wait3A_126 : memref<1x128xi32, #tpu.memory_space<vmem>> -> memref<128xi32, #tpu.memory_space<vmem>>
          %dma_wait3A_128 = arith.constant 0 : i32
          %dma_wait3A_129 = arith.constant 0 : i32
          %dma_wait3A_130 = tpu.memref_slice %arg11[%dma_wait3A_128, %dma_wait3A_129] : memref<10128x128xf32, #tpu.memory_space<vmem_shared>> -> memref<10128x128xf32, #tpu.memory_space<vmem_shared>>
          tpu.wait_indirect_dma semaphore(%arg15 : memref<!tpu.dma_semaphore, #tpu.memory_space<semaphore_mem>>) src(%arg9 : memref<128x128xf32, #tpu.memory_space<vmem>>) dst(%dma_wait3A_130 : memref<10128x128xf32, #tpu.memory_space<vmem_shared>>)
        } else {
        }
        %add3A_90 = arith.constant 1 : i32
        %add3A_91 = arith.addi %mul3A_71, %add3A_90 : i32
        %dma_start3A_92 = arith.constant 0 : i32
        %dma_start3A_93 = tpu.memref_slice %arg6[%add3A_91, %dma_start3A_92] : memref<40x128xi32, #tpu.memory_space<vmem>> -> memref<1x128xi32, #tpu.memory_space<vmem>>
        %dma_start3A_94 = tpu.memref_squeeze %dma_start3A_93 : memref<1x128xi32, #tpu.memory_space<vmem>> -> memref<128xi32, #tpu.memory_space<vmem>>
        %dma_start3A_95 = arith.constant 0 : i32
        %dma_start3A_96 = arith.constant 0 : i32
        %dma_start3A_97 = tpu.memref_slice %arg2[%dma_start3A_95, %dma_start3A_96] : memref<10000x128xf32, #tpu.memory_space<hbm>> -> memref<10000x128xf32, #tpu.memory_space<hbm>>
        tpu.enqueue_indirect_dma source(%dma_start3A_97 : memref<10000x128xf32, #tpu.memory_space<hbm>>) target(%arg9 : memref<128x128xf32, #tpu.memory_space<vmem>>) offsets(%dma_start3A_94 : memref<128xi32, #tpu.memory_space<vmem>>) semaphore(%arg13 : memref<!tpu.dma_semaphore, #tpu.memory_space<semaphore_mem>>)
        %dma_wait3A_98 = arith.constant 0 : i32
        %dma_wait3A_99 = arith.constant 0 : i32
        %dma_wait3A_100 = tpu.memref_slice %arg6[%dma_wait3A_98, %dma_wait3A_99] : memref<40x128xi32, #tpu.memory_space<vmem>> -> memref<1x128xi32, #tpu.memory_space<vmem>>
        %dma_wait3A_101 = tpu.memref_squeeze %dma_wait3A_100 : memref<1x128xi32, #tpu.memory_space<vmem>> -> memref<128xi32, #tpu.memory_space<vmem>>
        %dma_wait3A_102 = arith.constant 0 : i32
        %dma_wait3A_103 = arith.constant 0 : i32
        %dma_wait3A_104 = tpu.memref_slice %arg2[%dma_wait3A_102, %dma_wait3A_103] : memref<10000x128xf32, #tpu.memory_space<hbm>> -> memref<10000x128xf32, #tpu.memory_space<hbm>>
        tpu.wait_indirect_dma semaphore(%arg13 : memref<!tpu.dma_semaphore, #tpu.memory_space<semaphore_mem>>) src(%dma_wait3A_104 : memref<10000x128xf32, #tpu.memory_space<hbm>>) dst(%arg9 : memref<128x128xf32, #tpu.memory_space<vmem>>)
        %add3A_105 = arith.constant 1 : i32
        %add3A_106 = arith.addi %mul3A_71, %add3A_105 : i32
        %dma_start3A_107 = arith.constant 0 : i32
        %dma_start3A_108 = tpu.memref_slice %arg7[%add3A_106, %dma_start3A_107] : memref<40x128xi32, #tpu.memory_space<vmem>> -> memref<1x128xi32, #tpu.memory_space<vmem>>
        %dma_start3A_109 = tpu.memref_squeeze %dma_start3A_108 : memref<1x128xi32, #tpu.memory_space<vmem>> -> memref<128xi32, #tpu.memory_space<vmem>>
        %dma_start3A_110 = arith.constant 0 : i32
        %dma_start3A_111 = arith.constant 0 : i32
        %dma_start3A_112 = tpu.memref_slice %arg11[%dma_start3A_110, %dma_start3A_111] : memref<10128x128xf32, #tpu.memory_space<vmem_shared>> -> memref<10128x128xf32, #tpu.memory_space<vmem_shared>>
        tpu.enqueue_indirect_dma source(%arg9 : memref<128x128xf32, #tpu.memory_space<vmem>>) target(%dma_start3A_112 : memref<10128x128xf32, #tpu.memory_space<vmem_shared>>) offsets(%dma_start3A_109 : memref<128xi32, #tpu.memory_space<vmem>>) semaphore(%arg15 : memref<!tpu.dma_semaphore, #tpu.memory_space<semaphore_mem>>) {add = true}
        %dma_wait3A_113 = arith.constant 0 : i32
        %dma_wait3A_114 = arith.constant 0 : i32
        %dma_wait3A_115 = tpu.memref_slice %arg7[%dma_wait3A_113, %dma_wait3A_114] : memref<40x128xi32, #tpu.memory_space<vmem>> -> memref<1x128xi32, #tpu.memory_space<vmem>>
        %dma_wait3A_116 = tpu.memref_squeeze %dma_wait3A_115 : memref<1x128xi32, #tpu.memory_space<vmem>> -> memref<128xi32, #tpu.memory_space<vmem>>
        %dma_wait3A_117 = arith.constant 0 : i32
        %dma_wait3A_118 = arith.constant 0 : i32
        %dma_wait3A_119 = tpu.memref_slice %arg11[%dma_wait3A_117, %dma_wait3A_118] : memref<10128x128xf32, #tpu.memory_space<vmem_shared>> -> memref<10128x128xf32, #tpu.memory_space<vmem_shared>>
        tpu.wait_indirect_dma semaphore(%arg14 : memref<!tpu.dma_semaphore, #tpu.memory_space<semaphore_mem>>) src(%arg8 : memref<128x128xf32, #tpu.memory_space<vmem>>) dst(%dma_wait3A_119 : memref<10128x128xf32, #tpu.memory_space<vmem_shared>>)
        %lt3A = arith.constant 19 : i32
        %lt3A_120 = arith.cmpi slt, %add3A_69, %lt3A : i32
        %convert_element_type3A_121 = arith.extui %lt3A_120 : i1 to i32
        %cond3A_122 = arith.constant 0 : i32
        %cond3A_123 = arith.cmpi ne, %convert_element_type3A_121, %cond3A_122 : i32
        scf.if %cond3A_123 {
          %add3A_124 = arith.constant 2 : i32
          %add3A_125 = arith.addi %mul3A_71, %add3A_124 : i32
          %dma_start3A_126 = arith.constant 0 : i32
          %dma_start3A_127 = tpu.memref_slice %arg6[%add3A_125, %dma_start3A_126] : memref<40x128xi32, #tpu.memory_space<vmem>> -> memref<1x128xi32, #tpu.memory_space<vmem>>
          %dma_start3A_128 = tpu.memref_squeeze %dma_start3A_127 : memref<1x128xi32, #tpu.memory_space<vmem>> -> memref<128xi32, #tpu.memory_space<vmem>>
          %dma_start3A_129 = arith.constant 0 : i32
          %dma_start3A_130 = arith.constant 0 : i32
          %dma_start3A_131 = tpu.memref_slice %arg2[%dma_start3A_129, %dma_start3A_130] : memref<10000x128xf32, #tpu.memory_space<hbm>> -> memref<10000x128xf32, #tpu.memory_space<hbm>>
          tpu.enqueue_indirect_dma source(%dma_start3A_131 : memref<10000x128xf32, #tpu.memory_space<hbm>>) target(%arg8 : memref<128x128xf32, #tpu.memory_space<vmem>>) offsets(%dma_start3A_128 : memref<128xi32, #tpu.memory_space<vmem>>) semaphore(%arg12 : memref<!tpu.dma_semaphore, #tpu.memory_space<semaphore_mem>>)
        } else {
        }
      }
      %scan3A_57 = arith.constant 20 : i32
      %dma_wait3A_58 = arith.constant 0 : i32
      %dma_wait3A_59 = arith.constant 0 : i32
      %dma_wait3A_60 = tpu.memref_slice %arg7[%dma_wait3A_58, %dma_wait3A_59] : memref<40x128xi32, #tpu.memory_space<vmem>> -> memref<1x128xi32, #tpu.memory_space<vmem>>
      %dma_wait3A_61 = tpu.memref_squeeze %dma_wait3A_60 : memref<1x128xi32, #tpu.memory_space<vmem>> -> memref<128xi32, #tpu.memory_space<vmem>>
      %dma_wait3A_62 = arith.constant 0 : i32
      %dma_wait3A_63 = arith.constant 0 : i32
      %dma_wait3A_64 = tpu.memref_slice %arg11[%dma_wait3A_62, %dma_wait3A_63] : memref<10128x128xf32, #tpu.memory_space<vmem_shared>> -> memref<10128x128xf32, #tpu.memory_space<vmem_shared>>
      tpu.wait_indirect_dma semaphore(%arg15 : memref<!tpu.dma_semaphore, #tpu.memory_space<semaphore_mem>>) src(%arg9 : memref<128x128xf32, #tpu.memory_space<vmem>>) dst(%dma_wait3A_64 : memref<10128x128xf32, #tpu.memory_space<vmem_shared>>)
    }
    %scan3A_32 = arith.constant 2 : i32
    %barrier3A_33 = arith.constant 0 : index
    tpu.barrier barrier_id(%barrier3A_33)
    %scan3A_34 = arith.constant 0 : i32
    %scan3A_35 = arith.constant 16 : i32
    %scan3A_36 = arith.addi %scan3A_34, %scan3A_35 : i32
    %scan3A_37 = arith.constant 1 : i32
    scf.for %scan3A_39 = %scan3A_34 to %scan3A_36 step %scan3A_37  : i32 {
      %mul3A_40 = arith.constant 1 : i32
      %mul3A_41 = arith.muli %scan3A_39, %mul3A_40 : i32
      %add3A_42 = arith.constant 0 : i32
      %add3A_43 = arith.addi %add3A_42, %mul3A_41 : i32
      %mul3A_44 = arith.constant 16 : i32
      %mul3A_45 = arith.muli %add3A_43, %mul3A_44 : i32
      %add3A_46 = arith.addi %mul3A_45, %arg1 : i32
      %lt3A = arith.constant 250 : i32
      %lt3A_47 = arith.cmpi slt, %add3A_46, %lt3A : i32
      %convert_element_type3A = arith.extui %lt3A_47 : i1 to i32
      %cond3A = arith.constant 0 : i32
      %cond3A_48 = arith.cmpi ne, %convert_element_type3A, %cond3A : i32
      scf.if %cond3A_48 {
        %mul3A_49 = arith.constant 40 : i32
        %mul3A_50 = arith.muli %add3A_46, %mul3A_49 : i32
        %mul3A_51 = arith.constant 10000 : i32
        %mul3A_52 = arith.muli %arg0, %mul3A_51 : i32
        %add3A_53 = arith.addi %mul3A_52, %mul3A_50 : i32
        "tpu.region"() ({
          %run_scoped3A = tpu.sem_alloc : memref<!tpu.dma_semaphore, #tpu.memory_space<semaphore_mem>>
          %dma_start3A_54 = arith.constant 0 : i32
          %dma_start3A_55 = tpu.memref_slice %arg5[%add3A_53, %dma_start3A_54] : memref<20000x128xf32, #tpu.memory_space<hbm>> -> memref<40x128xf32, #tpu.memory_space<hbm>>
          %dma_start3A_56 = arith.constant 0 : i32
          %dma_start3A_57 = tpu.memref_slice %arg11[%mul3A_50, %dma_start3A_56] : memref<10128x128xf32, #tpu.memory_space<vmem_shared>> -> memref<40x128xf32, #tpu.memory_space<vmem_shared>>
          tpu.enqueue_dma source(%dma_start3A_57 : memref<40x128xf32, #tpu.memory_space<vmem_shared>>) target(%dma_start3A_55 : memref<40x128xf32, #tpu.memory_space<hbm>>) target_semaphore(%run_scoped3A : memref<!tpu.dma_semaphore, #tpu.memory_space<semaphore_mem>>)
          %dma_wait3A_58 = arith.constant 0 : i32
          %dma_wait3A_59 = tpu.memref_slice %arg5[%add3A_53, %dma_wait3A_58] : memref<20000x128xf32, #tpu.memory_space<hbm>> -> memref<40x128xf32, #tpu.memory_space<hbm>>
          %dma_wait3A_60 = arith.constant 0 : i32
          %dma_wait3A_61 = tpu.memref_slice %arg11[%mul3A_50, %dma_wait3A_60] : memref<10128x128xf32, #tpu.memory_space<vmem_shared>> -> memref<40x128xf32, #tpu.memory_space<vmem_shared>>
          tpu.wait_dma2 semaphore(%run_scoped3A : memref<!tpu.dma_semaphore, #tpu.memory_space<semaphore_mem>>) src(%dma_wait3A_61 : memref<40x128xf32, #tpu.memory_space<vmem_shared>>) dst(%dma_wait3A_59 : memref<40x128xf32, #tpu.memory_space<hbm>>)
          tpu.yield
        }) : () -> ()
      } else {
      }
    }
    %scan3A_38 = arith.constant 16 : i32
    return
  }
}

#map = affine_map<(d0, d1) -> (0, 0)>
module attributes {stable_mosaic.version = 14 : i64} {
  func.func @agg_kernel(%arg0: i32, %arg1: i32, %arg2: memref<10000x128xf32, #tpu.memory_space<hbm>>, %arg3: memref<2560x128xi32, #tpu.memory_space<hbm>>, %arg4: memref<2560x128xi32, #tpu.memory_space<hbm>>, %arg5: memref<20000x128xf32, #tpu.memory_space<hbm>>, %arg6: memref<40x128xi32, #tpu.memory_space<vmem>>, %arg7: memref<40x128xi32, #tpu.memory_space<vmem>>, %arg8: memref<128x128xf32, #tpu.memory_space<vmem>>, %arg9: memref<128x128xf32, #tpu.memory_space<vmem>>, %arg10: memref<40x128xf32, #tpu.memory_space<vmem>>, %arg11: memref<10128x128xf32, #tpu.memory_space<vmem_shared>>, %arg12: memref<!tpu.dma_semaphore, #tpu.memory_space<semaphore_mem>>, %arg13: memref<!tpu.dma_semaphore, #tpu.memory_space<semaphore_mem>>, %arg14: memref<!tpu.dma_semaphore, #tpu.memory_space<semaphore_mem>>, %arg15: memref<!tpu.dma_semaphore, #tpu.memory_space<semaphore_mem>>) attributes {dimension_semantics = [#tpu.dimension_semantics<core_parallel>, #tpu.dimension_semantics<subcore_parallel>], iteration_bounds = array<i64: 2, 16>, scalar_prefetch = 0 : i64, scratch_operands = 10 : i64, tpu.core_type = #tpu.core_type<sc_vector_subcore>, window_params = [{transform_indices = #map}, {transform_indices = #map}, {transform_indices = #map}, {transform_indices = #map}]} {
    %mul3A = arith.constant 16 : i32
    %mul3A_0 = arith.muli %arg0, %mul3A : i32
    %add3A = arith.addi %mul3A_0, %arg1 : i32
    %scan3A = arith.constant 0 : i32
    %scan3A_1 = arith.constant 40 : i32
    %scan3A_2 = arith.addi %scan3A, %scan3A_1 : i32
    %scan3A_3 = arith.constant 1 : i32
    scf.for %scan3A_39 = %scan3A to %scan3A_2 step %scan3A_3  : i32 {
      %mul3A_40 = arith.constant 1 : i32
      %mul3A_41 = arith.muli %scan3A_39, %mul3A_40 : i32
      %add3A_42 = arith.constant 0 : i32
      %add3A_43 = arith.addi %add3A_42, %mul3A_41 : i32
      %scan3A_44 = arith.constant 0 : i32
      %scan3A_45 = arith.constant 8 : i32
      %scan3A_46 = arith.addi %scan3A_44, %scan3A_45 : i32
      %scan3A_47 = arith.constant 1 : i32
      scf.for %scan3A_49 = %scan3A_44 to %scan3A_46 step %scan3A_47  : i32 {
        %mul3A_50 = arith.constant 16 : i32
        %mul3A_51 = arith.muli %scan3A_49, %mul3A_50 : i32
        %add3A_52 = arith.constant 0 : i32
        %add3A_53 = arith.addi %add3A_52, %mul3A_51 : i32
        %broadcast_in_dim3A = arith.constant 0.000000e+00 : f32
        %broadcast_in_dim3A_54 = vector.broadcast %broadcast_in_dim3A : f32 to vector<16xf32>
        %swap3A = arith.index_cast %add3A_43 : i32 to index
        %swap3A_55 = arith.index_cast %add3A_53 : i32 to index
        %swap3A_56 = tpu.vector_load %arg10[%swap3A, %swap3A_55] {strides = array<i32>} : memref<40x128xf32, #tpu.memory_space<vmem>>, vector<1x16xf32>,
        %swap3A_57 = vector.shape_cast %swap3A_56 : vector<1x16xf32> to vector<16xf32>
        %swap3A_58 = vector.shape_cast %broadcast_in_dim3A_54 : vector<16xf32> to vector<1x16xf32>
        tpu.vector_store %arg10[%swap3A, %swap3A_55], %swap3A_58 {strides = array<i32>} : memref<40x128xf32, #tpu.memory_space<vmem>>, vector<1x16xf32>,
      }
      %scan3A_48 = arith.constant 8 : i32
    }
    %scan3A_4 = arith.constant 40 : i32
    %mul3A_5 = arith.constant 80 : i32
    %mul3A_6 = arith.muli %add3A, %mul3A_5 : i32
    %add3A_7 = arith.constant 0 : i32
    %add3A_8 = arith.addi %mul3A_6, %add3A_7 : i32
    %dma_start3A = arith.constant 0 : i32
    %dma_start3A_9 = tpu.memref_slice %arg3[%add3A_8, %dma_start3A] : memref<2560x128xi32, #tpu.memory_space<hbm>> -> memref<40x128xi32, #tpu.memory_space<hbm>>
    %dma_start3A_10 = arith.constant 0 : i32
    %dma_start3A_11 = tpu.memref_slice %arg3[%add3A_8, %dma_start3A_10] : memref<2560x128xi32, #tpu.memory_space<hbm>> -> memref<40x128xi32, #tpu.memory_space<hbm>>
    tpu.enqueue_dma source(%dma_start3A_11 : memref<40x128xi32, #tpu.memory_space<hbm>>) target(%arg6 : memref<40x128xi32, #tpu.memory_space<vmem>>) target_semaphore(%arg12 : memref<!tpu.dma_semaphore, #tpu.memory_space<semaphore_mem>>)
    %dma_start3A_12 = arith.constant 0 : i32
    %dma_start3A_13 = tpu.memref_slice %arg4[%add3A_8, %dma_start3A_12] : memref<2560x128xi32, #tpu.memory_space<hbm>> -> memref<40x128xi32, #tpu.memory_space<hbm>>
    %dma_start3A_14 = arith.constant 0 : i32
    %dma_start3A_15 = tpu.memref_slice %arg4[%add3A_8, %dma_start3A_14] : memref<2560x128xi32, #tpu.memory_space<hbm>> -> memref<40x128xi32, #tpu.memory_space<hbm>>
    tpu.enqueue_dma source(%dma_start3A_15 : memref<40x128xi32, #tpu.memory_space<hbm>>) target(%arg7 : memref<40x128xi32, #tpu.memory_space<vmem>>) target_semaphore(%arg13 : memref<!tpu.dma_semaphore, #tpu.memory_space<semaphore_mem>>)
    %dma_wait3A = arith.constant 0 : i32
    %dma_wait3A_16 = tpu.memref_slice %arg3[%add3A_8, %dma_wait3A] : memref<2560x128xi32, #tpu.memory_space<hbm>> -> memref<40x128xi32, #tpu.memory_space<hbm>>
    %dma_wait3A_17 = arith.constant 0 : i32
    %dma_wait3A_18 = tpu.memref_slice %arg3[%add3A_8, %dma_wait3A_17] : memref<2560x128xi32, #tpu.memory_space<hbm>> -> memref<40x128xi32, #tpu.memory_space<hbm>>
    tpu.wait_dma2 semaphore(%arg12 : memref<!tpu.dma_semaphore, #tpu.memory_space<semaphore_mem>>) src(%dma_wait3A_18 : memref<40x128xi32, #tpu.memory_space<hbm>>) dst(%arg6 : memref<40x128xi32, #tpu.memory_space<vmem>>)
    %dma_wait3A_19 = arith.constant 0 : i32
    %dma_wait3A_20 = tpu.memref_slice %arg4[%add3A_8, %dma_wait3A_19] : memref<2560x128xi32, #tpu.memory_space<hbm>> -> memref<40x128xi32, #tpu.memory_space<hbm>>
    %dma_wait3A_21 = arith.constant 0 : i32
    %dma_wait3A_22 = tpu.memref_slice %arg4[%add3A_8, %dma_wait3A_21] : memref<2560x128xi32, #tpu.memory_space<hbm>> -> memref<40x128xi32, #tpu.memory_space<hbm>>
    tpu.wait_dma2 semaphore(%arg13 : memref<!tpu.dma_semaphore, #tpu.memory_space<semaphore_mem>>) src(%dma_wait3A_22 : memref<40x128xi32, #tpu.memory_space<hbm>>) dst(%arg7 : memref<40x128xi32, #tpu.memory_space<vmem>>)
    %scan3A_23 = arith.constant 0 : i32
    %scan3A_24 = arith.constant 16 : i32
    %scan3A_25 = arith.addi %scan3A_23, %scan3A_24 : i32
    %scan3A_26 = arith.constant 1 : i32
    scf.for %scan3A_39 = %scan3A_23 to %scan3A_25 step %scan3A_26  : i32 {
      %mul3A_40 = arith.constant 1 : i32
      %mul3A_41 = arith.muli %scan3A_39, %mul3A_40 : i32
      %add3A_42 = arith.constant 0 : i32
      %add3A_43 = arith.addi %add3A_42, %mul3A_41 : i32
      %mul3A_44 = arith.constant 16 : i32
      %mul3A_45 = arith.muli %add3A_43, %mul3A_44 : i32
      %add3A_46 = arith.addi %mul3A_45, %arg1 : i32
      %lt3A = arith.constant 250 : i32
      %lt3A_47 = arith.cmpi slt, %add3A_46, %lt3A : i32
      %convert_element_type3A = arith.extui %lt3A_47 : i1 to i32
      %cond3A = arith.constant 0 : i32
      %cond3A_48 = arith.cmpi ne, %convert_element_type3A, %cond3A : i32
      scf.if %cond3A_48 {
        %mul3A_49 = arith.constant 40 : i32
        %mul3A_50 = arith.muli %add3A_46, %mul3A_49 : i32
        "tpu.region"() ({
          %run_scoped3A = tpu.sem_alloc : memref<!tpu.dma_semaphore, #tpu.memory_space<semaphore_mem>>
          %dma_start3A_51 = arith.constant 0 : i32
          %dma_start3A_52 = tpu.memref_slice %arg11[%mul3A_50, %dma_start3A_51] : memref<10128x128xf32, #tpu.memory_space<vmem_shared>> -> memref<40x128xf32, #tpu.memory_space<vmem_shared>>
          %dma_start3A_53 = arith.constant 0 : i32
          %dma_start3A_54 = tpu.memref_slice %arg11[%mul3A_50, %dma_start3A_53] : memref<10128x128xf32, #tpu.memory_space<vmem_shared>> -> memref<40x128xf32, #tpu.memory_space<vmem_shared>>
          tpu.enqueue_dma source(%arg10 : memref<40x128xf32, #tpu.memory_space<vmem>>) target(%dma_start3A_54 : memref<40x128xf32, #tpu.memory_space<vmem_shared>>) target_semaphore(%run_scoped3A : memref<!tpu.dma_semaphore, #tpu.memory_space<semaphore_mem>>)
          %dma_wait3A_55 = arith.constant 0 : i32
          %dma_wait3A_56 = tpu.memref_slice %arg11[%mul3A_50, %dma_wait3A_55] : memref<10128x128xf32, #tpu.memory_space<vmem_shared>> -> memref<40x128xf32, #tpu.memory_space<vmem_shared>>
          %dma_wait3A_57 = arith.constant 0 : i32
          %dma_wait3A_58 = tpu.memref_slice %arg11[%mul3A_50, %dma_wait3A_57] : memref<10128x128xf32, #tpu.memory_space<vmem_shared>> -> memref<40x128xf32, #tpu.memory_space<vmem_shared>>
          tpu.wait_dma2 semaphore(%run_scoped3A : memref<!tpu.dma_semaphore, #tpu.memory_space<semaphore_mem>>) src(%arg10 : memref<40x128xf32, #tpu.memory_space<vmem>>) dst(%dma_wait3A_58 : memref<40x128xf32, #tpu.memory_space<vmem_shared>>)
          tpu.yield
        }) : () -> ()
      } else {
      }
    }
    %scan3A_27 = arith.constant 16 : i32
    %barrier3A = arith.constant 0 : index
    tpu.barrier barrier_id(%barrier3A)
    %scan3A_28 = arith.constant 0 : i32
    %scan3A_29 = arith.constant 2 : i32
    %scan3A_30 = arith.addi %scan3A_28, %scan3A_29 : i32
    %scan3A_31 = arith.constant 1 : i32
    scf.for %scan3A_39 = %scan3A_28 to %scan3A_30 step %scan3A_31  : i32 {
      %mul3A_40 = arith.constant 1 : i32
      %mul3A_41 = arith.muli %scan3A_39, %mul3A_40 : i32
      %add3A_42 = arith.constant 0 : i32
      %add3A_43 = arith.addi %add3A_42, %mul3A_41 : i32
      %gt3A = arith.constant 0 : i32
      %gt3A_44 = arith.cmpi sgt, %add3A_43, %gt3A : i32
      %convert_element_type3A = arith.extui %gt3A_44 : i1 to i32
      %cond3A = arith.constant 0 : i32
      %cond3A_45 = arith.cmpi ne, %convert_element_type3A, %cond3A : i32
      scf.if %cond3A_45 {
        %mul3A_65 = arith.constant 80 : i32
        %mul3A_66 = arith.muli %add3A, %mul3A_65 : i32
        %mul3A_67 = arith.constant 40 : i32
        %mul3A_68 = arith.muli %add3A_43, %mul3A_67 : i32
        %add3A_69 = arith.addi %mul3A_66, %mul3A_68 : i32
        %dma_start3A_70 = arith.constant 0 : i32
        %dma_start3A_71 = tpu.memref_slice %arg3[%add3A_69, %dma_start3A_70] : memref<2560x128xi32, #tpu.memory_space<hbm>> -> memref<40x128xi32, #tpu.memory_space<hbm>>
        %dma_start3A_72 = arith.constant 0 : i32
        %dma_start3A_73 = tpu.memref_slice %arg3[%add3A_69, %dma_start3A_72] : memref<2560x128xi32, #tpu.memory_space<hbm>> -> memref<40x128xi32, #tpu.memory_space<hbm>>
        tpu.enqueue_dma source(%dma_start3A_73 : memref<40x128xi32, #tpu.memory_space<hbm>>) target(%arg6 : memref<40x128xi32, #tpu.memory_space<vmem>>) target_semaphore(%arg12 : memref<!tpu.dma_semaphore, #tpu.memory_space<semaphore_mem>>)
        %dma_start3A_74 = arith.constant 0 : i32
        %dma_start3A_75 = tpu.memref_slice %arg4[%add3A_69, %dma_start3A_74] : memref<2560x128xi32, #tpu.memory_space<hbm>> -> memref<40x128xi32, #tpu.memory_space<hbm>>
        %dma_start3A_76 = arith.constant 0 : i32
        %dma_start3A_77 = tpu.memref_slice %arg4[%add3A_69, %dma_start3A_76] : memref<2560x128xi32, #tpu.memory_space<hbm>> -> memref<40x128xi32, #tpu.memory_space<hbm>>
        tpu.enqueue_dma source(%dma_start3A_77 : memref<40x128xi32, #tpu.memory_space<hbm>>) target(%arg7 : memref<40x128xi32, #tpu.memory_space<vmem>>) target_semaphore(%arg13 : memref<!tpu.dma_semaphore, #tpu.memory_space<semaphore_mem>>)
        %dma_wait3A_78 = arith.constant 0 : i32
        %dma_wait3A_79 = tpu.memref_slice %arg3[%add3A_69, %dma_wait3A_78] : memref<2560x128xi32, #tpu.memory_space<hbm>> -> memref<40x128xi32, #tpu.memory_space<hbm>>
        %dma_wait3A_80 = arith.constant 0 : i32
        %dma_wait3A_81 = tpu.memref_slice %arg3[%add3A_69, %dma_wait3A_80] : memref<2560x128xi32, #tpu.memory_space<hbm>> -> memref<40x128xi32, #tpu.memory_space<hbm>>
        tpu.wait_dma2 semaphore(%arg12 : memref<!tpu.dma_semaphore, #tpu.memory_space<semaphore_mem>>) src(%dma_wait3A_81 : memref<40x128xi32, #tpu.memory_space<hbm>>) dst(%arg6 : memref<40x128xi32, #tpu.memory_space<vmem>>)
        %dma_wait3A_82 = arith.constant 0 : i32
        %dma_wait3A_83 = tpu.memref_slice %arg4[%add3A_69, %dma_wait3A_82] : memref<2560x128xi32, #tpu.memory_space<hbm>> -> memref<40x128xi32, #tpu.memory_space<hbm>>
        %dma_wait3A_84 = arith.constant 0 : i32
        %dma_wait3A_85 = tpu.memref_slice %arg4[%add3A_69, %dma_wait3A_84] : memref<2560x128xi32, #tpu.memory_space<hbm>> -> memref<40x128xi32, #tpu.memory_space<hbm>>
        tpu.wait_dma2 semaphore(%arg13 : memref<!tpu.dma_semaphore, #tpu.memory_space<semaphore_mem>>) src(%dma_wait3A_85 : memref<40x128xi32, #tpu.memory_space<hbm>>) dst(%arg7 : memref<40x128xi32, #tpu.memory_space<vmem>>)
      } else {
      }
      %dma_start3A_46 = arith.constant 0 : i32
      %dma_start3A_47 = arith.constant 0 : i32
      %dma_start3A_48 = tpu.memref_slice %arg6[%dma_start3A_46, %dma_start3A_47] : memref<40x128xi32, #tpu.memory_space<vmem>> -> memref<1x128xi32, #tpu.memory_space<vmem>>
      %dma_start3A_49 = tpu.memref_squeeze %dma_start3A_48 : memref<1x128xi32, #tpu.memory_space<vmem>> -> memref<128xi32, #tpu.memory_space<vmem>>
      %dma_start3A_50 = arith.constant 0 : i32
      %dma_start3A_51 = arith.constant 0 : i32
      %dma_start3A_52 = tpu.memref_slice %arg2[%dma_start3A_50, %dma_start3A_51] : memref<10000x128xf32, #tpu.memory_space<hbm>> -> memref<10000x128xf32, #tpu.memory_space<hbm>>
      tpu.enqueue_indirect_dma source(%dma_start3A_52 : memref<10000x128xf32, #tpu.memory_space<hbm>>) target(%arg8 : memref<128x128xf32, #tpu.memory_space<vmem>>) offsets(%dma_start3A_49 : memref<128xi32, #tpu.memory_space<vmem>>) semaphore(%arg12 : memref<!tpu.dma_semaphore, #tpu.memory_space<semaphore_mem>>)
      %scan3A_53 = arith.constant 0 : i32
      %scan3A_54 = arith.constant 20 : i32
      %scan3A_55 = arith.addi %scan3A_53, %scan3A_54 : i32
      %scan3A_56 = arith.constant 1 : i32
      scf.for %scan3A_65 = %scan3A_53 to %scan3A_55 step %scan3A_56  : i32 {
        %mul3A_66 = arith.constant 1 : i32
        %mul3A_67 = arith.muli %scan3A_65, %mul3A_66 : i32
        %add3A_68 = arith.constant 0 : i32
        %add3A_69 = arith.addi %add3A_68, %mul3A_67 : i32
        %mul3A_70 = arith.constant 2 : i32
        %mul3A_71 = arith.muli %mul3A_70, %add3A_69 : i32
        %dma_wait3A_72 = arith.constant 0 : i32
        %dma_wait3A_73 = arith.constant 0 : i32
        %dma_wait3A_74 = tpu.memref_slice %arg6[%dma_wait3A_72, %dma_wait3A_73] : memref<40x128xi32, #tpu.memory_space<vmem>> -> memref<1x128xi32, #tpu.memory_space<vmem>>
        %dma_wait3A_75 = tpu.memref_squeeze %dma_wait3A_74 : memref<1x128xi32, #tpu.memory_space<vmem>> -> memref<128xi32, #tpu.memory_space<vmem>>
        %dma_wait3A_76 = arith.constant 0 : i32
        %dma_wait3A_77 = arith.constant 0 : i32
        %dma_wait3A_78 = tpu.memref_slice %arg2[%dma_wait3A_76, %dma_wait3A_77] : memref<10000x128xf32, #tpu.memory_space<hbm>> -> memref<10000x128xf32, #tpu.memory_space<hbm>>
        tpu.wait_indirect_dma semaphore(%arg12 : memref<!tpu.dma_semaphore, #tpu.memory_space<semaphore_mem>>) src(%dma_wait3A_78 : memref<10000x128xf32, #tpu.memory_space<hbm>>) dst(%arg8 : memref<128x128xf32, #tpu.memory_space<vmem>>)
        %dma_start3A_79 = arith.constant 0 : i32
        %dma_start3A_80 = tpu.memref_slice %arg7[%mul3A_71, %dma_start3A_79] : memref<40x128xi32, #tpu.memory_space<vmem>> -> memref<1x128xi32, #tpu.memory_space<vmem>>
        %dma_start3A_81 = tpu.memref_squeeze %dma_start3A_80 : memref<1x128xi32, #tpu.memory_space<vmem>> -> memref<128xi32, #tpu.memory_space<vmem>>
        %dma_start3A_82 = arith.constant 0 : i32
        %dma_start3A_83 = arith.constant 0 : i32
        %dma_start3A_84 = tpu.memref_slice %arg11[%dma_start3A_82, %dma_start3A_83] : memref<10128x128xf32, #tpu.memory_space<vmem_shared>> -> memref<10128x128xf32, #tpu.memory_space<vmem_shared>>
        tpu.enqueue_indirect_dma source(%arg8 : memref<128x128xf32, #tpu.memory_space<vmem>>) target(%dma_start3A_84 : memref<10128x128xf32, #tpu.memory_space<vmem_shared>>) offsets(%dma_start3A_81 : memref<128xi32, #tpu.memory_space<vmem>>) semaphore(%arg14 : memref<!tpu.dma_semaphore, #tpu.memory_space<semaphore_mem>>) {add = true}
        %gt3A_85 = arith.constant 0 : i32
        %gt3A_86 = arith.cmpi sgt, %add3A_69, %gt3A_85 : i32
        %convert_element_type3A_87 = arith.extui %gt3A_86 : i1 to i32
        %cond3A_88 = arith.constant 0 : i32
        %cond3A_89 = arith.cmpi ne, %convert_element_type3A_87, %cond3A_88 : i32
        scf.if %cond3A_89 {
          %dma_wait3A_124 = arith.constant 0 : i32
          %dma_wait3A_125 = arith.constant 0 : i32
          %dma_wait3A_126 = tpu.memref_slice %arg7[%dma_wait3A_124, %dma_wait3A_125] : memref<40x128xi32, #tpu.memory_space<vmem>> -> memref<1x128xi32, #tpu.memory_space<vmem>>
          %dma_wait3A_127 = tpu.memref_squeeze %dma_wait3A_126 : memref<1x128xi32, #tpu.memory_space<vmem>> -> memref<128xi32, #tpu.memory_space<vmem>>
          %dma_wait3A_128 = arith.constant 0 : i32
          %dma_wait3A_129 = arith.constant 0 : i32
          %dma_wait3A_130 = tpu.memref_slice %arg11[%dma_wait3A_128, %dma_wait3A_129] : memref<10128x128xf32, #tpu.memory_space<vmem_shared>> -> memref<10128x128xf32, #tpu.memory_space<vmem_shared>>
          tpu.wait_indirect_dma semaphore(%arg15 : memref<!tpu.dma_semaphore, #tpu.memory_space<semaphore_mem>>) src(%arg9 : memref<128x128xf32, #tpu.memory_space<vmem>>) dst(%dma_wait3A_130 : memref<10128x128xf32, #tpu.memory_space<vmem_shared>>)
        } else {
        }
        %add3A_90 = arith.constant 1 : i32
        %add3A_91 = arith.addi %mul3A_71, %add3A_90 : i32
        %dma_start3A_92 = arith.constant 0 : i32
        %dma_start3A_93 = tpu.memref_slice %arg6[%add3A_91, %dma_start3A_92] : memref<40x128xi32, #tpu.memory_space<vmem>> -> memref<1x128xi32, #tpu.memory_space<vmem>>
        %dma_start3A_94 = tpu.memref_squeeze %dma_start3A_93 : memref<1x128xi32, #tpu.memory_space<vmem>> -> memref<128xi32, #tpu.memory_space<vmem>>
        %dma_start3A_95 = arith.constant 0 : i32
        %dma_start3A_96 = arith.constant 0 : i32
        %dma_start3A_97 = tpu.memref_slice %arg2[%dma_start3A_95, %dma_start3A_96] : memref<10000x128xf32, #tpu.memory_space<hbm>> -> memref<10000x128xf32, #tpu.memory_space<hbm>>
        tpu.enqueue_indirect_dma source(%dma_start3A_97 : memref<10000x128xf32, #tpu.memory_space<hbm>>) target(%arg9 : memref<128x128xf32, #tpu.memory_space<vmem>>) offsets(%dma_start3A_94 : memref<128xi32, #tpu.memory_space<vmem>>) semaphore(%arg13 : memref<!tpu.dma_semaphore, #tpu.memory_space<semaphore_mem>>)
        %dma_wait3A_98 = arith.constant 0 : i32
        %dma_wait3A_99 = arith.constant 0 : i32
        %dma_wait3A_100 = tpu.memref_slice %arg6[%dma_wait3A_98, %dma_wait3A_99] : memref<40x128xi32, #tpu.memory_space<vmem>> -> memref<1x128xi32, #tpu.memory_space<vmem>>
        %dma_wait3A_101 = tpu.memref_squeeze %dma_wait3A_100 : memref<1x128xi32, #tpu.memory_space<vmem>> -> memref<128xi32, #tpu.memory_space<vmem>>
        %dma_wait3A_102 = arith.constant 0 : i32
        %dma_wait3A_103 = arith.constant 0 : i32
        %dma_wait3A_104 = tpu.memref_slice %arg2[%dma_wait3A_102, %dma_wait3A_103] : memref<10000x128xf32, #tpu.memory_space<hbm>> -> memref<10000x128xf32, #tpu.memory_space<hbm>>
        tpu.wait_indirect_dma semaphore(%arg13 : memref<!tpu.dma_semaphore, #tpu.memory_space<semaphore_mem>>) src(%dma_wait3A_104 : memref<10000x128xf32, #tpu.memory_space<hbm>>) dst(%arg9 : memref<128x128xf32, #tpu.memory_space<vmem>>)
        %add3A_105 = arith.constant 1 : i32
        %add3A_106 = arith.addi %mul3A_71, %add3A_105 : i32
        %dma_start3A_107 = arith.constant 0 : i32
        %dma_start3A_108 = tpu.memref_slice %arg7[%add3A_106, %dma_start3A_107] : memref<40x128xi32, #tpu.memory_space<vmem>> -> memref<1x128xi32, #tpu.memory_space<vmem>>
        %dma_start3A_109 = tpu.memref_squeeze %dma_start3A_108 : memref<1x128xi32, #tpu.memory_space<vmem>> -> memref<128xi32, #tpu.memory_space<vmem>>
        %dma_start3A_110 = arith.constant 0 : i32
        %dma_start3A_111 = arith.constant 0 : i32
        %dma_start3A_112 = tpu.memref_slice %arg11[%dma_start3A_110, %dma_start3A_111] : memref<10128x128xf32, #tpu.memory_space<vmem_shared>> -> memref<10128x128xf32, #tpu.memory_space<vmem_shared>>
        tpu.enqueue_indirect_dma source(%arg9 : memref<128x128xf32, #tpu.memory_space<vmem>>) target(%dma_start3A_112 : memref<10128x128xf32, #tpu.memory_space<vmem_shared>>) offsets(%dma_start3A_109 : memref<128xi32, #tpu.memory_space<vmem>>) semaphore(%arg15 : memref<!tpu.dma_semaphore, #tpu.memory_space<semaphore_mem>>) {add = true}
        %dma_wait3A_113 = arith.constant 0 : i32
        %dma_wait3A_114 = arith.constant 0 : i32
        %dma_wait3A_115 = tpu.memref_slice %arg7[%dma_wait3A_113, %dma_wait3A_114] : memref<40x128xi32, #tpu.memory_space<vmem>> -> memref<1x128xi32, #tpu.memory_space<vmem>>
        %dma_wait3A_116 = tpu.memref_squeeze %dma_wait3A_115 : memref<1x128xi32, #tpu.memory_space<vmem>> -> memref<128xi32, #tpu.memory_space<vmem>>
        %dma_wait3A_117 = arith.constant 0 : i32
        %dma_wait3A_118 = arith.constant 0 : i32
        %dma_wait3A_119 = tpu.memref_slice %arg11[%dma_wait3A_117, %dma_wait3A_118] : memref<10128x128xf32, #tpu.memory_space<vmem_shared>> -> memref<10128x128xf32, #tpu.memory_space<vmem_shared>>
        tpu.wait_indirect_dma semaphore(%arg14 : memref<!tpu.dma_semaphore, #tpu.memory_space<semaphore_mem>>) src(%arg8 : memref<128x128xf32, #tpu.memory_space<vmem>>) dst(%dma_wait3A_119 : memref<10128x128xf32, #tpu.memory_space<vmem_shared>>)
        %lt3A = arith.constant 19 : i32
        %lt3A_120 = arith.cmpi slt, %add3A_69, %lt3A : i32
        %convert_element_type3A_121 = arith.extui %lt3A_120 : i1 to i32
        %cond3A_122 = arith.constant 0 : i32
        %cond3A_123 = arith.cmpi ne, %convert_element_type3A_121, %cond3A_122 : i32
        scf.if %cond3A_123 {
          %add3A_124 = arith.constant 2 : i32
          %add3A_125 = arith.addi %mul3A_71, %add3A_124 : i32
          %dma_start3A_126 = arith.constant 0 : i32
          %dma_start3A_127 = tpu.memref_slice %arg6[%add3A_125, %dma_start3A_126] : memref<40x128xi32, #tpu.memory_space<vmem>> -> memref<1x128xi32, #tpu.memory_space<vmem>>
          %dma_start3A_128 = tpu.memref_squeeze %dma_start3A_127 : memref<1x128xi32, #tpu.memory_space<vmem>> -> memref<128xi32, #tpu.memory_space<vmem>>
          %dma_start3A_129 = arith.constant 0 : i32
          %dma_start3A_130 = arith.constant 0 : i32
          %dma_start3A_131 = tpu.memref_slice %arg2[%dma_start3A_129, %dma_start3A_130] : memref<10000x128xf32, #tpu.memory_space<hbm>> -> memref<10000x128xf32, #tpu.memory_space<hbm>>
          tpu.enqueue_indirect_dma source(%dma_start3A_131 : memref<10000x128xf32, #tpu.memory_space<hbm>>) target(%arg8 : memref<128x128xf32, #tpu.memory_space<vmem>>) offsets(%dma_start3A_128 : memref<128xi32, #tpu.memory_space<vmem>>) semaphore(%arg12 : memref<!tpu.dma_semaphore, #tpu.memory_space<semaphore_mem>>)
        } else {
        }
      }
      %scan3A_57 = arith.constant 20 : i32
      %dma_wait3A_58 = arith.constant 0 : i32
      %dma_wait3A_59 = arith.constant 0 : i32
      %dma_wait3A_60 = tpu.memref_slice %arg7[%dma_wait3A_58, %dma_wait3A_59] : memref<40x128xi32, #tpu.memory_space<vmem>> -> memref<1x128xi32, #tpu.memory_space<vmem>>
      %dma_wait3A_61 = tpu.memref_squeeze %dma_wait3A_60 : memref<1x128xi32, #tpu.memory_space<vmem>> -> memref<128xi32, #tpu.memory_space<vmem>>
      %dma_wait3A_62 = arith.constant 0 : i32
      %dma_wait3A_63 = arith.constant 0 : i32
      %dma_wait3A_64 = tpu.memref_slice %arg11[%dma_wait3A_62, %dma_wait3A_63] : memref<10128x128xf32, #tpu.memory_space<vmem_shared>> -> memref<10128x128xf32, #tpu.memory_space<vmem_shared>>
      tpu.wait_indirect_dma semaphore(%arg15 : memref<!tpu.dma_semaphore, #tpu.memory_space<semaphore_mem>>) src(%arg9 : memref<128x128xf32, #tpu.memory_space<vmem>>) dst(%dma_wait3A_64 : memref<10128x128xf32, #tpu.memory_space<vmem_shared>>)
    }
    %scan3A_32 = arith.constant 2 : i32
    %barrier3A_33 = arith.constant 0 : index
    tpu.barrier barrier_id(%barrier3A_33)
    %scan3A_34 = arith.constant 0 : i32
    %scan3A_35 = arith.constant 16 : i32
    %scan3A_36 = arith.addi %scan3A_34, %scan3A_35 : i32
    %scan3A_37 = arith.constant 1 : i32
    scf.for %scan3A_39 = %scan3A_34 to %scan3A_36 step %scan3A_37  : i32 {
      %mul3A_40 = arith.constant 1 : i32
      %mul3A_41 = arith.muli %scan3A_39, %mul3A_40 : i32
      %add3A_42 = arith.constant 0 : i32
      %add3A_43 = arith.addi %add3A_42, %mul3A_41 : i32
      %mul3A_44 = arith.constant 16 : i32
      %mul3A_45 = arith.muli %add3A_43, %mul3A_44 : i32
      %add3A_46 = arith.addi %mul3A_45, %arg1 : i32
      %lt3A = arith.constant 250 : i32
      %lt3A_47 = arith.cmpi slt, %add3A_46, %lt3A : i32
      %convert_element_type3A = arith.extui %lt3A_47 : i1 to i32
      %cond3A = arith.constant 0 : i32
      %cond3A_48 = arith.cmpi ne, %convert_element_type3A, %cond3A : i32
      scf.if %cond3A_48 {
        %mul3A_49 = arith.constant 40 : i32
        %mul3A_50 = arith.muli %add3A_46, %mul3A_49 : i32
        %mul3A_51 = arith.constant 10000 : i32
        %mul3A_52 = arith.muli %arg0, %mul3A_51 : i32
        %add3A_53 = arith.addi %mul3A_52, %mul3A_50 : i32
        "tpu.region"() ({
          %run_scoped3A = tpu.sem_alloc : memref<!tpu.dma_semaphore, #tpu.memory_space<semaphore_mem>>
          %dma_start3A_54 = arith.constant 0 : i32
          %dma_start3A_55 = tpu.memref_slice %arg5[%add3A_53, %dma_start3A_54] : memref<20000x128xf32, #tpu.memory_space<hbm>> -> memref<40x128xf32, #tpu.memory_space<hbm>>
          %dma_start3A_56 = arith.constant 0 : i32
          %dma_start3A_57 = tpu.memref_slice %arg11[%mul3A_50, %dma_start3A_56] : memref<10128x128xf32, #tpu.memory_space<vmem_shared>> -> memref<40x128xf32, #tpu.memory_space<vmem_shared>>
          tpu.enqueue_dma source(%dma_start3A_57 : memref<40x128xf32, #tpu.memory_space<vmem_shared>>) target(%dma_start3A_55 : memref<40x128xf32, #tpu.memory_space<hbm>>) target_semaphore(%run_scoped3A : memref<!tpu.dma_semaphore, #tpu.memory_space<semaphore_mem>>)
          %dma_wait3A_58 = arith.constant 0 : i32
          %dma_wait3A_59 = tpu.memref_slice %arg5[%add3A_53, %dma_wait3A_58] : memref<20000x128xf32, #tpu.memory_space<hbm>> -> memref<40x128xf32, #tpu.memory_space<hbm>>
          %dma_wait3A_60 = arith.constant 0 : i32
          %dma_wait3A_61 = tpu.memref_slice %arg11[%mul3A_50, %dma_wait3A_60] : memref<10128x128xf32, #tpu.memory_space<vmem_shared>> -> memref<40x128xf32, #tpu.memory_space<vmem_shared>>
          tpu.wait_dma2 semaphore(%run_scoped3A : memref<!tpu.dma_semaphore, #tpu.memory_space<semaphore_mem>>) src(%dma_wait3A_61 : memref<40x128xf32, #tpu.memory_space<vmem_shared>>) dst(%dma_wait3A_59 : memref<40x128xf32, #tpu.memory_space<hbm>>)
          tpu.yield
        }) : () -> ()
      } else {
      }
    }
    %scan3A_38 = arith.constant 16 : i32
    return
  }
}

module attributes {stable_mosaic.version = 14 : i64} {
  func.func @_tc_pre_body(%arg0: i32, %arg1: memref<1000x128xf32, #tpu.memory_space<vmem>>, %arg2: memref<1000x128xf32, #tpu.memory_space<vmem>>, %arg3: memref<128x128xf32, #tpu.memory_space<vmem>>, %arg4: memref<1000x128xf32, #tpu.memory_space<vmem>>) attributes {dimension_semantics = [#tpu.dimension_semantics<arbitrary>], iteration_bounds = array<i64: 10>, scalar_prefetch = 0 : i64, scratch_operands = 0 : i64, tpu.core_type = #tpu.core_type<tc>, window_params = [{transform_indices = @transform_0, window_bounds = array<i64: 1000, 128>}, {transform_indices = @transform_1, window_bounds = array<i64: 1000, 128>}, {pipeline_mode = #tpu.pipeline_mode<synchronous>, transform_indices = @transform_2, window_bounds = array<i64: 128, 128>}, {transform_indices = @transform_3, window_bounds = array<i64: 1000, 128>}]} {
    %get3A = arith.constant 0 : index
    %get3A_0 = arith.constant 0 : index
    %get3A_1 = vector.load %arg2[%get3A, %get3A_0] : memref<1000x128xf32, #tpu.memory_space<vmem>>, vector<1000x1xf32>
    %get3A_2 = vector.shape_cast %get3A_1 : vector<1000x1xf32> to vector<1000xf32>
    %max3A = arith.constant 1.000000e+00 : f32
    %max3A_3 = vector.broadcast %max3A : f32 to vector<1000xf32>
    %max3A_4 = arith.maximumf %get3A_2, %max3A_3 : vector<1000xf32>
    %rsqrt3A = math.rsqrt %max3A_4 : vector<1000xf32>
    %get3A_5 = arith.constant 0 : index
    %get3A_6 = arith.constant 0 : index
    %get3A_7 = vector.load %arg1[%get3A_5, %get3A_6] : memref<1000x128xf32, #tpu.memory_space<vmem>>, vector<1000x128xf32>
    %broadcast_in_dim3A = vector.shape_cast %rsqrt3A : vector<1000xf32> to vector<1000x1xf32>
    %mul3A = vector.broadcast %broadcast_in_dim3A : vector<1000x1xf32> to vector<1000x128xf32>
    %mul3A_8 = arith.mulf %get3A_7, %mul3A : vector<1000x128xf32>
    %get3A_9 = arith.constant 0 : index
    %get3A_10 = arith.constant 0 : index
    %get3A_11 = vector.load %arg3[%get3A_9, %get3A_10] : memref<128x128xf32, #tpu.memory_space<vmem>>, vector<128x128xf32>
    %dot_general3A = arith.constant dense<0.000000e+00> : vector<1000x128xf32>
    %dot_general3A_12 = tpu.matmul %mul3A_8, %get3A_11, %dot_general3A {dimension_numbers = #tpu.dot_dimension_numbers<[1], [0], [0], [1], [0, 0, 1, 1], [], []>, transpose_lhs_hint = false} : vector<1000x128xf32>, vector<128x128xf32>, vector<1000x128xf32> -> vector<1000x128xf32>
    %swap3A = arith.constant 0 : index
    %swap3A_13 = arith.constant 0 : index
    %swap3A_14 = vector.load %arg4[%swap3A, %swap3A_13] : memref<1000x128xf32, #tpu.memory_space<vmem>>, vector<1000x128xf32>
    tpu.vector_store %arg4[%swap3A, %swap3A_13], %dot_general3A_12 {strides = array<i32>} : memref<1000x128xf32, #tpu.memory_space<vmem>>, vector<1000x128xf32>,
    return
  }
  func.func @transform_0(%arg0: i32) -> (i32, i32) {
    %c0_i32 = arith.constant 0 : i32
    %c0_i32_0 = arith.constant 0 : i32
    return %arg0, %c0_i32 : i32, i32
  }
  func.func @transform_1(%arg0: i32) -> (i32, i32) {
    %c0_i32 = arith.constant 0 : i32
    %c0_i32_0 = arith.constant 0 : i32
    return %arg0, %c0_i32 : i32, i32
  }
  func.func @transform_2(%arg0: i32) -> (i32, i32) {
    %c0_i32 = arith.constant 0 : i32
    %c0_i32_0 = arith.constant 0 : i32
    %c0_i32_1 = arith.constant 0 : i32
    return %c0_i32, %c0_i32_0 : i32, i32
  }
  func.func @transform_3(%arg0: i32) -> (i32, i32) {
    %c0_i32 = arith.constant 0 : i32
    %c0_i32_0 = arith.constant 0 : i32
    return %arg0, %c0_i32 : i32, i32
  }
}

module attributes {stable_mosaic.version = 14 : i64} {
  func.func @_tc_mid_body(%arg0: i32, %arg1: memref<1000x128xf32, #tpu.memory_space<vmem>>, %arg2: memref<1000x128xf32, #tpu.memory_space<vmem>>, %arg3: memref<1000x128xf32, #tpu.memory_space<vmem>>, %arg4: memref<1x128xf32, #tpu.memory_space<vmem>>, %arg5: memref<1000x128xf32, #tpu.memory_space<vmem>>, %arg6: memref<128x128xf32, #tpu.memory_space<vmem>>, %arg7: memref<1000x128xf32, #tpu.memory_space<vmem>>) attributes {dimension_semantics = [#tpu.dimension_semantics<arbitrary>], iteration_bounds = array<i64: 10>, scalar_prefetch = 0 : i64, scratch_operands = 0 : i64, tpu.core_type = #tpu.core_type<tc>, window_params = [{transform_indices = @transform_0, window_bounds = array<i64: 1000, 128>}, {transform_indices = @transform_1, window_bounds = array<i64: 1000, 128>}, {transform_indices = @transform_2, window_bounds = array<i64: 1000, 128>}, {pipeline_mode = #tpu.pipeline_mode<synchronous>, transform_indices = @transform_3, window_bounds = array<i64: 1, 128>}, {transform_indices = @transform_4, window_bounds = array<i64: 1000, 128>}, {pipeline_mode = #tpu.pipeline_mode<synchronous>, transform_indices = @transform_5, window_bounds = array<i64: 128, 128>}, {transform_indices = @transform_6, window_bounds = array<i64: 1000, 128>}]} {
    %get3A = arith.constant 0 : index
    %get3A_0 = arith.constant 0 : index
    %get3A_1 = vector.load %arg1[%get3A, %get3A_0] : memref<1000x128xf32, #tpu.memory_space<vmem>>, vector<1000x128xf32>
    %get3A_2 = arith.constant 0 : index
    %get3A_3 = arith.constant 0 : index
    %get3A_4 = vector.load %arg2[%get3A_2, %get3A_3] : memref<1000x128xf32, #tpu.memory_space<vmem>>, vector<1000x128xf32>
    %add3A = arith.addf %get3A_1, %get3A_4 : vector<1000x128xf32>
    %get3A_5 = arith.constant 0 : index
    %get3A_6 = arith.constant 0 : index
    %get3A_7 = vector.load %arg3[%get3A_5, %get3A_6] : memref<1000x128xf32, #tpu.memory_space<vmem>>, vector<1000x1xf32>
    %get3A_8 = vector.shape_cast %get3A_7 : vector<1000x1xf32> to vector<1000xf32>
    %max3A = arith.constant 1.000000e+00 : f32
    %max3A_9 = vector.broadcast %max3A : f32 to vector<1000xf32>
    %max3A_10 = arith.maximumf %get3A_8, %max3A_9 : vector<1000xf32>
    %rsqrt3A = math.rsqrt %max3A_10 : vector<1000xf32>
    %broadcast_in_dim3A = vector.shape_cast %rsqrt3A : vector<1000xf32> to vector<1000x1xf32>
    %mul3A = vector.broadcast %broadcast_in_dim3A : vector<1000x1xf32> to vector<1000x128xf32>
    %mul3A_11 = arith.mulf %add3A, %mul3A : vector<1000x128xf32>
    %get3A_12 = arith.constant 0 : index
    %get3A_13 = arith.constant 0 : index
    %get3A_14 = vector.load %arg4[%get3A_12, %get3A_13] : memref<1x128xf32, #tpu.memory_space<vmem>>, vector<1x128xf32>
    %add3A_15 = vector.broadcast %get3A_14 : vector<1x128xf32> to vector<1000x128xf32>
    %add3A_16 = arith.addf %mul3A_11, %add3A_15 : vector<1000x128xf32>
    %max3A_17 = arith.constant 0.000000e+00 : f32
    %max3A_18 = vector.broadcast %max3A_17 : f32 to vector<1000x128xf32>
    %max3A_19 = arith.maximumf %add3A_16, %max3A_18 : vector<1000x128xf32>
    %get3A_20 = arith.constant 0 : index
    %get3A_21 = arith.constant 0 : index
    %get3A_22 = vector.load %arg5[%get3A_20, %get3A_21] : memref<1000x128xf32, #tpu.memory_space<vmem>>, vector<1000x1xf32>
    %get3A_23 = vector.shape_cast %get3A_22 : vector<1000x1xf32> to vector<1000xf32>
    %max3A_24 = arith.constant 1.000000e+00 : f32
    %max3A_25 = vector.broadcast %max3A_24 : f32 to vector<1000xf32>
    %max3A_26 = arith.maximumf %get3A_23, %max3A_25 : vector<1000xf32>
    %rsqrt3A_27 = math.rsqrt %max3A_26 : vector<1000xf32>
    %broadcast_in_dim3A_28 = vector.shape_cast %rsqrt3A_27 : vector<1000xf32> to vector<1000x1xf32>
    %mul3A_29 = vector.broadcast %broadcast_in_dim3A_28 : vector<1000x1xf32> to vector<1000x128xf32>
    %mul3A_30 = arith.mulf %max3A_19, %mul3A_29 : vector<1000x128xf32>
    %get3A_31 = arith.constant 0 : index
    %get3A_32 = arith.constant 0 : index
    %get3A_33 = vector.load %arg6[%get3A_31, %get3A_32] : memref<128x128xf32, #tpu.memory_space<vmem>>, vector<128x128xf32>
    %dot_general3A = arith.constant dense<0.000000e+00> : vector<1000x128xf32>
    %dot_general3A_34 = tpu.matmul %mul3A_30, %get3A_33, %dot_general3A {dimension_numbers = #tpu.dot_dimension_numbers<[1], [0], [0], [1], [0, 0, 1, 1], [], []>, transpose_lhs_hint = false} : vector<1000x128xf32>, vector<128x128xf32>, vector<1000x128xf32> -> vector<1000x128xf32>
    %swap3A = arith.constant 0 : index
    %swap3A_35 = arith.constant 0 : index
    %swap3A_36 = vector.load %arg7[%swap3A, %swap3A_35] : memref<1000x128xf32, #tpu.memory_space<vmem>>, vector<1000x128xf32>
    tpu.vector_store %arg7[%swap3A, %swap3A_35], %dot_general3A_34 {strides = array<i32>} : memref<1000x128xf32, #tpu.memory_space<vmem>>, vector<1000x128xf32>,
    return
  }
  func.func @transform_0(%arg0: i32) -> (i32, i32) {
    %c0_i32 = arith.constant 0 : i32
    %c0_i32_0 = arith.constant 0 : i32
    return %arg0, %c0_i32 : i32, i32
  }
  func.func @transform_1(%arg0: i32) -> (i32, i32) {
    %c0_i32 = arith.constant 0 : i32
    %c0_i32_0 = arith.constant 0 : i32
    return %arg0, %c0_i32 : i32, i32
  }
  func.func @transform_2(%arg0: i32) -> (i32, i32) {
    %c0_i32 = arith.constant 0 : i32
    %c0_i32_0 = arith.constant 0 : i32
    return %arg0, %c0_i32 : i32, i32
  }
  func.func @transform_3(%arg0: i32) -> (i32, i32) {
    %c0_i32 = arith.constant 0 : i32
    %c0_i32_0 = arith.constant 0 : i32
    %c0_i32_1 = arith.constant 0 : i32
    return %c0_i32, %c0_i32_0 : i32, i32
  }
  func.func @transform_4(%arg0: i32) -> (i32, i32) {
    %c0_i32 = arith.constant 0 : i32
    %c0_i32_0 = arith.constant 0 : i32
    return %arg0, %c0_i32 : i32, i32
  }
  func.func @transform_5(%arg0: i32) -> (i32, i32) {
    %c0_i32 = arith.constant 0 : i32
    %c0_i32_0 = arith.constant 0 : i32
    %c0_i32_1 = arith.constant 0 : i32
    return %c0_i32, %c0_i32_0 : i32, i32
  }
  func.func @transform_6(%arg0: i32) -> (i32, i32) {
    %c0_i32 = arith.constant 0 : i32
    %c0_i32_0 = arith.constant 0 : i32
    return %arg0, %c0_i32 : i32, i32
  }
}

module attributes {stable_mosaic.version = 14 : i64} {
  func.func @_tc_fin_body(%arg0: i32, %arg1: memref<1000x128xf32, #tpu.memory_space<vmem>>, %arg2: memref<1000x128xf32, #tpu.memory_space<vmem>>, %arg3: memref<1000x128xf32, #tpu.memory_space<vmem>>, %arg4: memref<1x128xf32, #tpu.memory_space<vmem>>, %arg5: memref<1000x128xf32, #tpu.memory_space<vmem>>, %arg6: memref<1000x128xf32, #tpu.memory_space<vmem>>) attributes {dimension_semantics = [#tpu.dimension_semantics<arbitrary>], iteration_bounds = array<i64: 10>, scalar_prefetch = 0 : i64, scratch_operands = 0 : i64, tpu.core_type = #tpu.core_type<tc>, window_params = [{transform_indices = @transform_0, window_bounds = array<i64: 1000, 128>}, {transform_indices = @transform_1, window_bounds = array<i64: 1000, 128>}, {transform_indices = @transform_2, window_bounds = array<i64: 1000, 128>}, {pipeline_mode = #tpu.pipeline_mode<synchronous>, transform_indices = @transform_3, window_bounds = array<i64: 1, 128>}, {transform_indices = @transform_4, window_bounds = array<i64: 1000, 128>}, {transform_indices = @transform_5, window_bounds = array<i64: 1000, 128>}]} {
    %get3A = arith.constant 0 : index
    %get3A_0 = arith.constant 0 : index
    %get3A_1 = vector.load %arg1[%get3A, %get3A_0] : memref<1000x128xf32, #tpu.memory_space<vmem>>, vector<1000x128xf32>
    %get3A_2 = arith.constant 0 : index
    %get3A_3 = arith.constant 0 : index
    %get3A_4 = vector.load %arg2[%get3A_2, %get3A_3] : memref<1000x128xf32, #tpu.memory_space<vmem>>, vector<1000x128xf32>
    %add3A = arith.addf %get3A_1, %get3A_4 : vector<1000x128xf32>
    %get3A_5 = arith.constant 0 : index
    %get3A_6 = arith.constant 0 : index
    %get3A_7 = vector.load %arg3[%get3A_5, %get3A_6] : memref<1000x128xf32, #tpu.memory_space<vmem>>, vector<1000x1xf32>
    %get3A_8 = vector.shape_cast %get3A_7 : vector<1000x1xf32> to vector<1000xf32>
    %max3A = arith.constant 1.000000e+00 : f32
    %max3A_9 = vector.broadcast %max3A : f32 to vector<1000xf32>
    %max3A_10 = arith.maximumf %get3A_8, %max3A_9 : vector<1000xf32>
    %rsqrt3A = math.rsqrt %max3A_10 : vector<1000xf32>
    %broadcast_in_dim3A = vector.shape_cast %rsqrt3A : vector<1000xf32> to vector<1000x1xf32>
    %mul3A = vector.broadcast %broadcast_in_dim3A : vector<1000x1xf32> to vector<1000x128xf32>
    %mul3A_11 = arith.mulf %add3A, %mul3A : vector<1000x128xf32>
    %get3A_12 = arith.constant 0 : index
    %get3A_13 = arith.constant 0 : index
    %get3A_14 = vector.load %arg4[%get3A_12, %get3A_13] : memref<1x128xf32, #tpu.memory_space<vmem>>, vector<1x128xf32>
    %add3A_15 = vector.broadcast %get3A_14 : vector<1x128xf32> to vector<1000x128xf32>
    %add3A_16 = arith.addf %mul3A_11, %add3A_15 : vector<1000x128xf32>
    %logistic3A = arith.negf %add3A_16 : vector<1000x128xf32>
    %logistic3A_17 = math.exp %logistic3A : vector<1000x128xf32>
    %logistic3A_18 = arith.constant 1.000000e+00 : f32
    %logistic3A_19 = vector.broadcast %logistic3A_18 : f32 to vector<1000x128xf32>
    %logistic3A_20 = arith.addf %logistic3A_19, %logistic3A_17 : vector<1000x128xf32>
    %logistic3A_21 = arith.divf %logistic3A_19, %logistic3A_20 : vector<1000x128xf32>
    %swap3A = arith.constant 0 : index
    %swap3A_22 = arith.constant 0 : index
    %swap3A_23 = vector.load %arg5[%swap3A, %swap3A_22] : memref<1000x128xf32, #tpu.memory_space<vmem>>, vector<1000x128xf32>
    tpu.vector_store %arg5[%swap3A, %swap3A_22], %logistic3A_21 {strides = array<i32>} : memref<1000x128xf32, #tpu.memory_space<vmem>>, vector<1000x128xf32>,
    %ge3A = arith.constant 5.000000e-01 : f32
    %ge3A_24 = vector.broadcast %ge3A : f32 to vector<1000x128xf32>
    %ge3A_25 = arith.cmpf oge, %logistic3A_21, %ge3A_24 : vector<1000x128xf32>
    %jit3A = arith.constant 1.000000e+00 : f32
    %jit3A_26 = arith.constant 0.000000e+00 : f32
    %broadcast_in_dim3A_27 = vector.broadcast %jit3A : f32 to vector<1000x128xf32>
    %broadcast_in_dim3A_28 = vector.broadcast %jit3A_26 : f32 to vector<1000x128xf32>
    %select_n3A = arith.select %ge3A_25, %broadcast_in_dim3A_27, %broadcast_in_dim3A_28 : vector<1000x128xi1>, vector<1000x128xf32>
    %swap3A_29 = arith.constant 0 : index
    %swap3A_30 = arith.constant 0 : index
    %swap3A_31 = vector.load %arg6[%swap3A_29, %swap3A_30] : memref<1000x128xf32, #tpu.memory_space<vmem>>, vector<1000x128xf32>
    tpu.vector_store %arg6[%swap3A_29, %swap3A_30], %select_n3A {strides = array<i32>} : memref<1000x128xf32, #tpu.memory_space<vmem>>, vector<1000x128xf32>,
    return
  }
  func.func @transform_0(%arg0: i32) -> (i32, i32) {
    %c0_i32 = arith.constant 0 : i32
    %c0_i32_0 = arith.constant 0 : i32
    return %arg0, %c0_i32 : i32, i32
  }
  func.func @transform_1(%arg0: i32) -> (i32, i32) {
    %c0_i32 = arith.constant 0 : i32
    %c0_i32_0 = arith.constant 0 : i32
    return %arg0, %c0_i32 : i32, i32
  }
  func.func @transform_2(%arg0: i32) -> (i32, i32) {
    %c0_i32 = arith.constant 0 : i32
    %c0_i32_0 = arith.constant 0 : i32
    return %arg0, %c0_i32 : i32, i32
  }
  func.func @transform_3(%arg0: i32) -> (i32, i32) {
    %c0_i32 = arith.constant 0 : i32
    %c0_i32_0 = arith.constant 0 : i32
    %c0_i32_1 = arith.constant 0 : i32
    return %c0_i32, %c0_i32_0 : i32, i32
  }
  func.func @transform_4(%arg0: i32) -> (i32, i32) {
    %c0_i32 = arith.constant 0 : i32
    %c0_i32_0 = arith.constant 0 : i32
    return %arg0, %c0_i32 : i32, i32
  }
  func.func @transform_5(%arg0: i32) -> (i32, i32) {
    %c0_i32 = arith.constant 0 : i32
    %c0_i32_0 = arith.constant 0 : i32
    return %arg0, %c0_i32 : i32, i32
  }
}

</mosaic_0001>

<sc_bundles>
// kernel: kernel.10.cloned.1.call-start
scs
__scs_entry_jumppad:
0x0: {  	(pc) =	sbr.rel $0x88, $3  }
0x1: {  	(tag) =	ssettag $0x0;
	lr =	simm.s32 $0x1  }
0x2: {  	[smem:$0x3F99] =	sst lr;
	_ =	strace $0xD0000000  }
0x3: {  	_ = 	snop  }
0x4: {  	_ = 	snop  }
0x5: {  	_ = 	snop  }
0x6: {  	_ = 	snop  }
0x7: {  	_ = 	snop  }
__scs_overlays_trampoline_lowered:
0x8: {  	[smem:$0x3FA8] =	sst s0  }
0x9: {  	[smem:$0x3FA9] =	sst s1  }
0xa: {  	[smem:$0x3FAA] =	sst s2  }
0xb: {  	[smem:$0x3FAB] =	sst s3  }
0xc: {  	[smem:$0x3FAC] =	sst s4  }
0xd: {  	[smem:$0x3FAD] =	sst s5  }
0xe: {  	[smem:$0x3FAE] =	sst s6  }
0xf: {  	[smem:$0x3FAF] =	sst s7  }
0x10: {  	[smem:$0x3FB0] =	sst s8  }
0x11: {  	[smem:$0x3FB1] =	sst s9;
	s0 =	simm.s32 @!p0 $0x0  }
0x12: {  	s1 =	sld [smem:$0x3F97];
	s0 =	simm.s32 @p0 $0x1  }
0x13: {  	[smem:$0x3FB2] =	sst s0;
	s0 =	simm.s32 @!p1 $0x0  }
0x14: {  	s2 =	sld [smem:$0x3F96];
	s0 =	simm.s32 @p1 $0x1  }
0x15: {  	[smem:$0x3FB3] =	sst s0;
	s0 =	simm.s32 @!p2 $0x0  }
0x16: {  	s3 =	sld [smem:$0x3FDB];
	s0 =	simm.s32 @p2 $0x1  }
0x17: {  	s4 =	simm.s32 $0x1BF5;
	[smem:$0x3FB5] =	sst s0  }
0x18: {  	s0 =	sld [smem:$0x3F98];
	_ =	swait.ge [sflag:s4], $0x0  }
0x19: {  	s7 =	sld [smem:$0x3F99]  }
0x1a: {  	s8 =	sadd.s32 $0xFFFFE003, lr  }
0x1b: {  	s9 =	sadd.s32 $0xFFFFFEF7, lr;
	s5 =	simm.s32 $0xFFFFFFFF;
	p2 =	slt.u32 s8, $0xFFFFF086  }
0x1c: {  	p1 =	slt.u32 s9, $0xF7A;
	s5 =	simm.s32 @!p2 $0x0  }
0x1d: {  	s5 =	simm.s32 @p1 $0x1;
	p0 =	seq.s32 s7, s2  }
0x1e: {  	s7 =	smul.u32 @!p0 $0xF7A, s2;
	p2 =	seq.s32 @!p0 s5, $0x0  }
0x1f: {  	s9 =	smul.u32 $0xF7A, s1;
	s8 =	simm.s32 @!p0 $0x1BF5;
	p2 =	por !p2, p0  }
0x20: {  	[sflag:s8] =	ssyncset.s32 @!p0 $0xFFFFF086;
	s6 =	sadd.s32 @!p0 s3, s7;
	s7 =	simm.s32 @!p0 $0x108  }
0x21: {  	s3 =	sadd.s32 s3, s9;
	s6 =	sadd.s32 @!p0 $0x88, s6;
	s7 =	simm.s32 @p2 $0x1082  }
0x22: {  	[simem:s7], [sflag:s8] =	dma.local @!p0 [hbm:s6], $0xF7A  }
0x23: {  	s9 =	sor.u32 $0xD0000000, s2;
	s6 =	simm.s32 $0x108;
	_ =	swait.ge @!p0 [sflag:s8], $0x0  }
0x24: {  	s3 =	sadd.s32 $0x88, s3;
	s6 =	simm.s32 @!p1 $0x1082;
	[sflag:s4] =	ssyncset.s32 $0xFFFFF086  }
0x25: {  	[simem:s6], [sflag:s4] =	dma.local [hbm:s3], $0xF7A  }
0x26: {  	[smem:$0x3F99] =	sst s1;
	(tag) =	ssettag s2;
	_ =	strace s9  }
0x27: {  	s1 =	sld [smem:$0x3FA9]  }
0x28: {  	s2 =	sld [smem:$0x3FAA]  }
0x29: {  	s4 =	sld [smem:$0x3FAC]  }
0x2a: {  	p0 =	seq.s32 s5, $0x0;
	s5 =	sld [smem:$0x3FAD]  }
0x2b: {  	s6 =	sld [smem:$0x3FAE]  }
0x2c: {  	s7 =	sld [smem:$0x3FAF]  }
0x2d: {  	s3 =	simm.s32 $0x108;
	s8 =	sld [smem:$0x3FB0]  }
0x2e: {  	s3 =	simm.s32 @!p0 $0x1082;
	s9 =	sld [smem:$0x3FB1]  }
0x2f: {  	lr =	sadd.s32 s0, s3;
	s0 =	sld [smem:$0x3FA8]  }
0x30: {  	s3 =	sld [smem:$0x3FAB]  }
0x31: {  	[smem:$0x3FB4] =	sst s10  }
0x32: {  	s10 =	sld [smem:$0x3FB2];
	_ =	sdelay $0x3  }
0x33: {  	p0 =	seq.s32 s10, $0x1;
	s10 =	sld [smem:$0x3FB4];
	_ =	sdelay $0x3  }
0x34: {  	[smem:$0x3FB4] =	sst s10  }
0x35: {  	s10 =	sld [smem:$0x3FB3];
	_ =	sdelay $0x3  }
0x36: {  	p1 =	seq.s32 s10, $0x1;
	s10 =	sld [smem:$0x3FB4];
	_ =	sdelay $0x3  }
0x37: {  	[smem:$0x3FB4] =	sst s10  }
0x38: {  	s10 =	sld [smem:$0x3FB5]  }
0x39: {  	_ = 	snop;
	(pc) =	sbr.ind lr, $3  }
0x3a: {  	_ = 	snop  }
0x3b: {  	_ = 	snop  }
0x3c: {  	p2 =	seq.s32 s10, $0x1;
	s10 =	sld [smem:$0x3FB4]  }
0x3d: {  	_ =	shalt  }
0x3e: {  	_ =	shalt  }
0x3f: {  	_ =	shalt  }
0x40: {  	_ =	shalt  }
0x41: {  	_ =	shalt  }
0x42: {  	_ =	shalt  }
0x43: {  	_ =	shalt  }
0x44: {  	_ =	shalt  }
0x45: {  	_ =	shalt  }
0x46: {  	_ =	shalt  }
0x47: {  	_ =	shalt  }
0x48: {  	_ =	shalt  }
0x49: {  	_ =	shalt  }
0x4a: {  	_ =	shalt  }
0x4b: {  	_ =	shalt  }
0x4c: {  	_ =	shalt  }
0x4d: {  	_ =	shalt  }
0x4e: {  	_ =	shalt  }
0x4f: {  	_ =	shalt  }
0x50: {  	_ =	shalt  }
0x51: {  	_ =	shalt  }
0x52: {  	_ =	shalt  }
0x53: {  	_ =	shalt  }
0x54: {  	_ =	shalt  }
0x55: {  	_ =	shalt  }
0x56: {  	_ =	shalt  }
0x57: {  	_ =	shalt  }
0x58: {  	_ =	shalt  }
0x59: {  	_ =	shalt  }
0x5a: {  	_ =	shalt  }
0x5b: {  	_ =	shalt  }
0x5c: {  	_ =	shalt  }
0x5d: {  	_ =	shalt  }
0x5e: {  	_ =	shalt  }
0x5f: {  	_ =	shalt  }
0x60: {  	_ =	shalt  }
0x61: {  	_ =	shalt  }
0x62: {  	_ =	shalt  }
0x63: {  	_ =	shalt  }
0x64: {  	_ =	shalt  }
0x65: {  	_ =	shalt  }
0x66: {  	_ =	shalt  }
0x67: {  	_ =	shalt  }
0x68: {  	_ =	shalt  }
0x69: {  	_ =	shalt  }
0x6a: {  	_ =	shalt  }
0x6b: {  	_ =	shalt  }
0x6c: {  	_ =	shalt  }
0x6d: {  	_ =	shalt  }
0x6e: {  	_ =	shalt  }
0x6f: {  	_ =	shalt  }
0x70: {  	_ =	shalt  }
0x71: {  	_ =	shalt  }
0x72: {  	_ =	shalt  }
0x73: {  	_ =	shalt  }
0x74: {  	_ =	shalt  }
0x75: {  	_ =	shalt  }
0x76: {  	_ =	shalt  }
0x77: {  	_ =	shalt  }
0x78: {  	_ =	shalt  }
0x79: {  	_ =	shalt  }
0x7a: {  	_ =	shalt  }
0x7b: {  	_ =	shalt  }
0x7c: {  	_ =	shalt  }
0x7d: {  	_ =	shalt  }
0x7e: {  	_ =	shalt  }
0x7f: {  	_ =	shalt  }
0x80: {  	_ =	shalt  }
0x81: {  	_ =	shalt  }
0x82: {  	_ =	shalt  }
0x83: {  	_ =	shalt  }
0x84: {  	_ =	shalt  }
0x85: {  	_ =	shalt  }
0x86: {  	_ =	shalt  }
0x87: {  	_ =	shalt  }
.Lfunc_end0:
.L_simem_size_0:
called_computation_lowered:
.L_overlay_start_0:
0x88: {  	s2 =	sld [smem:$0x3FD9]  }
0x89: {  	s3 =	sld [smem:$0x3FFE];
	_ =	sdelay $0x1  }
0x8a: {  	s1 =	srdreg.scid  }
0x8b: {  	s0 =	sand.u32 $0x1, s1  }
0x8c: {  	s14 =	sshll.u32 s0, $0xA;
	s2 =	sadd.s32 s3, s2  }
0x8d: {  	s2 =	sadd.s32 s2, s14  }
0x8e: {  	[smem:$0x3FC0] =	sst s2  }
0x8f: {  	_ = 	snop  }
0x90: {  	s2 =	sld [smem:$0x3FD0];
	_ =	sdelay $0x2  }
0x91: {  	s15 =	simm.s32 $0xA;
	s4 =	simm.s32 $0x10  }
0x92: {  	[smem:s4], [sflag:s15] =	dma.local [hbm:s2], $0x1  }
0x93: {  	_ =	swait.eq [sflag:s15], $0x1  }
0x94: {  	[sflag:s15] =	ssyncset.done $0x0  }
0x95: {  	[sflag:s15] =	ssyncadd.s32 $0xFFFFFFFF  }
0x96: {  	s16 =	sld [smem:$0x11];
	(tm) =	ssettm $0x1  }
0x97: {  	s17 =	sld [smem:$0x3FFB];
	_ =	sdelay $0x3  }
0x98: {  	_ =	strace s17  }
0x99: {  	s3 =	sld [smem:$0x3FFC];
	_ =	sdelay $0x3  }
0x9a: {  	_ =	strace s3  }
0x9b: {  	s3 =	sld [smem:$0x3FFD];
	_ =	sdelay $0x3  }
0x9c: {  	_ =	strace s3  }
0x9d: {  	_ =	strace $0x8FFFFFFF  }
0x9e: {  	s18 =	sld [smem:$0x3FDB];
	_ =	sdelay $0x1  }
0x9f: {  	s19 =	simm.s32 $_scs_section_size  }
0xa0: {  	s5 =	simm.s32 $_size__tile_overlayer_lowered;
	s6 =	simm.s32 $_tile_overlayer_lowered  }
0xa1: {  	s22 =	simm.s32 $0x1BFF;
	s21 =	sshll.u32 s6, $0x1;
	s3 =	sadd.s32 s19, s18  }
0xa2: {  	s7 =	simm.s32 $0x0;
	s20 =	sshll.u32 s5, $0x1;
	s5 =	sadd.s32 s21, s3  }
0xa3: {  	[timem:s7], [sflag:s22] =	dma.local [hbm:s5], s20  }
0xa4: {  	_ =	swait.ge [sflag:s22], s20  }
0xa5: {  	s4 =	ssub.s32 $0x0, s20;
	[sflag:s22] =	ssyncset.done $0x0  }
0xa6: {  	[sflag:s22] =	ssyncadd.s32 s4;
	_ =	sdelay $0x1  }
0xa7: {  	s23 =	simm.s32 $0x1B8B  }
0xa8: {  	_ =	swait.ge [sflag:s23], $0x1  }
0xa9: {  	[sflag:s23] =	ssyncset.done $0x0  }
0xaa: {  	s25 =	simm.s32 $0x1B8E;
	s24 =	sld [smem:$0x3FFE];
	[sflag:s23] =	ssyncadd.s32 $0xFFFFFFFF  }
0xab: {  	s26 =	simm.s32 $execute0_lowered;
	[smem:$0x3FD2] =	sst s25  }
0xac: {  	s5 =	sshll.u32 s26, $0x1;
	_ =	strace $0x80000046;
	[dreg:$0x1] =	wrdreg $0xFFFFFFFF  }
0xad: {  	s28 =	simm.s32 $_size_execute0_lowered;
	s3 =	sadd.s32 s3, s5;
	[dreg:$0x0] =	wrdreg $0x0  }
0xae: {  	s5 =	sshll.u32 s28, $0x1;
	[dreg:$0x2] =	wrdreg s3  }
0xaf: {  	[dreg:$0x3] =	wrdreg s5  }
0xb0: {  	[dreg:$0x4] =	wrdreg $0xC0  }
0xb1: {  	_ =	task [dreg:s7], $0x5FFFF  }
0xb2: {  	[dreg:$0x1] =	wrdreg $0xFFFFFFFF  }
0xb3: {  	[dreg:$0x0] =	wrdreg $0x60  }
0xb4: {  	[dreg:$0x2] =	wrdreg s16  }
0xb5: {  	[dreg:$0x3] =	wrdreg s24  }
0xb6: {  	[dreg:$0x4] =	wrdreg $0xB5000  }
0xb7: {  	[dreg:$0x5] =	wrdreg $0x9  }
0xb8: {  	_ =	task.clear_ibuf [dreg:s7], $0x6FFFF;
	_ =	strace $0x90000046  }
0xb9: {  	s29 =	simm.s32 $0x9;
	_ =	strace $0x80000048  }
0xba: {  	_ =	swait.ge [sflag:s29], $0x1  }
0xbb: {  	[sflag:s29] =	ssyncadd.s32 $0xFFFFFFFF  }
0xbc: {  	_ =	strace $0x90000048  }
0xbd: {  	_ =	sfence  }
0xbe: {  	s30 =	sld [smem:$0x0];
	_ =	sdelay $0x2  }
0xbf: {  	s31 =	sshll.u32 s1, $0xD;
	s1 =	sshrl.u32 s1, $0x2  }
0xc0: {  	s3 =	sand.u32 $0x4000, s31;
	s1 =	sadd.s32 s1, s30  }
0xc1: {  	s0 =	sor.u32 s3, s0;
	s1 =	sshll.u32 s1, $0x11  }
0xc2: {  	s0 =	sor.u32 s1, s0  }
0xc3: {  	s0 =	sadd.s32 $0x8F2B, s0  }
0xc4: {  	[sflag:s0] =	ssyncadd.remote.s32 $0x1  }
0xc5: {  	_ =	sfence.sel $0xFFFF  }
0xc6: {  	[dreg:$0x0] =	wrdreg $0xFFFFFFFF;
	(pc) =	sbr.abs _section_cstart, $3  }
0xc7: {  	[dreg:$0x1] =	wrdreg $0xFFFFFFFF  }
0xc8: {  	_ =	task.clear_ibuf [dreg:s7], $0x2FFFF;
	_ =	strace $0x9FFFFFFF  }
0xc9: {  	(tm) =	ssettm $0x7FFFFFFF  }
tec
execute0_lowered:
.L_overlay_start_1:
0x0: {  	(tag) =	ssettag $0x1  }
0x1: {  	s0 =	rddreg [dreg:$0x0]  }
0x2: {  	s2 =	rddreg [dreg:$0x1]  }
0x3: {  	s4 =	rddreg [dreg:$0x2];
	s1 =	simm.s32 $0x0;
	s3 =	srdreg.scid  }
0x4: {  	s10 =	stileid.u32;
	s28 =	simm.s32 $0x80;
	s29 =	simm.s32 $0x400  }
0x5: {  	s30 =	simm.s32 $0x2;
	s31 =	simm.s32 $0x9E80;
	s8 =	smul.u32 $0x4E20, s10  }
0x6: {  	[smem:$0x7FF] =	sst s1;
	s5 =	sand.u32 $0x1, s3;
	s19 =	smul.u32 $0x5000, s10  }
0x7: {  	s9 =	sshrl.u32 s10, $0x3;
	s3 =	sadd.s32 $0x3A00, s2;
	s6 =	smul.u32 $0x4E200, s5  }
0x8: {  	s20 =	sshll.u32 s10, $0x7;
	s7 =	ssub.s32 $0x2, s5;
	s9 =	smul.u32 $0x50000, s9  }
0x9: {  	_ =	strace $0x80000047;
	s26 =	smul.u32 $0x2710, s5;
	s18 =	sshrl.u32 s7, $0x1  }
0xa: {  	s2 =	ssub.s32 s7, s18;
	s6 =	sadd.s32 s8, s6;
	s9 =	sshrl.u32 s9, $0x2  }
0xb: {  	s8 =	sand.u32 $0x380, s20;
	s6 =	sshrl.u32 s6, $0x3;
	s9 =	sadd.s32 s9, s4  }
0xc: {  	s7 =	sshrl.u32 s19, $0x2;
	s0 =	sadd.s32 s0, s6;
	s21 =	sadd.s32 s8, s9  }
0xd: {  	s6 =	sadd.s32 s7, s4;
	s7 =	smul.u32 $0x280, s10;
	[dreg:$0x4] =	wrdreg s0  }
0xe: {  	[dreg:$0x5] =	wrdreg s21;
	s22 =	sadd.s32 $0x80, s6;
	s23 =	sadd.s32 $0x100, s6  }
0xf: {  	s24 =	sadd.s32 $0x180, s6;
	s25 =	sadd.s32 $0x200, s6;
	s12 =	sadd.s32 $0x280, s6  }
0x10: {  	s13 =	sadd.s32 $0x300, s6;
	s14 =	sadd.s32 $0x380, s6;
	s15 =	sadd.s32 $0x14000, s6  }
0x11: {  	s16 =	sadd.s32 $0x14080, s6;
	s17 =	sadd.s32 $0x14100, s6;
	[dreg:$0x6] =	wrdreg s22  }
.Ltmp0:
0x12: {  	s18 =	sadd.s32 $0x14180, s6;
	[dreg:$0x7] =	wrdreg s23;
	(pc) =	sbr.rel .LBB2_1-.Ltmp0, $4  }
0x13: {  	s19 =	sadd.s32 $0x14200, s6;
	s20 =	sadd.s32 $0x14280, s6;
	[dreg:$0x8] =	wrdreg s24  }
0x14: {  	s21 =	sadd.s32 $0x14300, s6;
	s0 =	simm.s32 $0xA100;
	[dreg:$0x9] =	wrdreg s25  }
0x15: {  	s22 =	sadd.s32 $0x14380, s6;
	s23 =	sadd.s32 s7, s26;
	s24 =	smax.u32 s2, $0x1  }
0x16: {  	v0 =	vimm.f32 $0.0e+00;
	v1 =	vimm.f32 $1.000000000e+00;
	s25 =	simm.s32 $0x1;
	s26 =	simm.s32 $0x4E80;
	s2 =	simm.s32 $0x0  }
.LBB2_13:
0x17: {  	s2 =	sadd.s32 $0x1, s2  }
0x18: {  	p0 =	sne.s32 s2, s24  }
.Ltmp1:
0x19: {  	_ = 	snop;
	(pc) =	sbr.rel @!p0 .LBB2_14-.Ltmp1, $1  }
0x1a: {  	_ =	sdelay $0x3  }
.LBB2_1:
0x1b: {  	s4 =	rddreg [dreg:$0x4]  }
0x1c: {  	[tilespmem:s1], [sflag:$0x1] =	stream.linear.gather [hbm4b:s4+s1], $0x4E20, $0x38;
	[tilespmem:$0xDD00] =	vst v63  }
0x1d: {  	s5 =	simm.s32 $0x0;
	s4 =	simm.s32 $0x40  }
.LBB2_2:
0x1e: {  	p0 =	sne.s32 s4, $0x9FC0;
	[tilespmem:s5+$0x4E80] =	vst v0;
	s5 =	smov.u32 s4;
	s4 =	sadd.s32 $0x40, s4  }
.Ltmp2:
0x1f: {  	(pc) =	sbr.rel @p0 .LBB2_2-.Ltmp2, $2  }
0x20: {  	_ =	sdelay $0x2  }
0x21: {  	s5 =	sshra.s32 s5, $0x2  }
0x22: {  	[tilespmem:s5+$0x4E80] =	vst v0  }
0x23: {  	_ =	swait.ge [sflag:s25], $0x4E20  }
0x24: {  	[sflag:s25] =	ssyncset.done $0x0  }
0x25: {  	s5 =	simm.s32 $0x0;
	s4 =	simm.s32 $0x40;
	[sflag:s25] =	ssyncadd.s32 $0xFFFFB1E0  }
.LBB2_4:
0x26: {  	p0 =	sne.s32 s4, $0x13840;
	v2 =	vld [tilespmem:s5+$0x0];
	_ =	sdelay $0x3  }
.Ltmp3:
0x27: {  	(pc) =	sbr.rel @p0 .LBB2_4-.Ltmp3, $2  }
0x28: {  	_ =	sdelay $0x2  }
0x29: {  	s5 =	sshra.s32 s4, $0x2;
	s4 =	sadd.s32 $0x40, s4;
	[tilespmem:v2+s26+$0x0] =	vst.idx.add.f32.msk $0xffff, v1  }
0x2a: {  	v2 =	vld [tilespmem:s5+$0x0];
	_ =	sdelay $0x7  }
0x2b: {  	s4 =	rddreg [dreg:$0x5];
	[tilespmem:v2+s26+$0x0] =	vst.idx.add.f32.msk $0xffff, v1  }
0x2c: {  	[spmem:s4] =	stream.strided.scatter [tilespmem:s26], [sflag:$0x2], $0x2800, s29, s28, $0x38;
	[tilespmem:$0xDD00] =	vst v63  }
0x2d: {  	_ =	swait.ge [sflag:s30], $0x2800  }
0x2e: {  	[sflag:s30] =	ssyncset.done $0x0  }
0x2f: {  	[sflag:s30] =	ssyncadd.s32 $0xFFFFD800  }
0x30: {  	s5 =	simm.s32 $0x7680;
	[bflag:$0x0] =	sbarrier.arrive $0xFFFF  }
0x31: {  	[tilespmem:s5], [sflag:$0x2] =	stream.strided.gather [spmem:s6], $0x280, s29, s28, $0x38;
	[tilespmem:$0xDD00] =	vst v63  }
0x32: {  	_ =	swait.ge [sflag:s30], $0x280  }
0x33: {  	[sflag:s30] =	ssyncset.done $0x0  }
0x34: {  	s8 =	simm.s32 $0x7900;
	s11 =	rddreg [dreg:$0x6];
	[sflag:s30] =	ssyncadd.s32 $0xFFFFFD80  }
0x35: {  	[tilespmem:s8], [sflag:$0x2] =	stream.strided.gather [spmem:s11], $0x280, s29, s28, $0x38;
	[tilespmem:$0xDD00] =	vst v63  }
0x36: {  	_ =	swait.ge [sflag:s30], $0x280  }
0x37: {  	[sflag:s30] =	ssyncset.done $0x0  }
0x38: {  	s9 =	simm.s32 $0x7B80;
	s8 =	rddreg [dreg:$0x7];
	[sflag:s30] =	ssyncadd.s32 $0xFFFFFD80  }
0x39: {  	[tilespmem:s9], [sflag:$0x2] =	stream.strided.gather [spmem:s8], $0x280, s29, s28, $0x38;
	[tilespmem:$0xDD00] =	vst v63  }
0x3a: {  	_ =	swait.ge [sflag:s30], $0x280  }
0x3b: {  	[sflag:s30] =	ssyncset.done $0x0  }
0x3c: {  	s11 =	simm.s32 $0x7E00;
	s10 =	rddreg [dreg:$0x8];
	[sflag:s30] =	ssyncadd.s32 $0xFFFFFD80  }
0x3d: {  	[tilespmem:s11], [sflag:$0x2] =	stream.strided.gather [spmem:s10], $0x280, s29, s28, $0x38;
	[tilespmem:$0xDD00] =	vst v63  }
0x3e: {  	_ =	swait.ge [sflag:s30], $0x280  }
0x3f: {  	[sflag:s30] =	ssyncset.done $0x0  }
0x40: {  	s10 =	simm.s32 $0x8080;
	s9 =	rddreg [dreg:$0x9];
	[sflag:s30] =	ssyncadd.s32 $0xFFFFFD80  }
0x41: {  	[tilespmem:s10], [sflag:$0x2] =	stream.strided.gather [spmem:s9], $0x280, s29, s28, $0x38;
	[tilespmem:$0xDD00] =	vst v63  }
0x42: {  	_ =	swait.ge [sflag:s30], $0x280  }
0x43: {  	[sflag:s30] =	ssyncset.done $0x0  }
0x44: {  	s11 =	simm.s32 $0x8300;
	[sflag:s30] =	ssyncadd.s32 $0xFFFFFD80  }
0x45: {  	[tilespmem:s11], [sflag:$0x2] =	stream.strided.gather [spmem:s12], $0x280, s29, s28, $0x38;
	[tilespmem:$0xDD00] =	vst v63  }
0x46: {  	_ =	swait.ge [sflag:s30], $0x280  }
0x47: {  	[sflag:s30] =	ssyncset.done $0x0  }
0x48: {  	s8 =	simm.s32 $0x8580;
	[sflag:s30] =	ssyncadd.s32 $0xFFFFFD80  }
0x49: {  	[tilespmem:s8], [sflag:$0x2] =	stream.strided.gather [spmem:s13], $0x280, s29, s28, $0x38;
	[tilespmem:$0xDD00] =	vst v63  }
0x4a: {  	_ =	swait.ge [sflag:s30], $0x280  }
0x4b: {  	[sflag:s30] =	ssyncset.done $0x0  }
0x4c: {  	s9 =	simm.s32 $0x8800;
	[sflag:s30] =	ssyncadd.s32 $0xFFFFFD80  }
0x4d: {  	[tilespmem:s9], [sflag:$0x2] =	stream.strided.gather [spmem:s14], $0x280, s29, s28, $0x38;
	[tilespmem:$0xDD00] =	vst v63  }
0x4e: {  	_ =	swait.ge [sflag:s30], $0x280  }
0x4f: {  	[sflag:s30] =	ssyncset.done $0x0  }
0x50: {  	s10 =	simm.s32 $0x8A80;
	[sflag:s30] =	ssyncadd.s32 $0xFFFFFD80  }
0x51: {  	[tilespmem:s10], [sflag:$0x2] =	stream.strided.gather [spmem:s15], $0x280, s29, s28, $0x38;
	[tilespmem:$0xDD00] =	vst v63  }
0x52: {  	_ =	swait.ge [sflag:s30], $0x280  }
0x53: {  	[sflag:s30] =	ssyncset.done $0x0  }
0x54: {  	s11 =	simm.s32 $0x8D00;
	[sflag:s30] =	ssyncadd.s32 $0xFFFFFD80  }
0x55: {  	[tilespmem:s11], [sflag:$0x2] =	stream.strided.gather [spmem:s16], $0x280, s29, s28, $0x38;
	[tilespmem:$0xDD00] =	vst v63  }
0x56: {  	_ =	swait.ge [sflag:s30], $0x280  }
0x57: {  	[sflag:s30] =	ssyncset.done $0x0  }
0x58: {  	s8 =	simm.s32 $0x8F80;
	[sflag:s30] =	ssyncadd.s32 $0xFFFFFD80  }
0x59: {  	[tilespmem:s8], [sflag:$0x2] =	stream.strided.gather [spmem:s17], $0x280, s29, s28, $0x38;
	[tilespmem:$0xDD00] =	vst v63  }
0x5a: {  	_ =	swait.ge [sflag:s30], $0x280  }
0x5b: {  	[sflag:s30] =	ssyncset.done $0x0  }
0x5c: {  	s9 =	simm.s32 $0x9200;
	[sflag:s30] =	ssyncadd.s32 $0xFFFFFD80  }
0x5d: {  	[tilespmem:s9], [sflag:$0x2] =	stream.strided.gather [spmem:s18], $0x280, s29, s28, $0x38;
	[tilespmem:$0xDD00] =	vst v63  }
0x5e: {  	_ =	swait.ge [sflag:s30], $0x280  }
0x5f: {  	[sflag:s30] =	ssyncset.done $0x0  }
0x60: {  	s10 =	simm.s32 $0x9480;
	[sflag:s30] =	ssyncadd.s32 $0xFFFFFD80  }
0x61: {  	[tilespmem:s10], [sflag:$0x2] =	stream.strided.gather [spmem:s19], $0x280, s29, s28, $0x38;
	[tilespmem:$0xDD00] =	vst v63  }
0x62: {  	_ =	swait.ge [sflag:s30], $0x280  }
0x63: {  	[sflag:s30] =	ssyncset.done $0x0  }
0x64: {  	s11 =	simm.s32 $0x9700;
	[sflag:s30] =	ssyncadd.s32 $0xFFFFFD80  }
0x65: {  	[tilespmem:s11], [sflag:$0x2] =	stream.strided.gather [spmem:s20], $0x280, s29, s28, $0x38;
	[tilespmem:$0xDD00] =	vst v63  }
0x66: {  	_ =	swait.ge [sflag:s30], $0x280  }
0x67: {  	[sflag:s30] =	ssyncset.done $0x0  }
0x68: {  	s8 =	simm.s32 $0x9980;
	[sflag:s30] =	ssyncadd.s32 $0xFFFFFD80  }
0x69: {  	[tilespmem:s8], [sflag:$0x2] =	stream.strided.gather [spmem:s21], $0x280, s29, s28, $0x38;
	[tilespmem:$0xDD00] =	vst v63  }
0x6a: {  	_ =	swait.ge [sflag:s30], $0x280  }
0x6b: {  	[sflag:s30] =	ssyncset.done $0x0  }
0x6c: {  	s9 =	simm.s32 $0x9C00;
	[sflag:s30] =	ssyncadd.s32 $0xFFFFFD80  }
0x6d: {  	[tilespmem:s9], [sflag:$0x2] =	stream.strided.gather [spmem:s22], $0x280, s29, s28, $0x38;
	[tilespmem:$0xDD00] =	vst v63  }
0x6e: {  	_ =	swait.ge [sflag:s30], $0x280  }
0x6f: {  	s4 =	simm.s32 $0x0;
	[sflag:s30] =	ssyncset.done $0x0  }
0x70: {  	s10 =	sand.u32 $0x3F0, s4;
	[sflag:s30] =	ssyncadd.s32 $0xFFFFFD80  }
0x71: {  	v2 =	vld [tilespmem:s10+$0x7900]  }
0x72: {  	v3 =	vld [tilespmem:s5+$0x0];
	_ =	sdelay $0x1  }
0x73: {  	v4 =	vld [tilespmem:s10+$0x7B80];
	_ =	sdelay $0x1  }
0x74: {  	v5 =	vld [tilespmem:s10+$0x7E00]  }
0x75: {  	v2 =	vadd.f32 v2, v3  }
0x76: {  	v3 =	vld [tilespmem:s10+$0x8080]  }
0x77: {  	v2 =	vadd.f32 v4, v2  }
0x78: {  	v56 =	vld [tilespmem:s10+$0x8300]  }
0x79: {  	v2 =	vadd.f32 v5, v2  }
0x7a: {  	v57 =	vld [tilespmem:s10+$0x8580]  }
0x7b: {  	v2 =	vadd.f32 v3, v2  }
0x7c: {  	v3 =	vld [tilespmem:s10+$0x8800]  }
0x7d: {  	v2 =	vadd.f32 v56, v2  }
0x7e: {  	v58 =	vld [tilespmem:s10+$0x8A80]  }
0x7f: {  	v2 =	vadd.f32 v57, v2  }
0x80: {  	v59 =	vld [tilespmem:s10+$0x8D00]  }
0x81: {  	v2 =	vadd.f32 v3, v2  }
0x82: {  	v3 =	vld [tilespmem:s10+$0x8F80]  }
0x83: {  	v2 =	vadd.f32 v58, v2  }
0x84: {  	v60 =	vld [tilespmem:s10+$0x9200]  }
0x85: {  	v2 =	vadd.f32 v59, v2  }
0x86: {  	v61 =	vld [tilespmem:s10+$0x9480]  }
0x87: {  	v2 =	vadd.f32 v3, v2  }
0x88: {  	v3 =	vld [tilespmem:s10+$0x9700]  }
0x89: {  	v2 =	vadd.f32 v60, v2  }
0x8a: {  	v62 =	vld [tilespmem:s10+$0x9980]  }
0x8b: {  	v2 =	vadd.f32 v61, v2  }
0x8c: {  	v63 =	vld [tilespmem:s10+$0x9C00]  }
0x8d: {  	v2 =	vadd.f32 v3, v2;
	_ =	sdelay $0x1  }
0x8e: {  	v2 =	vadd.f32 v62, v2;
	_ =	sdelay $0x1  }
0x8f: {  	v2 =	vadd.f32 v63, v2  }
0x90: {  	s11 =	simm.s32 $0x10;
	s5 =	simm.s32 $0x9E80  }
0x91: {  	s8 =	sand.u32 $0x3F0, s11;
	[tilespmem:s5+$0x0] =	vst v2  }
0x92: {  	s9 =	simm.s32 $0x7690;
	s10 =	simm.s32 $0x20;
	v2 =	vld [tilespmem:s8+$0x7900]  }
.LBB2_6:
0x93: {  	p0 =	sne.s32 s10, $0x270;
	v3 =	vld [tilespmem:s9+$0x0];
	_ =	sdelay $0x1  }
0x94: {  	v4 =	vld [tilespmem:s8+$0x7B80];
	_ =	sdelay $0x1  }
0x95: {  	v5 =	vld [tilespmem:s8+$0x7E00]  }
0x96: {  	v2 =	vadd.f32 v2, v3  }
0x97: {  	v3 =	vld [tilespmem:s8+$0x8080]  }
0x98: {  	v2 =	vadd.f32 v4, v2  }
0x99: {  	v4 =	vld [tilespmem:s8+$0x8300]  }
0x9a: {  	v2 =	vadd.f32 v5, v2  }
0x9b: {  	v5 =	vld [tilespmem:s8+$0x8580]  }
0x9c: {  	v2 =	vadd.f32 v3, v2  }
0x9d: {  	v3 =	vld [tilespmem:s8+$0x8800]  }
0x9e: {  	v2 =	vadd.f32 v4, v2  }
0x9f: {  	v4 =	vld [tilespmem:s8+$0x8A80]  }
0xa0: {  	v2 =	vadd.f32 v5, v2  }
0xa1: {  	v5 =	vld [tilespmem:s8+$0x8D00]  }
0xa2: {  	v2 =	vadd.f32 v3, v2  }
0xa3: {  	v3 =	vld [tilespmem:s8+$0x8F80]  }
0xa4: {  	v2 =	vadd.f32 v4, v2  }
0xa5: {  	v4 =	vld [tilespmem:s8+$0x9200]  }
0xa6: {  	v2 =	vadd.f32 v5, v2  }
0xa7: {  	v5 =	vld [tilespmem:s8+$0x9480]  }
0xa8: {  	v2 =	vadd.f32 v3, v2  }
0xa9: {  	v3 =	vld [tilespmem:s8+$0x9700]  }
0xaa: {  	v2 =	vadd.f32 v4, v2  }
0xab: {  	v4 =	vld [tilespmem:s8+$0x9980]  }
0xac: {  	v2 =	vadd.f32 v5, v2  }
0xad: {  	v5 =	vld [tilespmem:s8+$0x9C00]  }
0xae: {  	v2 =	vadd.f32 v3, v2;
	_ =	sdelay $0x1  }
0xaf: {  	v2 =	vadd.f32 v4, v2  }
.Ltmp4:
0xb0: {  	(pc) =	sbr.rel @p0 .LBB2_6-.Ltmp4, $4  }
0xb1: {  	v2 =	vadd.f32 v5, v2  }
0xb2: {  	s5 =	sadd.s32 $0x10, s5  }
0xb3: {  	s8 =	sand.u32 $0x3F0, s10;
	[tilespmem:s5+$0x0] =	vst v2  }
0xb4: {  	s9 =	sadd.s32 $0x10, s9;
	s10 =	sadd.s32 $0x10, s10;
	v2 =	vld [tilespmem:s8+$0x7900]  }
0xb5: {  	v3 =	vld [tilespmem:s9+$0x0];
	_ =	sdelay $0x1  }
0xb6: {  	v4 =	vld [tilespmem:s8+$0x7B80];
	_ =	sdelay $0x1  }
0xb7: {  	v5 =	vld [tilespmem:s8+$0x7E00]  }
0xb8: {  	v2 =	vadd.f32 v2, v3  }
0xb9: {  	v3 =	vld [tilespmem:s8+$0x8080]  }
0xba: {  	v2 =	vadd.f32 v4, v2  }
0xbb: {  	v56 =	vld [tilespmem:s8+$0x8300]  }
0xbc: {  	v2 =	vadd.f32 v5, v2  }
0xbd: {  	v57 =	vld [tilespmem:s8+$0x8580]  }
0xbe: {  	v2 =	vadd.f32 v3, v2  }
0xbf: {  	v3 =	vld [tilespmem:s8+$0x8800]  }
0xc0: {  	v2 =	vadd.f32 v56, v2  }
0xc1: {  	v58 =	vld [tilespmem:s8+$0x8A80]  }
0xc2: {  	v2 =	vadd.f32 v57, v2  }
0xc3: {  	v59 =	vld [tilespmem:s8+$0x8D00]  }
0xc4: {  	v2 =	vadd.f32 v3, v2  }
0xc5: {  	v3 =	vld [tilespmem:s8+$0x8F80]  }
0xc6: {  	v2 =	vadd.f32 v58, v2  }
0xc7: {  	v60 =	vld [tilespmem:s8+$0x9200]  }
0xc8: {  	v2 =	vadd.f32 v59, v2  }
0xc9: {  	v61 =	vld [tilespmem:s8+$0x9480]  }
0xca: {  	v2 =	vadd.f32 v3, v2  }
0xcb: {  	v3 =	vld [tilespmem:s8+$0x9700]  }
0xcc: {  	v2 =	vadd.f32 v60, v2  }
0xcd: {  	v62 =	vld [tilespmem:s8+$0x9980]  }
0xce: {  	v2 =	vadd.f32 v61, v2  }
0xcf: {  	v63 =	vld [tilespmem:s8+$0x9C00]  }
0xd0: {  	v2 =	vadd.f32 v3, v2;
	_ =	sdelay $0x1  }
.Ltmp5:
0xd1: {  	v2 =	vadd.f32 v62, v2;
	(pc) =	sbr.rel .LBB2_8-.Ltmp5, $4  }
0xd2: {  	_ = 	snop  }
0xd3: {  	v2 =	vadd.f32 v63, v2  }
0xd4: {  	s5 =	sadd.s32 $0x10, s5  }
0xd5: {  	[tilespmem:s5+$0x0] =	vst v2;
	s5 =	simm.s32 $0x0  }
.LBB2_12:
0xd6: {  	s5 =	sadd.s32 $0x1, s5  }
0xd7: {  	p0 =	sne.s32 s5, $0x10  }
.Ltmp6:
0xd8: {  	_ = 	snop;
	(pc) =	sbr.rel @!p0 .LBB2_13-.Ltmp6, $2  }
0xd9: {  	_ =	sdelay $0x2  }
0xda: {  	s4 =	sadd.s32 $0x28, s4  }
.LBB2_8:
0xdb: {  	s8 =	smul.u32 $0x28, s5;
	_ =	sdelay $0x1  }
0xdc: {  	s9 =	sadd.s32 s7, s8  }
0xdd: {  	p0 =	sgt.u32 s9, $0x270F  }
.Ltmp7:
0xde: {  	_ = 	snop;
	(pc) =	sbr.rel @p0 .LBB2_12-.Ltmp7, $1  }
0xdf: {  	_ =	sdelay $0x3  }
0xe0: {  	s9 =	sadd.s32 $0x0, s4  }
0xe1: {  	v2 =	vmov s9;
	_ =	sdelay $0x4  }
0xe2: {  	v2 =	vld.idx.msk [tilespmem:v2+s31+$0x0], $0xffff;
	_ =	sdelay $0x3  }
0xe3: {  	s9 =	simm.s32 $0xA140  }
0xe4: {  	[tilespmem:s9+$0xFFFFFFC0] =	vst v2  }
0xe5: {  	[tilespmem:s9+$0xFFFFFFD0] =	vst v2  }
0xe6: {  	s11 =	sadd.s32 $0x1, s4;
	s10 =	simm.s32 $0x2;
	[tilespmem:s9+$0xFFFFFFE0] =	vst v2  }
.LBB2_10:
0xe7: {  	p0 =	sne.s32 s10, $0x27;
	v3 =	vmov s11;
	[tilespmem:s9+$0xFFFFFFF0] =	vst v2  }
0xe8: {  	[tilespmem:s9+$0x0] =	vst v2  }
0xe9: {  	[tilespmem:s9+$0x10] =	vst v2  }
0xea: {  	[tilespmem:s9+$0x20] =	vst v2  }
0xeb: {  	[tilespmem:s9+$0x30] =	vst v2  }
0xec: {  	v2 =	vld.idx.msk [tilespmem:v3+s31+$0x0], $0xffff;
	_ =	sdelay $0x3  }
.Ltmp8:
0xed: {  	(pc) =	sbr.rel @p0 .LBB2_10-.Ltmp8, $4  }
0xee: {  	s9 =	sadd.s32 $0x80, s9  }
0xef: {  	[tilespmem:s9+$0xFFFFFFC0] =	vst v2  }
0xf0: {  	[tilespmem:s9+$0xFFFFFFD0] =	vst v2  }
0xf1: {  	s11 =	sadd.s32 s10, s4;
	s10 =	sadd.s32 $0x1, s10;
	[tilespmem:s9+$0xFFFFFFE0] =	vst v2  }
0xf2: {  	v3 =	vmov s11;
	[tilespmem:s9+$0xFFFFFFF0] =	vst v2  }
0xf3: {  	[tilespmem:s9+$0x0] =	vst v2  }
0xf4: {  	[tilespmem:s9+$0x10] =	vst v2  }
0xf5: {  	[tilespmem:s9+$0x20] =	vst v2  }
0xf6: {  	[tilespmem:s9+$0x30] =	vst v2  }
0xf7: {  	v2 =	vld.idx.msk [tilespmem:v3+s31+$0x0], $0xffff;
	_ =	sdelay $0x3  }
0xf8: {  	s11 =	sadd.s32 $0x80, s9  }
0xf9: {  	[tilespmem:s11+$0xFFFFFFC0] =	vst v2  }
0xfa: {  	[tilespmem:s11+$0xFFFFFFD0] =	vst v2  }
0xfb: {  	[tilespmem:s11+$0xFFFFFFE0] =	vst v2  }
0xfc: {  	[tilespmem:s11+$0xFFFFFFF0] =	vst v2  }
0xfd: {  	[tilespmem:s11+$0x0] =	vst v2  }
0xfe: {  	s8 =	sadd.s32 s8, s23;
	[tilespmem:s11+$0x10] =	vst v2  }
0xff: {  	s8 =	sshll.u32 s8, $0x4;
	[tilespmem:s11+$0x20] =	vst v2  }
.Ltmp9:
0x100: {  	s8 =	sadd.s32 s3, s8;
	[tilespmem:s11+$0x30] =	vst v2;
	(pc) =	sbr.rel .LBB2_12-.Ltmp9, $4  }
0x101: {  	[hbm4b:s8+s1] =	stream.linear.scatter [tilespmem:s0], [sflag:$0x2], $0x1400, $0x38;
	[tilespmem:$0xDD00] =	vst v63  }
0x102: {  	_ =	swait.ge [sflag:s30], $0x1400  }
0x103: {  	[sflag:s30] =	ssyncset.done $0x0  }
0x104: {  	[sflag:s30] =	ssyncadd.s32 $0xFFFFEC00  }
.LBB2_14:
0x105: {  	_ =	sfence.sel $0x180000  }
0x106: {  	[bflag:$0x0] =	sbarrier.arrive $0xFFFF  }
0x107: {  	_ =	strace $0x90000047  }
0x108: {  	s0 =	stileid.u32;
	[bflag:$0x2] =	sbarrier.arrive $0xFFFF  }
0x109: {  	p0 =	sne.s32 s0, $0x0;
	s0 =	rddreg [dreg:$0x3]  }
0x10a: {  	s0 =	sadd.s32 @!p0 $0x100000, s0  }
0x10b: {  	[sflag:s0] =	ssyncadd.tile.s32 @!p0 $0x1;
	_ =	shalt  }
.Lfunc_end2:
_tile_overlayer_lowered:
.L_overlay_start_2:
0x10c: {  	(tag) =	ssettag $0x2  }
0x10d: {  	s0 =	rddreg [dreg:$0x0];
	s2 =	stileid.u32  }
0x10e: {  	s1 =	rddreg [dreg:$0x1];
	p0 =	sne.s32 s2, $0x0  }
0x10f: {  	s3 =	rddreg [dreg:$0x2];
	[bflag:$0x3] =	sbarrier.arrive $0xFFFF;
	s2 =	simm.s32 @!p0 $0x1C02  }
0x110: {  	[timem:s3], [sflag:s2] =	dma.local @!p0 [hbm:s0], s1  }
0x111: {  	s0 =	simm.s32 @!p0 $0x2  }
0x112: {  	_ =	swait.ge @!p0 [sflag:s0], s1  }
0x113: {  	s1 =	ssub.s32 @!p0 $0x0, s1;
	[sflag:s0] =	ssyncset.done @!p0 $0x0  }
0x114: {  	[sflag:s0] =	ssyncadd.s32 @!p0 s1  }
0x115: {  	[bflag:$0x3] =	sbarrier.arrive $0xFFFF  }
0x116: {  	_ =	shalt  }

// kernel: kernel.13.cloned.1.call-start
scs
__scs_entry_jumppad:
0x0: {  	(pc) =	sbr.rel $0x88, $3  }
0x1: {  	(tag) =	ssettag $0x0;
	lr =	simm.s32 $0x1  }
0x2: {  	[smem:$0x3F99] =	sst lr;
	_ =	strace $0xD0000000  }
0x3: {  	_ = 	snop  }
0x4: {  	_ = 	snop  }
0x5: {  	_ = 	snop  }
0x6: {  	_ = 	snop  }
0x7: {  	_ = 	snop  }
__scs_overlays_trampoline_lowered:
0x8: {  	[smem:$0x3FA8] =	sst s0  }
0x9: {  	[smem:$0x3FA9] =	sst s1  }
0xa: {  	[smem:$0x3FAA] =	sst s2  }
0xb: {  	[smem:$0x3FAB] =	sst s3  }
0xc: {  	[smem:$0x3FAC] =	sst s4  }
0xd: {  	[smem:$0x3FAD] =	sst s5  }
0xe: {  	[smem:$0x3FAE] =	sst s6  }
0xf: {  	[smem:$0x3FAF] =	sst s7  }
0x10: {  	[smem:$0x3FB0] =	sst s8  }
0x11: {  	[smem:$0x3FB1] =	sst s9;
	s0 =	simm.s32 @!p0 $0x0  }
0x12: {  	s1 =	sld [smem:$0x3F97];
	s0 =	simm.s32 @p0 $0x1  }
0x13: {  	[smem:$0x3FB2] =	sst s0;
	s0 =	simm.s32 @!p1 $0x0  }
0x14: {  	s2 =	sld [smem:$0x3F96];
	s0 =	simm.s32 @p1 $0x1  }
0x15: {  	[smem:$0x3FB3] =	sst s0;
	s0 =	simm.s32 @!p2 $0x0  }
0x16: {  	s3 =	sld [smem:$0x3FDB];
	s0 =	simm.s32 @p2 $0x1  }
0x17: {  	s4 =	simm.s32 $0x1BF5;
	[smem:$0x3FB5] =	sst s0  }
0x18: {  	s0 =	sld [smem:$0x3F98];
	_ =	swait.ge [sflag:s4], $0x0  }
0x19: {  	s7 =	sld [smem:$0x3F99]  }
0x1a: {  	s8 =	sadd.s32 $0xFFFFE003, lr  }
0x1b: {  	s9 =	sadd.s32 $0xFFFFFEF7, lr;
	s5 =	simm.s32 $0xFFFFFFFF;
	p2 =	slt.u32 s8, $0xFFFFF086  }
0x1c: {  	p1 =	slt.u32 s9, $0xF7A;
	s5 =	simm.s32 @!p2 $0x0  }
0x1d: {  	s5 =	simm.s32 @p1 $0x1;
	p0 =	seq.s32 s7, s2  }
0x1e: {  	s7 =	smul.u32 @!p0 $0xF7A, s2;
	p2 =	seq.s32 @!p0 s5, $0x0  }
0x1f: {  	s9 =	smul.u32 $0xF7A, s1;
	s8 =	simm.s32 @!p0 $0x1BF5;
	p2 =	por !p2, p0  }
0x20: {  	[sflag:s8] =	ssyncset.s32 @!p0 $0xFFFFF086;
	s6 =	sadd.s32 @!p0 s3, s7;
	s7 =	simm.s32 @!p0 $0x108  }
0x21: {  	s3 =	sadd.s32 s3, s9;
	s6 =	sadd.s32 @!p0 $0x88, s6;
	s7 =	simm.s32 @p2 $0x1082  }
0x22: {  	[simem:s7], [sflag:s8] =	dma.local @!p0 [hbm:s6], $0xF7A  }
0x23: {  	s9 =	sor.u32 $0xD0000000, s2;
	s6 =	simm.s32 $0x108;
	_ =	swait.ge @!p0 [sflag:s8], $0x0  }
0x24: {  	s3 =	sadd.s32 $0x88, s3;
	s6 =	simm.s32 @!p1 $0x1082;
	[sflag:s4] =	ssyncset.s32 $0xFFFFF086  }
0x25: {  	[simem:s6], [sflag:s4] =	dma.local [hbm:s3], $0xF7A  }
0x26: {  	[smem:$0x3F99] =	sst s1;
	(tag) =	ssettag s2;
	_ =	strace s9  }
0x27: {  	s1 =	sld [smem:$0x3FA9]  }
0x28: {  	s2 =	sld [smem:$0x3FAA]  }
0x29: {  	s4 =	sld [smem:$0x3FAC]  }
0x2a: {  	p0 =	seq.s32 s5, $0x0;
	s5 =	sld [smem:$0x3FAD]  }
0x2b: {  	s6 =	sld [smem:$0x3FAE]  }
0x2c: {  	s7 =	sld [smem:$0x3FAF]  }
0x2d: {  	s3 =	simm.s32 $0x108;
	s8 =	sld [smem:$0x3FB0]  }
0x2e: {  	s3 =	simm.s32 @!p0 $0x1082;
	s9 =	sld [smem:$0x3FB1]  }
0x2f: {  	lr =	sadd.s32 s0, s3;
	s0 =	sld [smem:$0x3FA8]  }
0x30: {  	s3 =	sld [smem:$0x3FAB]  }
0x31: {  	[smem:$0x3FB4] =	sst s10  }
0x32: {  	s10 =	sld [smem:$0x3FB2];
	_ =	sdelay $0x3  }
0x33: {  	p0 =	seq.s32 s10, $0x1;
	s10 =	sld [smem:$0x3FB4];
	_ =	sdelay $0x3  }
0x34: {  	[smem:$0x3FB4] =	sst s10  }
0x35: {  	s10 =	sld [smem:$0x3FB3];
	_ =	sdelay $0x3  }
0x36: {  	p1 =	seq.s32 s10, $0x1;
	s10 =	sld [smem:$0x3FB4];
	_ =	sdelay $0x3  }
0x37: {  	[smem:$0x3FB4] =	sst s10  }
0x38: {  	s10 =	sld [smem:$0x3FB5]  }
0x39: {  	_ = 	snop;
	(pc) =	sbr.ind lr, $3  }
0x3a: {  	_ = 	snop  }
0x3b: {  	_ = 	snop  }
0x3c: {  	p2 =	seq.s32 s10, $0x1;
	s10 =	sld [smem:$0x3FB4]  }
0x3d: {  	_ =	shalt  }
0x3e: {  	_ =	shalt  }
0x3f: {  	_ =	shalt  }
0x40: {  	_ =	shalt  }
0x41: {  	_ =	shalt  }
0x42: {  	_ =	shalt  }
0x43: {  	_ =	shalt  }
0x44: {  	_ =	shalt  }
0x45: {  	_ =	shalt  }
0x46: {  	_ =	shalt  }
0x47: {  	_ =	shalt  }
0x48: {  	_ =	shalt  }
0x49: {  	_ =	shalt  }
0x4a: {  	_ =	shalt  }
0x4b: {  	_ =	shalt  }
0x4c: {  	_ =	shalt  }
0x4d: {  	_ =	shalt  }
0x4e: {  	_ =	shalt  }
0x4f: {  	_ =	shalt  }
0x50: {  	_ =	shalt  }
0x51: {  	_ =	shalt  }
0x52: {  	_ =	shalt  }
0x53: {  	_ =	shalt  }
0x54: {  	_ =	shalt  }
0x55: {  	_ =	shalt  }
0x56: {  	_ =	shalt  }
0x57: {  	_ =	shalt  }
0x58: {  	_ =	shalt  }
0x59: {  	_ =	shalt  }
0x5a: {  	_ =	shalt  }
0x5b: {  	_ =	shalt  }
0x5c: {  	_ =	shalt  }
0x5d: {  	_ =	shalt  }
0x5e: {  	_ =	shalt  }
0x5f: {  	_ =	shalt  }
0x60: {  	_ =	shalt  }
0x61: {  	_ =	shalt  }
0x62: {  	_ =	shalt  }
0x63: {  	_ =	shalt  }
0x64: {  	_ =	shalt  }
0x65: {  	_ =	shalt  }
0x66: {  	_ =	shalt  }
0x67: {  	_ =	shalt  }
0x68: {  	_ =	shalt  }
0x69: {  	_ =	shalt  }
0x6a: {  	_ =	shalt  }
0x6b: {  	_ =	shalt  }
0x6c: {  	_ =	shalt  }
0x6d: {  	_ =	shalt  }
0x6e: {  	_ =	shalt  }
0x6f: {  	_ =	shalt  }
0x70: {  	_ =	shalt  }
0x71: {  	_ =	shalt  }
0x72: {  	_ =	shalt  }
0x73: {  	_ =	shalt  }
0x74: {  	_ =	shalt  }
0x75: {  	_ =	shalt  }
0x76: {  	_ =	shalt  }
0x77: {  	_ =	shalt  }
0x78: {  	_ =	shalt  }
0x79: {  	_ =	shalt  }
0x7a: {  	_ =	shalt  }
0x7b: {  	_ =	shalt  }
0x7c: {  	_ =	shalt  }
0x7d: {  	_ =	shalt  }
0x7e: {  	_ =	shalt  }
0x7f: {  	_ =	shalt  }
0x80: {  	_ =	shalt  }
0x81: {  	_ =	shalt  }
0x82: {  	_ =	shalt  }
0x83: {  	_ =	shalt  }
0x84: {  	_ =	shalt  }
0x85: {  	_ =	shalt  }
0x86: {  	_ =	shalt  }
0x87: {  	_ =	shalt  }
.Lfunc_end0:
.L_simem_size_0:
called_computation.1_lowered:
.L_overlay_start_0:
0x88: {  	s2 =	sld [smem:$0x3FD9]  }
0x89: {  	s3 =	sld [smem:$0x3FFE];
	_ =	sdelay $0x1  }
0x8a: {  	s1 =	srdreg.scid  }
0x8b: {  	s0 =	sand.u32 $0x1, s1  }
0x8c: {  	s14 =	sshll.u32 s0, $0xA;
	s2 =	sadd.s32 s3, s2  }
0x8d: {  	s2 =	sadd.s32 s2, s14  }
0x8e: {  	[smem:$0x3FC0] =	sst s2  }
0x8f: {  	_ = 	snop  }
0x90: {  	s2 =	sld [smem:$0x3FD0];
	_ =	sdelay $0x2  }
0x91: {  	s15 =	simm.s32 $0xA;
	s4 =	simm.s32 $0x10  }
0x92: {  	[smem:s4], [sflag:s15] =	dma.local [hbm:s2], $0x1  }
0x93: {  	_ =	swait.eq [sflag:s15], $0x1  }
0x94: {  	[sflag:s15] =	ssyncset.done $0x0  }
0x95: {  	[sflag:s15] =	ssyncadd.s32 $0xFFFFFFFF  }
0x96: {  	s16 =	sld [smem:$0x11];
	(tm) =	ssettm $0x1  }
0x97: {  	s17 =	sld [smem:$0x3FFB];
	_ =	sdelay $0x3  }
0x98: {  	_ =	strace s17  }
0x99: {  	s3 =	sld [smem:$0x3FFC];
	_ =	sdelay $0x3  }
0x9a: {  	_ =	strace s3  }
0x9b: {  	s3 =	sld [smem:$0x3FFD];
	_ =	sdelay $0x3  }
0x9c: {  	_ =	strace s3  }
0x9d: {  	_ =	strace $0x8FFFFFFF  }
0x9e: {  	s18 =	sld [smem:$0x3FDB];
	_ =	sdelay $0x1  }
0x9f: {  	s19 =	simm.s32 $_scs_section_size  }
0xa0: {  	s5 =	simm.s32 $_size__tile_overlayer_lowered;
	s6 =	simm.s32 $_tile_overlayer_lowered  }
0xa1: {  	s22 =	simm.s32 $0x1BFF;
	s21 =	sshll.u32 s6, $0x1;
	s3 =	sadd.s32 s19, s18  }
0xa2: {  	s7 =	simm.s32 $0x0;
	s20 =	sshll.u32 s5, $0x1;
	s5 =	sadd.s32 s21, s3  }
0xa3: {  	[timem:s7], [sflag:s22] =	dma.local [hbm:s5], s20  }
0xa4: {  	_ =	swait.ge [sflag:s22], s20  }
0xa5: {  	s4 =	ssub.s32 $0x0, s20;
	[sflag:s22] =	ssyncset.done $0x0  }
0xa6: {  	[sflag:s22] =	ssyncadd.s32 s4;
	_ =	sdelay $0x1  }
0xa7: {  	s23 =	simm.s32 $0x1B8B  }
0xa8: {  	_ =	swait.ge [sflag:s23], $0x1  }
0xa9: {  	[sflag:s23] =	ssyncset.done $0x0  }
0xaa: {  	s25 =	simm.s32 $0x1B8E;
	s24 =	sld [smem:$0x3FFE];
	[sflag:s23] =	ssyncadd.s32 $0xFFFFFFFF  }
0xab: {  	s26 =	simm.s32 $execute0_lowered;
	[smem:$0x3FD2] =	sst s25  }
0xac: {  	s5 =	sshll.u32 s26, $0x1;
	_ =	strace $0x80000049;
	[dreg:$0x1] =	wrdreg $0xFFFFFFFF  }
0xad: {  	s28 =	simm.s32 $_size_execute0_lowered;
	s3 =	sadd.s32 s3, s5;
	[dreg:$0x0] =	wrdreg $0x0  }
0xae: {  	s5 =	sshll.u32 s28, $0x1;
	[dreg:$0x2] =	wrdreg s3  }
0xaf: {  	[dreg:$0x3] =	wrdreg s5  }
0xb0: {  	[dreg:$0x4] =	wrdreg $0xC0  }
0xb1: {  	_ =	task [dreg:s7], $0x5FFFF  }
0xb2: {  	[dreg:$0x1] =	wrdreg $0xFFFFFFFF  }
0xb3: {  	[dreg:$0x0] =	wrdreg $0x60  }
0xb4: {  	[dreg:$0x2] =	wrdreg s16  }
0xb5: {  	[dreg:$0x3] =	wrdreg s24  }
0xb6: {  	[dreg:$0x4] =	wrdreg $0xBC000  }
0xb7: {  	[dreg:$0x5] =	wrdreg $0x9  }
0xb8: {  	_ =	task.clear_ibuf [dreg:s7], $0x6FFFF;
	_ =	strace $0x90000049  }
0xb9: {  	s29 =	simm.s32 $0x9;
	_ =	strace $0x8000004B  }
0xba: {  	_ =	swait.ge [sflag:s29], $0x1  }
0xbb: {  	[sflag:s29] =	ssyncadd.s32 $0xFFFFFFFF  }
0xbc: {  	_ =	strace $0x9000004B  }
0xbd: {  	_ =	sfence  }
0xbe: {  	s30 =	sld [smem:$0x0];
	_ =	sdelay $0x2  }
0xbf: {  	s31 =	sshll.u32 s1, $0xD;
	s1 =	sshrl.u32 s1, $0x2  }
0xc0: {  	s3 =	sand.u32 $0x4000, s31;
	s1 =	sadd.s32 s1, s30  }
0xc1: {  	s0 =	sor.u32 s3, s0;
	s1 =	sshll.u32 s1, $0x11  }
0xc2: {  	s0 =	sor.u32 s1, s0  }
0xc3: {  	s0 =	sadd.s32 $0x8F2B, s0  }
0xc4: {  	[sflag:s0] =	ssyncadd.remote.s32 $0x1  }
0xc5: {  	_ =	sfence.sel $0xFFFF  }
0xc6: {  	[dreg:$0x0] =	wrdreg $0xFFFFFFFF;
	(pc) =	sbr.abs _section_cstart, $3  }
0xc7: {  	[dreg:$0x1] =	wrdreg $0xFFFFFFFF  }
0xc8: {  	_ =	task.clear_ibuf [dreg:s7], $0x2FFFF;
	_ =	strace $0x9FFFFFFF  }
0xc9: {  	(tm) =	ssettm $0x7FFFFFFF  }
tec
execute0_lowered:
.L_overlay_start_1:
0x0: {  	(tag) =	ssettag $0x1  }
0x1: {  	s1 =	rddreg [dreg:$0x0]  }
0x2: {  	s5 =	rddreg [dreg:$0x1]  }
0x3: {  	s2 =	rddreg [dreg:$0x2]  }
0x4: {  	s3 =	srdreg.scid;
	s0 =	rddreg [dreg:$0x3];
	s4 =	simm.s32 $0x0  }
0x5: {  	s16 =	simm.s32 $0x2800;
	s17 =	simm.s32 $0x6800;
	s18 =	simm.s32 $0x1480  }
0x6: {  	s19 =	simm.s32 $0x3;
	s20 =	simm.s32 $0x100;
	s21 =	simm.s32 $0x4  }
0x7: {  	s22 =	simm.s32 $0x0;
	s6 =	sand.u32 $0x1, s3;
	s3 =	stileid.u32  }
0x8: {  	[smem:$0x7FF] =	sst s4;
	s10 =	sadd.s32 $0x51C00, s5;
	s8 =	smul.u32 $0x27100, s6  }
0x9: {  	s12 =	sadd.s32 $0x5BC00, s5;
	s7 =	sshll.u32 s6, $0x4;
	s14 =	smul.u32 $0x5000, s3  }
0xa: {  	s6 =	ssub.s32 $0x2, s6;
	s15 =	smul.u32 $0x280, s3;
	s7 =	sor.u32 s3, s7  }
0xb: {  	_ =	strace $0x8000004A;
	s11 =	sshrl.u32 s6, $0x1;
	s9 =	smul.u32 $0x500, s7  }
0xc: {  	s7 =	smul.u32 $0x2800, s7;
	s13 =	sadd.s32 s8, s5;
	s11 =	ssub.s32 s6, s11  }
0xd: {  	s30 =	sshrl.u32 s14, $0x2;
	s14 =	simm.s32 $0x2;
	s31 =	sadd.s32 s15, s13  }
0xe: {  	s13 =	simm.s32 $0x1;
	s15 =	simm.s32 $0x80;
	s7 =	sshrl.u32 s7, $0x3  }
0xf: {  	s5 =	sadd.s32 s10, s9;
	s6 =	sadd.s32 s12, s9;
	s29 =	sadd.s32 $0x280, s7  }
0x10: {  	s9 =	smax.u32 s11, $0x1;
	s11 =	sadd.s32 $0x65C00, s31;
	s7 =	sadd.s32 s10, s29  }
0x11: {  	v0 =	vimm.f32 $0.0e+00;
	s8 =	sadd.s32 s12, s29;
	s10 =	sadd.s32 s30, s2;
	s12 =	simm.s32 $0x1400  }
.LBB2_1:
0x12: {  	s23 =	simm.s32 $0x70;
	s24 =	simm.s32 $0x3C0  }
.LBB2_2:
0x13: {  	p0 =	sne.s32 s24, $0x4FC0;
	[tilespmem:s23+$0xA800] =	vst v0  }
0x14: {  	[tilespmem:s23+$0xA790] =	vst v0  }
0x15: {  	[tilespmem:s23+$0xA7A0] =	vst v0  }
.Ltmp0:
0x16: {  	[tilespmem:s23+$0xA7B0] =	vst v0;
	(pc) =	sbr.rel @p0 .LBB2_2-.Ltmp0, $4  }
0x17: {  	[tilespmem:s23+$0xA7C0] =	vst v0  }
0x18: {  	[tilespmem:s23+$0xA7D0] =	vst v0  }
0x19: {  	[tilespmem:s23+$0xA7E0] =	vst v0  }
0x1a: {  	[tilespmem:s23+$0xA7F0] =	vst v0;
	s23 =	sshra.s32 s24, $0x2;
	s24 =	sadd.s32 $0x200, s24  }
0x1b: {  	[tilespmem:s23+$0xA800] =	vst v0  }
0x1c: {  	[tilespmem:s23+$0xA790] =	vst v0  }
0x1d: {  	[tilespmem:s23+$0xA7A0] =	vst v0  }
0x1e: {  	[tilespmem:s23+$0xA7B0] =	vst v0  }
0x1f: {  	[tilespmem:s23+$0xA7C0] =	vst v0  }
0x20: {  	[tilespmem:s23+$0xA7D0] =	vst v0  }
0x21: {  	[tilespmem:s23+$0xA7E0] =	vst v0  }
0x22: {  	[tilespmem:s23+$0xA7F0] =	vst v0;
	s30 =	simm.s32 $0x0  }
0x23: {  	[tilespmem:s30], [sflag:$0x1] =	stream.linear.gather [hbm4b:s5+s30], $0x1400, $0x38;
	[tilespmem:$0x1F880] =	vst v63  }
0x24: {  	_ = 	snop  }
0x25: {  	[tilespmem:s12], [sflag:$0x2] =	stream.linear.gather [hbm4b:s6+s30], $0x1400, $0x38;
	[tilespmem:$0x1F880] =	vst v63  }
0x26: {  	_ =	swait.ge [sflag:s13], $0x1400  }
0x27: {  	[sflag:s13] =	ssyncset.done $0x0  }
0x28: {  	[sflag:s13] =	ssyncadd.s32 $0xFFFFEC00  }
0x29: {  	s31 =	sadd.s32 $0x0, s3;
	_ =	swait.ge [sflag:s14], $0x1400  }
0x2a: {  	p0 =	sgt.u32 s31, $0xF9;
	[sflag:s14] =	ssyncset.done $0x0  }
0x2b: {  	s23 =	simm.s32 @!p0 $0xA800;
	s26 =	simm.s32 @!p0 $0x5;
	[sflag:s14] =	ssyncadd.s32 $0xFFFFEC00  }
0x2c: {  	[spmem:s10] =	stream.linear.scatter @!p0 [tilespmem:s23], [sflag:$0x5], $0x1400, $0x38;
	[tilespmem:$0x1F880] =	vst v63  }
0x2d: {  	s24 =	simm.s32 $0x10;
	_ =	swait.ge @!p0 [sflag:s26], $0x1400  }
0x2e: {  	s25 =	simm.s32 $0x20;
	s23 =	sadd.s32 $0x14000, s10;
	[sflag:s26] =	ssyncset.done @!p0 $0x0  }
.LBB2_4:
0x2f: {  	s28 =	sadd.s32 s24, s3;
	s24 =	smov.u32 s25;
	s25 =	sadd.s32 $0x10, s25  }
0x30: {  	[sflag:s26] =	ssyncadd.s32 @!p0 $0xFFFFEC00;
	p1 =	sne.s32 s25, $0x100  }
.Ltmp1:
0x31: {  	p0 =	sgt.u32 s28, $0xF9;
	(pc) =	sbr.rel @p1 .LBB2_4-.Ltmp1, $4  }
0x32: {  	s28 =	simm.s32 @!p0 $0xA800;
	s26 =	simm.s32 @!p0 $0x5  }
0x33: {  	[spmem:s23] =	stream.linear.scatter @!p0 [tilespmem:s28], [sflag:$0x5], $0x1400, $0x38;
	[tilespmem:$0x1F880] =	vst v63  }
0x34: {  	_ =	swait.ge @!p0 [sflag:s26], $0x1400  }
0x35: {  	s23 =	sadd.s32 $0x14000, s23;
	[sflag:s26] =	ssyncset.done @!p0 $0x0  }
0x36: {  	s24 =	sadd.s32 s24, s3  }
0x37: {  	p1 =	sgt.u32 s24, $0xF9  }
0x38: {  	[sflag:s26] =	ssyncadd.s32 @!p0 $0xFFFFEC00;
	s24 =	simm.s32 @!p1 $0xA800;
	s25 =	simm.s32 @!p1 $0x5  }
0x39: {  	[spmem:s23] =	stream.linear.scatter @!p1 [tilespmem:s24], [sflag:$0x5], $0x1400, $0x38;
	[tilespmem:$0x1F880] =	vst v63  }
0x3a: {  	_ =	swait.ge @!p1 [sflag:s25], $0x1400  }
0x3b: {  	[sflag:s25] =	ssyncset.done @!p1 $0x0  }
0x3c: {  	[sflag:s25] =	ssyncadd.s32 @!p1 $0xFFFFEC00  }
0x3d: {  	[bflag:$0x0] =	sbarrier.arrive $0xFFFF  }
0x3e: {  	[tilespmem:s16], [sflag:$0x1] =	stream.indirect.gather [hbm4b:s1+s15], $0x80, s4, s15, $0xb8;
	[tilespmem:$0x1F880] =	vst v63  }
0x3f: {  	_ =	swait.ge [sflag:s13], $0x4000  }
0x40: {  	[sflag:s13] =	ssyncset.done $0x0  }
0x41: {  	[sflag:s13] =	ssyncadd.s32 $0xFFFFC000  }
0x42: {  	[spmem:s2] =	stream.indirect.scatter.add.f32 [tilespmem:s16], [sflag:$0x3], $0x80, s12, s15, $0xb8;
	[tilespmem:$0x1F880] =	vst v63  }
0x43: {  	_ = 	snop  }
0x44: {  	[tilespmem:s17], [sflag:$0x2] =	stream.indirect.gather [hbm4b:s1+s15], $0x80, s15, s15, $0xb8;
	[tilespmem:$0x1F880] =	vst v63  }
0x45: {  	_ =	swait.ge [sflag:s14], $0x4000  }
0x46: {  	[sflag:s14] =	ssyncset.done $0x0  }
0x47: {  	[sflag:s14] =	ssyncadd.s32 $0xFFFFC000  }
0x48: {  	[spmem:s2] =	stream.indirect.scatter.add.f32 [tilespmem:s17], [sflag:$0x4], $0x80, s18, s15, $0xb8;
	[tilespmem:$0x1F880] =	vst v63  }
0x49: {  	_ =	swait.ge [sflag:s19], $0x4000  }
0x4a: {  	[sflag:s19] =	ssyncset.done $0x0  }
0x4b: {  	s23 =	simm.s32 $0xFFFFB800;
	[sflag:s19] =	ssyncadd.s32 $0xFFFFC000  }
0x4c: {  	[tilespmem:s16], [sflag:$0x1] =	stream.indirect.gather [hbm4b:s1+s15], $0x80, s20, s15, $0xb8;
	[tilespmem:$0x1F880] =	vst v63  }
.LBB2_6:
0x4d: {  	_ =	swait.ge [sflag:s13], $0x4000  }
0x4e: {  	s24 =	sshra.s32 s23, $0x2;
	[sflag:s13] =	ssyncset.done $0x0  }
0x4f: {  	s25 =	sadd.s32 $0x2700, s24;
	[sflag:s13] =	ssyncadd.s32 $0xFFFFC000  }
0x50: {  	[spmem:s2] =	stream.indirect.scatter.add.f32 [tilespmem:s16], [sflag:$0x3], $0x80, s25, s15, $0xb8;
	[tilespmem:$0x1F880] =	vst v63  }
0x51: {  	_ =	swait.ge [sflag:s21], $0x4000  }
0x52: {  	[sflag:s21] =	ssyncset.done $0x0  }
0x53: {  	s30 =	sadd.s32 $0x1380, s24;
	[sflag:s21] =	ssyncadd.s32 $0xFFFFC000  }
0x54: {  	[tilespmem:s17], [sflag:$0x2] =	stream.indirect.gather [hbm4b:s1+s15], $0x80, s30, s15, $0xb8;
	[tilespmem:$0x1F880] =	vst v63  }
0x55: {  	_ =	swait.ge [sflag:s14], $0x4000  }
0x56: {  	p0 =	seq.s32 s23, $0x0;
	[sflag:s14] =	ssyncset.done $0x0  }
.Ltmp2:
0x57: {  	s31 =	sadd.s32 $0x2780, s24;
	[sflag:s14] =	ssyncadd.s32 $0xFFFFC000;
	(pc) =	sbr.rel @p0 .LBB2_8-.Ltmp2, $4  }
0x58: {  	[spmem:s2] =	stream.indirect.scatter.add.f32 [tilespmem:s17], [sflag:$0x4], $0x80, s31, s15, $0xb8;
	[tilespmem:$0x1F880] =	vst v63  }
0x59: {  	_ =	swait.ge [sflag:s19], $0x4000  }
0x5a: {  	[sflag:s19] =	ssyncset.done $0x0  }
0x5b: {  	[sflag:s19] =	ssyncadd.s32 $0xFFFFC000  }
.Ltmp3:
0x5c: {  	(pc) =	sbr.rel .LBB2_6-.Ltmp3, $3  }
0x5d: {  	_ =	sdelay $0x1  }
0x5e: {  	s24 =	sadd.s32 $0x1400, s24;
	s23 =	sadd.s32 $0x400, s23  }
0x5f: {  	[tilespmem:s16], [sflag:$0x1] =	stream.indirect.gather [hbm4b:s1+s15], $0x80, s24, s15, $0xb8;
	[tilespmem:$0x1F880] =	vst v63  }
.LBB2_8:
0x60: {  	_ =	swait.ge [sflag:s21], $0x4000  }
0x61: {  	[sflag:s21] =	ssyncset.done $0x0  }
0x62: {  	[sflag:s21] =	ssyncadd.s32 $0xFFFFC000  }
0x63: {  	[tilespmem:s4], [sflag:$0x1] =	stream.linear.gather [hbm4b:s7+s4], $0x1400, $0x38;
	[tilespmem:$0x1F880] =	vst v63  }
0x64: {  	_ = 	snop  }
0x65: {  	[tilespmem:s12], [sflag:$0x2] =	stream.linear.gather [hbm4b:s8+s4], $0x1400, $0x38;
	[tilespmem:$0x1F880] =	vst v63  }
0x66: {  	_ =	swait.ge [sflag:s13], $0x1400  }
0x67: {  	[sflag:s13] =	ssyncset.done $0x0  }
0x68: {  	[sflag:s13] =	ssyncadd.s32 $0xFFFFEC00  }
0x69: {  	_ =	swait.ge [sflag:s14], $0x1400  }
0x6a: {  	[sflag:s14] =	ssyncset.done $0x0  }
0x6b: {  	[sflag:s14] =	ssyncadd.s32 $0xFFFFEC00  }
0x6c: {  	[tilespmem:s16], [sflag:$0x1] =	stream.indirect.gather [hbm4b:s1+s15], $0x80, s4, s15, $0xb8;
	[tilespmem:$0x1F880] =	vst v63  }
0x6d: {  	_ =	swait.ge [sflag:s13], $0x4000  }
0x6e: {  	[sflag:s13] =	ssyncset.done $0x0  }
0x6f: {  	[sflag:s13] =	ssyncadd.s32 $0xFFFFC000  }
0x70: {  	[spmem:s2] =	stream.indirect.scatter.add.f32 [tilespmem:s16], [sflag:$0x3], $0x80, s12, s15, $0xb8;
	[tilespmem:$0x1F880] =	vst v63  }
0x71: {  	_ = 	snop  }
0x72: {  	[tilespmem:s17], [sflag:$0x2] =	stream.indirect.gather [hbm4b:s1+s15], $0x80, s15, s15, $0xb8;
	[tilespmem:$0x1F880] =	vst v63  }
0x73: {  	_ =	swait.ge [sflag:s14], $0x4000  }
0x74: {  	[sflag:s14] =	ssyncset.done $0x0  }
0x75: {  	[sflag:s14] =	ssyncadd.s32 $0xFFFFC000  }
0x76: {  	[spmem:s2] =	stream.indirect.scatter.add.f32 [tilespmem:s17], [sflag:$0x4], $0x80, s18, s15, $0xb8;
	[tilespmem:$0x1F880] =	vst v63  }
0x77: {  	_ =	swait.ge [sflag:s19], $0x4000  }
0x78: {  	[sflag:s19] =	ssyncset.done $0x0  }
0x79: {  	s23 =	simm.s32 $0xFFFFB800;
	[sflag:s19] =	ssyncadd.s32 $0xFFFFC000  }
0x7a: {  	[tilespmem:s16], [sflag:$0x1] =	stream.indirect.gather [hbm4b:s1+s15], $0x80, s20, s15, $0xb8;
	[tilespmem:$0x1F880] =	vst v63  }
.LBB2_9:
0x7b: {  	_ =	swait.ge [sflag:s13], $0x4000  }
0x7c: {  	s24 =	sshra.s32 s23, $0x2;
	[sflag:s13] =	ssyncset.done $0x0  }
0x7d: {  	s25 =	sadd.s32 $0x2700, s24;
	[sflag:s13] =	ssyncadd.s32 $0xFFFFC000  }
0x7e: {  	[spmem:s2] =	stream.indirect.scatter.add.f32 [tilespmem:s16], [sflag:$0x3], $0x80, s25, s15, $0xb8;
	[tilespmem:$0x1F880] =	vst v63  }
0x7f: {  	_ =	swait.ge [sflag:s21], $0x4000  }
0x80: {  	[sflag:s21] =	ssyncset.done $0x0  }
0x81: {  	s30 =	sadd.s32 $0x1380, s24;
	[sflag:s21] =	ssyncadd.s32 $0xFFFFC000  }
0x82: {  	[tilespmem:s17], [sflag:$0x2] =	stream.indirect.gather [hbm4b:s1+s15], $0x80, s30, s15, $0xb8;
	[tilespmem:$0x1F880] =	vst v63  }
0x83: {  	_ =	swait.ge [sflag:s14], $0x4000  }
0x84: {  	p0 =	seq.s32 s23, $0x0;
	[sflag:s14] =	ssyncset.done $0x0  }
.Ltmp4:
0x85: {  	s31 =	sadd.s32 $0x2780, s24;
	[sflag:s14] =	ssyncadd.s32 $0xFFFFC000;
	(pc) =	sbr.rel @p0 .LBB2_11-.Ltmp4, $4  }
0x86: {  	[spmem:s2] =	stream.indirect.scatter.add.f32 [tilespmem:s17], [sflag:$0x4], $0x80, s31, s15, $0xb8;
	[tilespmem:$0x1F880] =	vst v63  }
0x87: {  	_ =	swait.ge [sflag:s19], $0x4000  }
0x88: {  	[sflag:s19] =	ssyncset.done $0x0  }
0x89: {  	[sflag:s19] =	ssyncadd.s32 $0xFFFFC000  }
.Ltmp5:
0x8a: {  	(pc) =	sbr.rel .LBB2_9-.Ltmp5, $3  }
0x8b: {  	_ =	sdelay $0x1  }
0x8c: {  	s24 =	sadd.s32 $0x1400, s24;
	s23 =	sadd.s32 $0x400, s23  }
0x8d: {  	[tilespmem:s16], [sflag:$0x1] =	stream.indirect.gather [hbm4b:s1+s15], $0x80, s24, s15, $0xb8;
	[tilespmem:$0x1F880] =	vst v63  }
.LBB2_11:
0x8e: {  	_ =	swait.ge [sflag:s21], $0x4000;
	s23 =	sadd.s32 $0x0, s3  }
0x8f: {  	[sflag:s21] =	ssyncset.done $0x0;
	p0 =	sgt.u32 s23, $0xF9  }
0x90: {  	[sflag:s21] =	ssyncadd.s32 $0xFFFFC000;
	s23 =	sshll.u32 @!p0 s3, $0x6;
	s24 =	sshrl.u32 @!p0 s10, $0x3  }
0x91: {  	s26 =	simm.s32 @!p0 $0x5;
	[bflag:$0x0] =	sbarrier.arrive $0xFFFF;
	s23 =	sor.u32 @!p0 $0x1C05, s23  }
0x92: {  	[hbm:s11], [sflag:s23] =	dma.local @!p0 [spmem:s24], $0x280  }
0x93: {  	s28 =	sadd.s32 $0x10, s3;
	s25 =	sadd.s32 $0x14000, s10;
	_ =	swait.ge @!p0 [sflag:s26], $0x280  }
0x94: {  	s24 =	simm.s32 $0x20;
	s23 =	sadd.s32 $0x2800, s11;
	[sflag:s26] =	ssyncset.done @!p0 $0x0  }
.LBB2_12:
0x95: {  	[sflag:s26] =	ssyncadd.s32 @!p0 $0xFFFFFD80  }
0x96: {  	p0 =	sgt.u32 s28, $0xF9;
	s28 =	smov.u32 s24;
	s24 =	sadd.s32 $0x10, s24  }
0x97: {  	p1 =	sne.s32 s24, $0x100  }
.Ltmp6:
0x98: {  	s26 =	sshll.u32 @!p0 s3, $0x6;
	s29 =	sshrl.u32 @!p0 s25, $0x3;
	(pc) =	sbr.rel @p1 .LBB2_12-.Ltmp6, $4  }
0x99: {  	s30 =	sor.u32 @!p0 $0x1C05, s26;
	s26 =	simm.s32 @!p0 $0x5  }
0x9a: {  	[hbm:s23], [sflag:s30] =	dma.local @!p0 [spmem:s29], $0x280  }
0x9b: {  	s23 =	sadd.s32 $0x2800, s23;
	_ =	swait.ge @!p0 [sflag:s26], $0x280  }
0x9c: {  	s28 =	sadd.s32 s28, s3;
	s25 =	sadd.s32 $0x14000, s25;
	[sflag:s26] =	ssyncset.done @!p0 $0x0  }
0x9d: {  	p1 =	sgt.u32 s28, $0xF9;
	[sflag:s26] =	ssyncadd.s32 @!p0 $0xFFFFFD80;
	s22 =	sadd.s32 $0x1, s22  }
0x9e: {  	s24 =	sshll.u32 @!p1 s3, $0x6;
	s25 =	sshrl.u32 @!p1 s25, $0x3;
	p0 =	sne.s32 s22, s9  }
.Ltmp7:
0x9f: {  	s26 =	simm.s32 @!p1 $0x5;
	s24 =	sor.u32 @!p1 $0x1C05, s24;
	(pc) =	sbr.rel @p0 .LBB2_1-.Ltmp7, $4  }
0xa0: {  	[hbm:s23], [sflag:s24] =	dma.local @!p1 [spmem:s25], $0x280  }
0xa1: {  	_ =	swait.ge @!p1 [sflag:s26], $0x280  }
0xa2: {  	[sflag:s26] =	ssyncset.done @!p1 $0x0  }
0xa3: {  	[sflag:s26] =	ssyncadd.s32 @!p1 $0xFFFFFD80  }
0xa4: {  	_ =	sfence.sel $0x180000  }
0xa5: {  	[bflag:$0x0] =	sbarrier.arrive $0xFFFF  }
0xa6: {  	p0 =	sne.s32 s3, $0x0;
	_ =	strace $0x9000004A  }
0xa7: {  	s0 =	sadd.s32 @!p0 $0x100000, s0;
	[bflag:$0x2] =	sbarrier.arrive $0xFFFF  }
0xa8: {  	[sflag:s0] =	ssyncadd.tile.s32 @!p0 $0x1;
	_ =	shalt  }
.Lfunc_end2:
_tile_overlayer_lowered:
.L_overlay_start_2:
0xa9: {  	(tag) =	ssettag $0x2  }
0xaa: {  	s0 =	rddreg [dreg:$0x0];
	s2 =	stileid.u32  }
0xab: {  	s1 =	rddreg [dreg:$0x1];
	p0 =	sne.s32 s2, $0x0  }
0xac: {  	s3 =	rddreg [dreg:$0x2];
	[bflag:$0x3] =	sbarrier.arrive $0xFFFF;
	s2 =	simm.s32 @!p0 $0x1C05  }
0xad: {  	[timem:s3], [sflag:s2] =	dma.local @!p0 [hbm:s0], s1  }
0xae: {  	s0 =	simm.s32 @!p0 $0x5  }
0xaf: {  	_ =	swait.ge @!p0 [sflag:s0], s1  }
0xb0: {  	s1 =	ssub.s32 @!p0 $0x0, s1;
	[sflag:s0] =	ssyncset.done @!p0 $0x0  }
0xb1: {  	[sflag:s0] =	ssyncadd.s32 @!p0 s1  }
0xb2: {  	[bflag:$0x3] =	sbarrier.arrive $0xFFFF  }
0xb3: {  	_ =	shalt  }

// kernel: kernel.16.cloned.1.call-start
scs
__scs_entry_jumppad:
0x0: {  	(pc) =	sbr.rel $0x88, $3  }
0x1: {  	(tag) =	ssettag $0x0;
	lr =	simm.s32 $0x1  }
0x2: {  	[smem:$0x3F99] =	sst lr;
	_ =	strace $0xD0000000  }
0x3: {  	_ = 	snop  }
0x4: {  	_ = 	snop  }
0x5: {  	_ = 	snop  }
0x6: {  	_ = 	snop  }
0x7: {  	_ = 	snop  }
__scs_overlays_trampoline_lowered:
0x8: {  	[smem:$0x3FA8] =	sst s0  }
0x9: {  	[smem:$0x3FA9] =	sst s1  }
0xa: {  	[smem:$0x3FAA] =	sst s2  }
0xb: {  	[smem:$0x3FAB] =	sst s3  }
0xc: {  	[smem:$0x3FAC] =	sst s4  }
0xd: {  	[smem:$0x3FAD] =	sst s5  }
0xe: {  	[smem:$0x3FAE] =	sst s6  }
0xf: {  	[smem:$0x3FAF] =	sst s7  }
0x10: {  	[smem:$0x3FB0] =	sst s8  }
0x11: {  	[smem:$0x3FB1] =	sst s9;
	s0 =	simm.s32 @!p0 $0x0  }
0x12: {  	s1 =	sld [smem:$0x3F97];
	s0 =	simm.s32 @p0 $0x1  }
0x13: {  	[smem:$0x3FB2] =	sst s0;
	s0 =	simm.s32 @!p1 $0x0  }
0x14: {  	s2 =	sld [smem:$0x3F96];
	s0 =	simm.s32 @p1 $0x1  }
0x15: {  	[smem:$0x3FB3] =	sst s0;
	s0 =	simm.s32 @!p2 $0x0  }
0x16: {  	s3 =	sld [smem:$0x3FDB];
	s0 =	simm.s32 @p2 $0x1  }
0x17: {  	s4 =	simm.s32 $0x1BF5;
	[smem:$0x3FB5] =	sst s0  }
0x18: {  	s0 =	sld [smem:$0x3F98];
	_ =	swait.ge [sflag:s4], $0x0  }
0x19: {  	s7 =	sld [smem:$0x3F99]  }
0x1a: {  	s8 =	sadd.s32 $0xFFFFE003, lr  }
0x1b: {  	s9 =	sadd.s32 $0xFFFFFEF7, lr;
	s5 =	simm.s32 $0xFFFFFFFF;
	p2 =	slt.u32 s8, $0xFFFFF086  }
0x1c: {  	p1 =	slt.u32 s9, $0xF7A;
	s5 =	simm.s32 @!p2 $0x0  }
0x1d: {  	s5 =	simm.s32 @p1 $0x1;
	p0 =	seq.s32 s7, s2  }
0x1e: {  	s7 =	smul.u32 @!p0 $0xF7A, s2;
	p2 =	seq.s32 @!p0 s5, $0x0  }
0x1f: {  	s9 =	smul.u32 $0xF7A, s1;
	s8 =	simm.s32 @!p0 $0x1BF5;
	p2 =	por !p2, p0  }
0x20: {  	[sflag:s8] =	ssyncset.s32 @!p0 $0xFFFFF086;
	s6 =	sadd.s32 @!p0 s3, s7;
	s7 =	simm.s32 @!p0 $0x108  }
0x21: {  	s3 =	sadd.s32 s3, s9;
	s6 =	sadd.s32 @!p0 $0x88, s6;
	s7 =	simm.s32 @p2 $0x1082  }
0x22: {  	[simem:s7], [sflag:s8] =	dma.local @!p0 [hbm:s6], $0xF7A  }
0x23: {  	s9 =	sor.u32 $0xD0000000, s2;
	s6 =	simm.s32 $0x108;
	_ =	swait.ge @!p0 [sflag:s8], $0x0  }
0x24: {  	s3 =	sadd.s32 $0x88, s3;
	s6 =	simm.s32 @!p1 $0x1082;
	[sflag:s4] =	ssyncset.s32 $0xFFFFF086  }
0x25: {  	[simem:s6], [sflag:s4] =	dma.local [hbm:s3], $0xF7A  }
0x26: {  	[smem:$0x3F99] =	sst s1;
	(tag) =	ssettag s2;
	_ =	strace s9  }
0x27: {  	s1 =	sld [smem:$0x3FA9]  }
0x28: {  	s2 =	sld [smem:$0x3FAA]  }
0x29: {  	s4 =	sld [smem:$0x3FAC]  }
0x2a: {  	p0 =	seq.s32 s5, $0x0;
	s5 =	sld [smem:$0x3FAD]  }
0x2b: {  	s6 =	sld [smem:$0x3FAE]  }
0x2c: {  	s7 =	sld [smem:$0x3FAF]  }
0x2d: {  	s3 =	simm.s32 $0x108;
	s8 =	sld [smem:$0x3FB0]  }
0x2e: {  	s3 =	simm.s32 @!p0 $0x1082;
	s9 =	sld [smem:$0x3FB1]  }
0x2f: {  	lr =	sadd.s32 s0, s3;
	s0 =	sld [smem:$0x3FA8]  }
0x30: {  	s3 =	sld [smem:$0x3FAB]  }
0x31: {  	[smem:$0x3FB4] =	sst s10  }
0x32: {  	s10 =	sld [smem:$0x3FB2];
	_ =	sdelay $0x3  }
0x33: {  	p0 =	seq.s32 s10, $0x1;
	s10 =	sld [smem:$0x3FB4];
	_ =	sdelay $0x3  }
0x34: {  	[smem:$0x3FB4] =	sst s10  }
0x35: {  	s10 =	sld [smem:$0x3FB3];
	_ =	sdelay $0x3  }
0x36: {  	p1 =	seq.s32 s10, $0x1;
	s10 =	sld [smem:$0x3FB4];
	_ =	sdelay $0x3  }
0x37: {  	[smem:$0x3FB4] =	sst s10  }
0x38: {  	s10 =	sld [smem:$0x3FB5]  }
0x39: {  	_ = 	snop;
	(pc) =	sbr.ind lr, $3  }
0x3a: {  	_ = 	snop  }
0x3b: {  	_ = 	snop  }
0x3c: {  	p2 =	seq.s32 s10, $0x1;
	s10 =	sld [smem:$0x3FB4]  }
0x3d: {  	_ =	shalt  }
0x3e: {  	_ =	shalt  }
0x3f: {  	_ =	shalt  }
0x40: {  	_ =	shalt  }
0x41: {  	_ =	shalt  }
0x42: {  	_ =	shalt  }
0x43: {  	_ =	shalt  }
0x44: {  	_ =	shalt  }
0x45: {  	_ =	shalt  }
0x46: {  	_ =	shalt  }
0x47: {  	_ =	shalt  }
0x48: {  	_ =	shalt  }
0x49: {  	_ =	shalt  }
0x4a: {  	_ =	shalt  }
0x4b: {  	_ =	shalt  }
0x4c: {  	_ =	shalt  }
0x4d: {  	_ =	shalt  }
0x4e: {  	_ =	shalt  }
0x4f: {  	_ =	shalt  }
0x50: {  	_ =	shalt  }
0x51: {  	_ =	shalt  }
0x52: {  	_ =	shalt  }
0x53: {  	_ =	shalt  }
0x54: {  	_ =	shalt  }
0x55: {  	_ =	shalt  }
0x56: {  	_ =	shalt  }
0x57: {  	_ =	shalt  }
0x58: {  	_ =	shalt  }
0x59: {  	_ =	shalt  }
0x5a: {  	_ =	shalt  }
0x5b: {  	_ =	shalt  }
0x5c: {  	_ =	shalt  }
0x5d: {  	_ =	shalt  }
0x5e: {  	_ =	shalt  }
0x5f: {  	_ =	shalt  }
0x60: {  	_ =	shalt  }
0x61: {  	_ =	shalt  }
0x62: {  	_ =	shalt  }
0x63: {  	_ =	shalt  }
0x64: {  	_ =	shalt  }
0x65: {  	_ =	shalt  }
0x66: {  	_ =	shalt  }
0x67: {  	_ =	shalt  }
0x68: {  	_ =	shalt  }
0x69: {  	_ =	shalt  }
0x6a: {  	_ =	shalt  }
0x6b: {  	_ =	shalt  }
0x6c: {  	_ =	shalt  }
0x6d: {  	_ =	shalt  }
0x6e: {  	_ =	shalt  }
0x6f: {  	_ =	shalt  }
0x70: {  	_ =	shalt  }
0x71: {  	_ =	shalt  }
0x72: {  	_ =	shalt  }
0x73: {  	_ =	shalt  }
0x74: {  	_ =	shalt  }
0x75: {  	_ =	shalt  }
0x76: {  	_ =	shalt  }
0x77: {  	_ =	shalt  }
0x78: {  	_ =	shalt  }
0x79: {  	_ =	shalt  }
0x7a: {  	_ =	shalt  }
0x7b: {  	_ =	shalt  }
0x7c: {  	_ =	shalt  }
0x7d: {  	_ =	shalt  }
0x7e: {  	_ =	shalt  }
0x7f: {  	_ =	shalt  }
0x80: {  	_ =	shalt  }
0x81: {  	_ =	shalt  }
0x82: {  	_ =	shalt  }
0x83: {  	_ =	shalt  }
0x84: {  	_ =	shalt  }
0x85: {  	_ =	shalt  }
0x86: {  	_ =	shalt  }
0x87: {  	_ =	shalt  }
.Lfunc_end0:
.L_simem_size_0:
called_computation.2_lowered:
.L_overlay_start_0:
0x88: {  	s2 =	sld [smem:$0x3FD9]  }
0x89: {  	s3 =	sld [smem:$0x3FFE];
	_ =	sdelay $0x1  }
0x8a: {  	s1 =	srdreg.scid  }
0x8b: {  	s0 =	sand.u32 $0x1, s1  }
0x8c: {  	s14 =	sshll.u32 s0, $0xA;
	s2 =	sadd.s32 s3, s2  }
0x8d: {  	s2 =	sadd.s32 s2, s14  }
0x8e: {  	[smem:$0x3FC0] =	sst s2  }
0x8f: {  	_ = 	snop  }
0x90: {  	s2 =	sld [smem:$0x3FD0];
	_ =	sdelay $0x2  }
0x91: {  	s15 =	simm.s32 $0xA;
	s4 =	simm.s32 $0x10  }
0x92: {  	[smem:s4], [sflag:s15] =	dma.local [hbm:s2], $0x1  }
0x93: {  	_ =	swait.eq [sflag:s15], $0x1  }
0x94: {  	[sflag:s15] =	ssyncset.done $0x0  }
0x95: {  	[sflag:s15] =	ssyncadd.s32 $0xFFFFFFFF  }
0x96: {  	s16 =	sld [smem:$0x11];
	(tm) =	ssettm $0x1  }
0x97: {  	s17 =	sld [smem:$0x3FFB];
	_ =	sdelay $0x3  }
0x98: {  	_ =	strace s17  }
0x99: {  	s3 =	sld [smem:$0x3FFC];
	_ =	sdelay $0x3  }
0x9a: {  	_ =	strace s3  }
0x9b: {  	s3 =	sld [smem:$0x3FFD];
	_ =	sdelay $0x3  }
0x9c: {  	_ =	strace s3  }
0x9d: {  	_ =	strace $0x8FFFFFFF  }
0x9e: {  	s18 =	sld [smem:$0x3FDB];
	_ =	sdelay $0x1  }
0x9f: {  	s19 =	simm.s32 $_scs_section_size  }
0xa0: {  	s5 =	simm.s32 $_size__tile_overlayer_lowered;
	s6 =	simm.s32 $_tile_overlayer_lowered  }
0xa1: {  	s22 =	simm.s32 $0x1BFF;
	s21 =	sshll.u32 s6, $0x1;
	s3 =	sadd.s32 s19, s18  }
0xa2: {  	s7 =	simm.s32 $0x0;
	s20 =	sshll.u32 s5, $0x1;
	s5 =	sadd.s32 s21, s3  }
0xa3: {  	[timem:s7], [sflag:s22] =	dma.local [hbm:s5], s20  }
0xa4: {  	_ =	swait.ge [sflag:s22], s20  }
0xa5: {  	s4 =	ssub.s32 $0x0, s20;
	[sflag:s22] =	ssyncset.done $0x0  }
0xa6: {  	[sflag:s22] =	ssyncadd.s32 s4;
	_ =	sdelay $0x1  }
0xa7: {  	s23 =	simm.s32 $0x1B8B  }
0xa8: {  	_ =	swait.ge [sflag:s23], $0x1  }
0xa9: {  	[sflag:s23] =	ssyncset.done $0x0  }
0xaa: {  	s25 =	simm.s32 $0x1B8E;
	s24 =	sld [smem:$0x3FFE];
	[sflag:s23] =	ssyncadd.s32 $0xFFFFFFFF  }
0xab: {  	s26 =	simm.s32 $execute0_lowered;
	[smem:$0x3FD2] =	sst s25  }
0xac: {  	s5 =	sshll.u32 s26, $0x1;
	_ =	strace $0x8000004C;
	[dreg:$0x1] =	wrdreg $0xFFFFFFFF  }
0xad: {  	s28 =	simm.s32 $_size_execute0_lowered;
	s3 =	sadd.s32 s3, s5;
	[dreg:$0x0] =	wrdreg $0x0  }
0xae: {  	s5 =	sshll.u32 s28, $0x1;
	[dreg:$0x2] =	wrdreg s3  }
0xaf: {  	[dreg:$0x3] =	wrdreg s5  }
0xb0: {  	[dreg:$0x4] =	wrdreg $0xC0  }
0xb1: {  	_ =	task [dreg:s7], $0x5FFFF  }
0xb2: {  	[dreg:$0x1] =	wrdreg $0xFFFFFFFF  }
0xb3: {  	[dreg:$0x0] =	wrdreg $0x60  }
0xb4: {  	[dreg:$0x2] =	wrdreg s16  }
0xb5: {  	[dreg:$0x3] =	wrdreg s24  }
0xb6: {  	[dreg:$0x4] =	wrdreg $0xBC000  }
0xb7: {  	[dreg:$0x5] =	wrdreg $0x9  }
0xb8: {  	_ =	task.clear_ibuf [dreg:s7], $0x6FFFF;
	_ =	strace $0x9000004C  }
0xb9: {  	s29 =	simm.s32 $0x9;
	_ =	strace $0x8000004E  }
0xba: {  	_ =	swait.ge [sflag:s29], $0x1  }
0xbb: {  	[sflag:s29] =	ssyncadd.s32 $0xFFFFFFFF  }
0xbc: {  	_ =	strace $0x9000004E  }
0xbd: {  	_ =	sfence  }
0xbe: {  	s30 =	sld [smem:$0x0];
	_ =	sdelay $0x2  }
0xbf: {  	s31 =	sshll.u32 s1, $0xD;
	s1 =	sshrl.u32 s1, $0x2  }
0xc0: {  	s3 =	sand.u32 $0x4000, s31;
	s1 =	sadd.s32 s1, s30  }
0xc1: {  	s0 =	sor.u32 s3, s0;
	s1 =	sshll.u32 s1, $0x11  }
0xc2: {  	s0 =	sor.u32 s1, s0  }
0xc3: {  	s0 =	sadd.s32 $0x8F2B, s0  }
0xc4: {  	[sflag:s0] =	ssyncadd.remote.s32 $0x1  }
0xc5: {  	_ =	sfence.sel $0xFFFF  }
0xc6: {  	[dreg:$0x0] =	wrdreg $0xFFFFFFFF;
	(pc) =	sbr.abs _section_cstart, $3  }
0xc7: {  	[dreg:$0x1] =	wrdreg $0xFFFFFFFF  }
0xc8: {  	_ =	task.clear_ibuf [dreg:s7], $0x2FFFF;
	_ =	strace $0x9FFFFFFF  }
0xc9: {  	(tm) =	ssettm $0x7FFFFFFF  }
tec
execute0_lowered:
.L_overlay_start_1:
0x0: {  	(tag) =	ssettag $0x1  }
0x1: {  	s1 =	rddreg [dreg:$0x0]  }
0x2: {  	s5 =	rddreg [dreg:$0x1]  }
0x3: {  	s2 =	rddreg [dreg:$0x2]  }
0x4: {  	s3 =	srdreg.scid;
	s0 =	rddreg [dreg:$0x3];
	s4 =	simm.s32 $0x0  }
0x5: {  	s16 =	simm.s32 $0x2800;
	s17 =	simm.s32 $0x6800;
	s18 =	simm.s32 $0x1480  }
0x6: {  	s19 =	simm.s32 $0x3;
	s20 =	simm.s32 $0x100;
	s21 =	simm.s32 $0x4  }
0x7: {  	s22 =	simm.s32 $0x0;
	s6 =	sand.u32 $0x1, s3;
	s3 =	stileid.u32  }
0x8: {  	[smem:$0x7FF] =	sst s4;
	s10 =	sadd.s32 $0x51C00, s5;
	s8 =	smul.u32 $0x27100, s6  }
0x9: {  	s12 =	sadd.s32 $0x5BC00, s5;
	s7 =	sshll.u32 s6, $0x4;
	s14 =	smul.u32 $0x5000, s3  }
0xa: {  	s6 =	ssub.s32 $0x2, s6;
	s15 =	smul.u32 $0x280, s3;
	s7 =	sor.u32 s3, s7  }
0xb: {  	_ =	strace $0x8000004D;
	s11 =	sshrl.u32 s6, $0x1;
	s9 =	smul.u32 $0x500, s7  }
0xc: {  	s7 =	smul.u32 $0x2800, s7;
	s13 =	sadd.s32 s8, s5;
	s11 =	ssub.s32 s6, s11  }
0xd: {  	s30 =	sshrl.u32 s14, $0x2;
	s14 =	simm.s32 $0x2;
	s31 =	sadd.s32 s15, s13  }
0xe: {  	s13 =	simm.s32 $0x1;
	s15 =	simm.s32 $0x80;
	s7 =	sshrl.u32 s7, $0x3  }
0xf: {  	s5 =	sadd.s32 s10, s9;
	s6 =	sadd.s32 s12, s9;
	s29 =	sadd.s32 $0x280, s7  }
0x10: {  	s9 =	smax.u32 s11, $0x1;
	s11 =	sadd.s32 $0x3A00, s31;
	s7 =	sadd.s32 s10, s29  }
0x11: {  	v0 =	vimm.f32 $0.0e+00;
	s8 =	sadd.s32 s12, s29;
	s10 =	sadd.s32 s30, s2;
	s12 =	simm.s32 $0x1400  }
.LBB2_1:
0x12: {  	s23 =	simm.s32 $0x70;
	s24 =	simm.s32 $0x3C0  }
.LBB2_2:
0x13: {  	p0 =	sne.s32 s24, $0x4FC0;
	[tilespmem:s23+$0xA800] =	vst v0  }
0x14: {  	[tilespmem:s23+$0xA790] =	vst v0  }
0x15: {  	[tilespmem:s23+$0xA7A0] =	vst v0  }
.Ltmp0:
0x16: {  	[tilespmem:s23+$0xA7B0] =	vst v0;
	(pc) =	sbr.rel @p0 .LBB2_2-.Ltmp0, $4  }
0x17: {  	[tilespmem:s23+$0xA7C0] =	vst v0  }
0x18: {  	[tilespmem:s23+$0xA7D0] =	vst v0  }
0x19: {  	[tilespmem:s23+$0xA7E0] =	vst v0  }
0x1a: {  	[tilespmem:s23+$0xA7F0] =	vst v0;
	s23 =	sshra.s32 s24, $0x2;
	s24 =	sadd.s32 $0x200, s24  }
0x1b: {  	[tilespmem:s23+$0xA800] =	vst v0  }
0x1c: {  	[tilespmem:s23+$0xA790] =	vst v0  }
0x1d: {  	[tilespmem:s23+$0xA7A0] =	vst v0  }
0x1e: {  	[tilespmem:s23+$0xA7B0] =	vst v0  }
0x1f: {  	[tilespmem:s23+$0xA7C0] =	vst v0  }
0x20: {  	[tilespmem:s23+$0xA7D0] =	vst v0  }
0x21: {  	[tilespmem:s23+$0xA7E0] =	vst v0  }
0x22: {  	[tilespmem:s23+$0xA7F0] =	vst v0;
	s30 =	simm.s32 $0x0  }
0x23: {  	[tilespmem:s30], [sflag:$0x1] =	stream.linear.gather [hbm4b:s5+s30], $0x1400, $0x38;
	[tilespmem:$0x1F880] =	vst v63  }
0x24: {  	_ = 	snop  }
0x25: {  	[tilespmem:s12], [sflag:$0x2] =	stream.linear.gather [hbm4b:s6+s30], $0x1400, $0x38;
	[tilespmem:$0x1F880] =	vst v63  }
0x26: {  	_ =	swait.ge [sflag:s13], $0x1400  }
0x27: {  	[sflag:s13] =	ssyncset.done $0x0  }
0x28: {  	[sflag:s13] =	ssyncadd.s32 $0xFFFFEC00  }
0x29: {  	s31 =	sadd.s32 $0x0, s3;
	_ =	swait.ge [sflag:s14], $0x1400  }
0x2a: {  	p0 =	sgt.u32 s31, $0xF9;
	[sflag:s14] =	ssyncset.done $0x0  }
0x2b: {  	s23 =	simm.s32 @!p0 $0xA800;
	s26 =	simm.s32 @!p0 $0x5;
	[sflag:s14] =	ssyncadd.s32 $0xFFFFEC00  }
0x2c: {  	[spmem:s10] =	stream.linear.scatter @!p0 [tilespmem:s23], [sflag:$0x5], $0x1400, $0x38;
	[tilespmem:$0x1F880] =	vst v63  }
0x2d: {  	s24 =	simm.s32 $0x10;
	_ =	swait.ge @!p0 [sflag:s26], $0x1400  }
0x2e: {  	s25 =	simm.s32 $0x20;
	s23 =	sadd.s32 $0x14000, s10;
	[sflag:s26] =	ssyncset.done @!p0 $0x0  }
.LBB2_4:
0x2f: {  	s28 =	sadd.s32 s24, s3;
	s24 =	smov.u32 s25;
	s25 =	sadd.s32 $0x10, s25  }
0x30: {  	[sflag:s26] =	ssyncadd.s32 @!p0 $0xFFFFEC00;
	p1 =	sne.s32 s25, $0x100  }
.Ltmp1:
0x31: {  	p0 =	sgt.u32 s28, $0xF9;
	(pc) =	sbr.rel @p1 .LBB2_4-.Ltmp1, $4  }
0x32: {  	s28 =	simm.s32 @!p0 $0xA800;
	s26 =	simm.s32 @!p0 $0x5  }
0x33: {  	[spmem:s23] =	stream.linear.scatter @!p0 [tilespmem:s28], [sflag:$0x5], $0x1400, $0x38;
	[tilespmem:$0x1F880] =	vst v63  }
0x34: {  	_ =	swait.ge @!p0 [sflag:s26], $0x1400  }
0x35: {  	s23 =	sadd.s32 $0x14000, s23;
	[sflag:s26] =	ssyncset.done @!p0 $0x0  }
0x36: {  	s24 =	sadd.s32 s24, s3  }
0x37: {  	p1 =	sgt.u32 s24, $0xF9  }
0x38: {  	[sflag:s26] =	ssyncadd.s32 @!p0 $0xFFFFEC00;
	s24 =	simm.s32 @!p1 $0xA800;
	s25 =	simm.s32 @!p1 $0x5  }
0x39: {  	[spmem:s23] =	stream.linear.scatter @!p1 [tilespmem:s24], [sflag:$0x5], $0x1400, $0x38;
	[tilespmem:$0x1F880] =	vst v63  }
0x3a: {  	_ =	swait.ge @!p1 [sflag:s25], $0x1400  }
0x3b: {  	[sflag:s25] =	ssyncset.done @!p1 $0x0  }
0x3c: {  	[sflag:s25] =	ssyncadd.s32 @!p1 $0xFFFFEC00  }
0x3d: {  	[bflag:$0x0] =	sbarrier.arrive $0xFFFF  }
0x3e: {  	[tilespmem:s16], [sflag:$0x1] =	stream.indirect.gather [hbm4b:s1+s15], $0x80, s4, s15, $0xb8;
	[tilespmem:$0x1F880] =	vst v63  }
0x3f: {  	_ =	swait.ge [sflag:s13], $0x4000  }
0x40: {  	[sflag:s13] =	ssyncset.done $0x0  }
0x41: {  	[sflag:s13] =	ssyncadd.s32 $0xFFFFC000  }
0x42: {  	[spmem:s2] =	stream.indirect.scatter.add.f32 [tilespmem:s16], [sflag:$0x3], $0x80, s12, s15, $0xb8;
	[tilespmem:$0x1F880] =	vst v63  }
0x43: {  	_ = 	snop  }
0x44: {  	[tilespmem:s17], [sflag:$0x2] =	stream.indirect.gather [hbm4b:s1+s15], $0x80, s15, s15, $0xb8;
	[tilespmem:$0x1F880] =	vst v63  }
0x45: {  	_ =	swait.ge [sflag:s14], $0x4000  }
0x46: {  	[sflag:s14] =	ssyncset.done $0x0  }
0x47: {  	[sflag:s14] =	ssyncadd.s32 $0xFFFFC000  }
0x48: {  	[spmem:s2] =	stream.indirect.scatter.add.f32 [tilespmem:s17], [sflag:$0x4], $0x80, s18, s15, $0xb8;
	[tilespmem:$0x1F880] =	vst v63  }
0x49: {  	_ =	swait.ge [sflag:s19], $0x4000  }
0x4a: {  	[sflag:s19] =	ssyncset.done $0x0  }
0x4b: {  	s23 =	simm.s32 $0xFFFFB800;
	[sflag:s19] =	ssyncadd.s32 $0xFFFFC000  }
0x4c: {  	[tilespmem:s16], [sflag:$0x1] =	stream.indirect.gather [hbm4b:s1+s15], $0x80, s20, s15, $0xb8;
	[tilespmem:$0x1F880] =	vst v63  }
.LBB2_6:
0x4d: {  	_ =	swait.ge [sflag:s13], $0x4000  }
0x4e: {  	s24 =	sshra.s32 s23, $0x2;
	[sflag:s13] =	ssyncset.done $0x0  }
0x4f: {  	s25 =	sadd.s32 $0x2700, s24;
	[sflag:s13] =	ssyncadd.s32 $0xFFFFC000  }
0x50: {  	[spmem:s2] =	stream.indirect.scatter.add.f32 [tilespmem:s16], [sflag:$0x3], $0x80, s25, s15, $0xb8;
	[tilespmem:$0x1F880] =	vst v63  }
0x51: {  	_ =	swait.ge [sflag:s21], $0x4000  }
0x52: {  	[sflag:s21] =	ssyncset.done $0x0  }
0x53: {  	s30 =	sadd.s32 $0x1380, s24;
	[sflag:s21] =	ssyncadd.s32 $0xFFFFC000  }
0x54: {  	[tilespmem:s17], [sflag:$0x2] =	stream.indirect.gather [hbm4b:s1+s15], $0x80, s30, s15, $0xb8;
	[tilespmem:$0x1F880] =	vst v63  }
0x55: {  	_ =	swait.ge [sflag:s14], $0x4000  }
0x56: {  	p0 =	seq.s32 s23, $0x0;
	[sflag:s14] =	ssyncset.done $0x0  }
.Ltmp2:
0x57: {  	s31 =	sadd.s32 $0x2780, s24;
	[sflag:s14] =	ssyncadd.s32 $0xFFFFC000;
	(pc) =	sbr.rel @p0 .LBB2_8-.Ltmp2, $4  }
0x58: {  	[spmem:s2] =	stream.indirect.scatter.add.f32 [tilespmem:s17], [sflag:$0x4], $0x80, s31, s15, $0xb8;
	[tilespmem:$0x1F880] =	vst v63  }
0x59: {  	_ =	swait.ge [sflag:s19], $0x4000  }
0x5a: {  	[sflag:s19] =	ssyncset.done $0x0  }
0x5b: {  	[sflag:s19] =	ssyncadd.s32 $0xFFFFC000  }
.Ltmp3:
0x5c: {  	(pc) =	sbr.rel .LBB2_6-.Ltmp3, $3  }
0x5d: {  	_ =	sdelay $0x1  }
0x5e: {  	s24 =	sadd.s32 $0x1400, s24;
	s23 =	sadd.s32 $0x400, s23  }
0x5f: {  	[tilespmem:s16], [sflag:$0x1] =	stream.indirect.gather [hbm4b:s1+s15], $0x80, s24, s15, $0xb8;
	[tilespmem:$0x1F880] =	vst v63  }
.LBB2_8:
0x60: {  	_ =	swait.ge [sflag:s21], $0x4000  }
0x61: {  	[sflag:s21] =	ssyncset.done $0x0  }
0x62: {  	[sflag:s21] =	ssyncadd.s32 $0xFFFFC000  }
0x63: {  	[tilespmem:s4], [sflag:$0x1] =	stream.linear.gather [hbm4b:s7+s4], $0x1400, $0x38;
	[tilespmem:$0x1F880] =	vst v63  }
0x64: {  	_ = 	snop  }
0x65: {  	[tilespmem:s12], [sflag:$0x2] =	stream.linear.gather [hbm4b:s8+s4], $0x1400, $0x38;
	[tilespmem:$0x1F880] =	vst v63  }
0x66: {  	_ =	swait.ge [sflag:s13], $0x1400  }
0x67: {  	[sflag:s13] =	ssyncset.done $0x0  }
0x68: {  	[sflag:s13] =	ssyncadd.s32 $0xFFFFEC00  }
0x69: {  	_ =	swait.ge [sflag:s14], $0x1400  }
0x6a: {  	[sflag:s14] =	ssyncset.done $0x0  }
0x6b: {  	[sflag:s14] =	ssyncadd.s32 $0xFFFFEC00  }
0x6c: {  	[tilespmem:s16], [sflag:$0x1] =	stream.indirect.gather [hbm4b:s1+s15], $0x80, s4, s15, $0xb8;
	[tilespmem:$0x1F880] =	vst v63  }
0x6d: {  	_ =	swait.ge [sflag:s13], $0x4000  }
0x6e: {  	[sflag:s13] =	ssyncset.done $0x0  }
0x6f: {  	[sflag:s13] =	ssyncadd.s32 $0xFFFFC000  }
0x70: {  	[spmem:s2] =	stream.indirect.scatter.add.f32 [tilespmem:s16], [sflag:$0x3], $0x80, s12, s15, $0xb8;
	[tilespmem:$0x1F880] =	vst v63  }
0x71: {  	_ = 	snop  }
0x72: {  	[tilespmem:s17], [sflag:$0x2] =	stream.indirect.gather [hbm4b:s1+s15], $0x80, s15, s15, $0xb8;
	[tilespmem:$0x1F880] =	vst v63  }
0x73: {  	_ =	swait.ge [sflag:s14], $0x4000  }
0x74: {  	[sflag:s14] =	ssyncset.done $0x0  }
0x75: {  	[sflag:s14] =	ssyncadd.s32 $0xFFFFC000  }
0x76: {  	[spmem:s2] =	stream.indirect.scatter.add.f32 [tilespmem:s17], [sflag:$0x4], $0x80, s18, s15, $0xb8;
	[tilespmem:$0x1F880] =	vst v63  }
0x77: {  	_ =	swait.ge [sflag:s19], $0x4000  }
0x78: {  	[sflag:s19] =	ssyncset.done $0x0  }
0x79: {  	s23 =	simm.s32 $0xFFFFB800;
	[sflag:s19] =	ssyncadd.s32 $0xFFFFC000  }
0x7a: {  	[tilespmem:s16], [sflag:$0x1] =	stream.indirect.gather [hbm4b:s1+s15], $0x80, s20, s15, $0xb8;
	[tilespmem:$0x1F880] =	vst v63  }
.LBB2_9:
0x7b: {  	_ =	swait.ge [sflag:s13], $0x4000  }
0x7c: {  	s24 =	sshra.s32 s23, $0x2;
	[sflag:s13] =	ssyncset.done $0x0  }
0x7d: {  	s25 =	sadd.s32 $0x2700, s24;
	[sflag:s13] =	ssyncadd.s32 $0xFFFFC000  }
0x7e: {  	[spmem:s2] =	stream.indirect.scatter.add.f32 [tilespmem:s16], [sflag:$0x3], $0x80, s25, s15, $0xb8;
	[tilespmem:$0x1F880] =	vst v63  }
0x7f: {  	_ =	swait.ge [sflag:s21], $0x4000  }
0x80: {  	[sflag:s21] =	ssyncset.done $0x0  }
0x81: {  	s30 =	sadd.s32 $0x1380, s24;
	[sflag:s21] =	ssyncadd.s32 $0xFFFFC000  }
0x82: {  	[tilespmem:s17], [sflag:$0x2] =	stream.indirect.gather [hbm4b:s1+s15], $0x80, s30, s15, $0xb8;
	[tilespmem:$0x1F880] =	vst v63  }
0x83: {  	_ =	swait.ge [sflag:s14], $0x4000  }
0x84: {  	p0 =	seq.s32 s23, $0x0;
	[sflag:s14] =	ssyncset.done $0x0  }
.Ltmp4:
0x85: {  	s31 =	sadd.s32 $0x2780, s24;
	[sflag:s14] =	ssyncadd.s32 $0xFFFFC000;
	(pc) =	sbr.rel @p0 .LBB2_11-.Ltmp4, $4  }
0x86: {  	[spmem:s2] =	stream.indirect.scatter.add.f32 [tilespmem:s17], [sflag:$0x4], $0x80, s31, s15, $0xb8;
	[tilespmem:$0x1F880] =	vst v63  }
0x87: {  	_ =	swait.ge [sflag:s19], $0x4000  }
0x88: {  	[sflag:s19] =	ssyncset.done $0x0  }
0x89: {  	[sflag:s19] =	ssyncadd.s32 $0xFFFFC000  }
.Ltmp5:
0x8a: {  	(pc) =	sbr.rel .LBB2_9-.Ltmp5, $3  }
0x8b: {  	_ =	sdelay $0x1  }
0x8c: {  	s24 =	sadd.s32 $0x1400, s24;
	s23 =	sadd.s32 $0x400, s23  }
0x8d: {  	[tilespmem:s16], [sflag:$0x1] =	stream.indirect.gather [hbm4b:s1+s15], $0x80, s24, s15, $0xb8;
	[tilespmem:$0x1F880] =	vst v63  }
.LBB2_11:
0x8e: {  	_ =	swait.ge [sflag:s21], $0x4000;
	s23 =	sadd.s32 $0x0, s3  }
0x8f: {  	[sflag:s21] =	ssyncset.done $0x0;
	p0 =	sgt.u32 s23, $0xF9  }
0x90: {  	[sflag:s21] =	ssyncadd.s32 $0xFFFFC000;
	s23 =	sshll.u32 @!p0 s3, $0x6;
	s24 =	sshrl.u32 @!p0 s10, $0x3  }
0x91: {  	s26 =	simm.s32 @!p0 $0x5;
	[bflag:$0x0] =	sbarrier.arrive $0xFFFF;
	s23 =	sor.u32 @!p0 $0x1C05, s23  }
0x92: {  	[hbm:s11], [sflag:s23] =	dma.local @!p0 [spmem:s24], $0x280  }
0x93: {  	s28 =	sadd.s32 $0x10, s3;
	s25 =	sadd.s32 $0x14000, s10;
	_ =	swait.ge @!p0 [sflag:s26], $0x280  }
0x94: {  	s24 =	simm.s32 $0x20;
	s23 =	sadd.s32 $0x2800, s11;
	[sflag:s26] =	ssyncset.done @!p0 $0x0  }
.LBB2_12:
0x95: {  	[sflag:s26] =	ssyncadd.s32 @!p0 $0xFFFFFD80  }
0x96: {  	p0 =	sgt.u32 s28, $0xF9;
	s28 =	smov.u32 s24;
	s24 =	sadd.s32 $0x10, s24  }
0x97: {  	p1 =	sne.s32 s24, $0x100  }
.Ltmp6:
0x98: {  	s26 =	sshll.u32 @!p0 s3, $0x6;
	s29 =	sshrl.u32 @!p0 s25, $0x3;
	(pc) =	sbr.rel @p1 .LBB2_12-.Ltmp6, $4  }
0x99: {  	s30 =	sor.u32 @!p0 $0x1C05, s26;
	s26 =	simm.s32 @!p0 $0x5  }
0x9a: {  	[hbm:s23], [sflag:s30] =	dma.local @!p0 [spmem:s29], $0x280  }
0x9b: {  	s23 =	sadd.s32 $0x2800, s23;
	_ =	swait.ge @!p0 [sflag:s26], $0x280  }
0x9c: {  	s28 =	sadd.s32 s28, s3;
	s25 =	sadd.s32 $0x14000, s25;
	[sflag:s26] =	ssyncset.done @!p0 $0x0  }
0x9d: {  	p1 =	sgt.u32 s28, $0xF9;
	[sflag:s26] =	ssyncadd.s32 @!p0 $0xFFFFFD80;
	s22 =	sadd.s32 $0x1, s22  }
0x9e: {  	s24 =	sshll.u32 @!p1 s3, $0x6;
	s25 =	sshrl.u32 @!p1 s25, $0x3;
	p0 =	sne.s32 s22, s9  }
.Ltmp7:
0x9f: {  	s26 =	simm.s32 @!p1 $0x5;
	s24 =	sor.u32 @!p1 $0x1C05, s24;
	(pc) =	sbr.rel @p0 .LBB2_1-.Ltmp7, $4  }
0xa0: {  	[hbm:s23], [sflag:s24] =	dma.local @!p1 [spmem:s25], $0x280  }
0xa1: {  	_ =	swait.ge @!p1 [sflag:s26], $0x280  }
0xa2: {  	[sflag:s26] =	ssyncset.done @!p1 $0x0  }
0xa3: {  	[sflag:s26] =	ssyncadd.s32 @!p1 $0xFFFFFD80  }
0xa4: {  	_ =	sfence.sel $0x180000  }
0xa5: {  	[bflag:$0x0] =	sbarrier.arrive $0xFFFF  }
0xa6: {  	p0 =	sne.s32 s3, $0x0;
	_ =	strace $0x9000004D  }
0xa7: {  	s0 =	sadd.s32 @!p0 $0x100000, s0;
	[bflag:$0x2] =	sbarrier.arrive $0xFFFF  }
0xa8: {  	[sflag:s0] =	ssyncadd.tile.s32 @!p0 $0x1;
	_ =	shalt  }
.Lfunc_end2:
_tile_overlayer_lowered:
.L_overlay_start_2:
0xa9: {  	(tag) =	ssettag $0x2  }
0xaa: {  	s0 =	rddreg [dreg:$0x0];
	s2 =	stileid.u32  }
0xab: {  	s1 =	rddreg [dreg:$0x1];
	p0 =	sne.s32 s2, $0x0  }
0xac: {  	s3 =	rddreg [dreg:$0x2];
	[bflag:$0x3] =	sbarrier.arrive $0xFFFF;
	s2 =	simm.s32 @!p0 $0x1C05  }
0xad: {  	[timem:s3], [sflag:s2] =	dma.local @!p0 [hbm:s0], s1  }
0xae: {  	s0 =	simm.s32 @!p0 $0x5  }
0xaf: {  	_ =	swait.ge @!p0 [sflag:s0], s1  }
0xb0: {  	s1 =	ssub.s32 @!p0 $0x0, s1;
	[sflag:s0] =	ssyncset.done @!p0 $0x0  }
0xb1: {  	[sflag:s0] =	ssyncadd.s32 @!p0 s1  }
0xb2: {  	[bflag:$0x3] =	sbarrier.arrive $0xFFFF  }
0xb3: {  	_ =	shalt  }

// kernel: kernel.19.cloned.1.call-start
scs
__scs_entry_jumppad:
0x0: {  	(pc) =	sbr.rel $0x88, $3  }
0x1: {  	(tag) =	ssettag $0x0;
	lr =	simm.s32 $0x1  }
0x2: {  	[smem:$0x3F99] =	sst lr;
	_ =	strace $0xD0000000  }
0x3: {  	_ = 	snop  }
0x4: {  	_ = 	snop  }
0x5: {  	_ = 	snop  }
0x6: {  	_ = 	snop  }
0x7: {  	_ = 	snop  }
__scs_overlays_trampoline_lowered:
0x8: {  	[smem:$0x3FA8] =	sst s0  }
0x9: {  	[smem:$0x3FA9] =	sst s1  }
0xa: {  	[smem:$0x3FAA] =	sst s2  }
0xb: {  	[smem:$0x3FAB] =	sst s3  }
0xc: {  	[smem:$0x3FAC] =	sst s4  }
0xd: {  	[smem:$0x3FAD] =	sst s5  }
0xe: {  	[smem:$0x3FAE] =	sst s6  }
0xf: {  	[smem:$0x3FAF] =	sst s7  }
0x10: {  	[smem:$0x3FB0] =	sst s8  }
0x11: {  	[smem:$0x3FB1] =	sst s9;
	s0 =	simm.s32 @!p0 $0x0  }
0x12: {  	s1 =	sld [smem:$0x3F97];
	s0 =	simm.s32 @p0 $0x1  }
0x13: {  	[smem:$0x3FB2] =	sst s0;
	s0 =	simm.s32 @!p1 $0x0  }
0x14: {  	s2 =	sld [smem:$0x3F96];
	s0 =	simm.s32 @p1 $0x1  }
0x15: {  	[smem:$0x3FB3] =	sst s0;
	s0 =	simm.s32 @!p2 $0x0  }
0x16: {  	s3 =	sld [smem:$0x3FDB];
	s0 =	simm.s32 @p2 $0x1  }
0x17: {  	s4 =	simm.s32 $0x1BF5;
	[smem:$0x3FB5] =	sst s0  }
0x18: {  	s0 =	sld [smem:$0x3F98];
	_ =	swait.ge [sflag:s4], $0x0  }
0x19: {  	s7 =	sld [smem:$0x3F99]  }
0x1a: {  	s8 =	sadd.s32 $0xFFFFE003, lr  }
0x1b: {  	s9 =	sadd.s32 $0xFFFFFEF7, lr;
	s5 =	simm.s32 $0xFFFFFFFF;
	p2 =	slt.u32 s8, $0xFFFFF086  }
0x1c: {  	p1 =	slt.u32 s9, $0xF7A;
	s5 =	simm.s32 @!p2 $0x0  }
0x1d: {  	s5 =	simm.s32 @p1 $0x1;
	p0 =	seq.s32 s7, s2  }
0x1e: {  	s7 =	smul.u32 @!p0 $0xF7A, s2;
	p2 =	seq.s32 @!p0 s5, $0x0  }
0x1f: {  	s9 =	smul.u32 $0xF7A, s1;
	s8 =	simm.s32 @!p0 $0x1BF5;
	p2 =	por !p2, p0  }
0x20: {  	[sflag:s8] =	ssyncset.s32 @!p0 $0xFFFFF086;
	s6 =	sadd.s32 @!p0 s3, s7;
	s7 =	simm.s32 @!p0 $0x108  }
0x21: {  	s3 =	sadd.s32 s3, s9;
	s6 =	sadd.s32 @!p0 $0x88, s6;
	s7 =	simm.s32 @p2 $0x1082  }
0x22: {  	[simem:s7], [sflag:s8] =	dma.local @!p0 [hbm:s6], $0xF7A  }
0x23: {  	s9 =	sor.u32 $0xD0000000, s2;
	s6 =	simm.s32 $0x108;
	_ =	swait.ge @!p0 [sflag:s8], $0x0  }
0x24: {  	s3 =	sadd.s32 $0x88, s3;
	s6 =	simm.s32 @!p1 $0x1082;
	[sflag:s4] =	ssyncset.s32 $0xFFFFF086  }
0x25: {  	[simem:s6], [sflag:s4] =	dma.local [hbm:s3], $0xF7A  }
0x26: {  	[smem:$0x3F99] =	sst s1;
	(tag) =	ssettag s2;
	_ =	strace s9  }
0x27: {  	s1 =	sld [smem:$0x3FA9]  }
0x28: {  	s2 =	sld [smem:$0x3FAA]  }
0x29: {  	s4 =	sld [smem:$0x3FAC]  }
0x2a: {  	p0 =	seq.s32 s5, $0x0;
	s5 =	sld [smem:$0x3FAD]  }
0x2b: {  	s6 =	sld [smem:$0x3FAE]  }
0x2c: {  	s7 =	sld [smem:$0x3FAF]  }
0x2d: {  	s3 =	simm.s32 $0x108;
	s8 =	sld [smem:$0x3FB0]  }
0x2e: {  	s3 =	simm.s32 @!p0 $0x1082;
	s9 =	sld [smem:$0x3FB1]  }
0x2f: {  	lr =	sadd.s32 s0, s3;
	s0 =	sld [smem:$0x3FA8]  }
0x30: {  	s3 =	sld [smem:$0x3FAB]  }
0x31: {  	[smem:$0x3FB4] =	sst s10  }
0x32: {  	s10 =	sld [smem:$0x3FB2];
	_ =	sdelay $0x3  }
0x33: {  	p0 =	seq.s32 s10, $0x1;
	s10 =	sld [smem:$0x3FB4];
	_ =	sdelay $0x3  }
0x34: {  	[smem:$0x3FB4] =	sst s10  }
0x35: {  	s10 =	sld [smem:$0x3FB3];
	_ =	sdelay $0x3  }
0x36: {  	p1 =	seq.s32 s10, $0x1;
	s10 =	sld [smem:$0x3FB4];
	_ =	sdelay $0x3  }
0x37: {  	[smem:$0x3FB4] =	sst s10  }
0x38: {  	s10 =	sld [smem:$0x3FB5]  }
0x39: {  	_ = 	snop;
	(pc) =	sbr.ind lr, $3  }
0x3a: {  	_ = 	snop  }
0x3b: {  	_ = 	snop  }
0x3c: {  	p2 =	seq.s32 s10, $0x1;
	s10 =	sld [smem:$0x3FB4]  }
0x3d: {  	_ =	shalt  }
0x3e: {  	_ =	shalt  }
0x3f: {  	_ =	shalt  }
0x40: {  	_ =	shalt  }
0x41: {  	_ =	shalt  }
0x42: {  	_ =	shalt  }
0x43: {  	_ =	shalt  }
0x44: {  	_ =	shalt  }
0x45: {  	_ =	shalt  }
0x46: {  	_ =	shalt  }
0x47: {  	_ =	shalt  }
0x48: {  	_ =	shalt  }
0x49: {  	_ =	shalt  }
0x4a: {  	_ =	shalt  }
0x4b: {  	_ =	shalt  }
0x4c: {  	_ =	shalt  }
0x4d: {  	_ =	shalt  }
0x4e: {  	_ =	shalt  }
0x4f: {  	_ =	shalt  }
0x50: {  	_ =	shalt  }
0x51: {  	_ =	shalt  }
0x52: {  	_ =	shalt  }
0x53: {  	_ =	shalt  }
0x54: {  	_ =	shalt  }
0x55: {  	_ =	shalt  }
0x56: {  	_ =	shalt  }
0x57: {  	_ =	shalt  }
0x58: {  	_ =	shalt  }
0x59: {  	_ =	shalt  }
0x5a: {  	_ =	shalt  }
0x5b: {  	_ =	shalt  }
0x5c: {  	_ =	shalt  }
0x5d: {  	_ =	shalt  }
0x5e: {  	_ =	shalt  }
0x5f: {  	_ =	shalt  }
0x60: {  	_ =	shalt  }
0x61: {  	_ =	shalt  }
0x62: {  	_ =	shalt  }
0x63: {  	_ =	shalt  }
0x64: {  	_ =	shalt  }
0x65: {  	_ =	shalt  }
0x66: {  	_ =	shalt  }
0x67: {  	_ =	shalt  }
0x68: {  	_ =	shalt  }
0x69: {  	_ =	shalt  }
0x6a: {  	_ =	shalt  }
0x6b: {  	_ =	shalt  }
0x6c: {  	_ =	shalt  }
0x6d: {  	_ =	shalt  }
0x6e: {  	_ =	shalt  }
0x6f: {  	_ =	shalt  }
0x70: {  	_ =	shalt  }
0x71: {  	_ =	shalt  }
0x72: {  	_ =	shalt  }
0x73: {  	_ =	shalt  }
0x74: {  	_ =	shalt  }
0x75: {  	_ =	shalt  }
0x76: {  	_ =	shalt  }
0x77: {  	_ =	shalt  }
0x78: {  	_ =	shalt  }
0x79: {  	_ =	shalt  }
0x7a: {  	_ =	shalt  }
0x7b: {  	_ =	shalt  }
0x7c: {  	_ =	shalt  }
0x7d: {  	_ =	shalt  }
0x7e: {  	_ =	shalt  }
0x7f: {  	_ =	shalt  }
0x80: {  	_ =	shalt  }
0x81: {  	_ =	shalt  }
0x82: {  	_ =	shalt  }
0x83: {  	_ =	shalt  }
0x84: {  	_ =	shalt  }
0x85: {  	_ =	shalt  }
0x86: {  	_ =	shalt  }
0x87: {  	_ =	shalt  }
.Lfunc_end0:
.L_simem_size_0:
called_computation.3_lowered:
.L_overlay_start_0:
0x88: {  	s2 =	sld [smem:$0x3FD9]  }
0x89: {  	s3 =	sld [smem:$0x3FFE];
	_ =	sdelay $0x1  }
0x8a: {  	s1 =	srdreg.scid  }
0x8b: {  	s0 =	sand.u32 $0x1, s1  }
0x8c: {  	s14 =	sshll.u32 s0, $0xA;
	s2 =	sadd.s32 s3, s2  }
0x8d: {  	s2 =	sadd.s32 s2, s14  }
0x8e: {  	[smem:$0x3FC0] =	sst s2  }
0x8f: {  	_ = 	snop  }
0x90: {  	s2 =	sld [smem:$0x3FD0];
	_ =	sdelay $0x2  }
0x91: {  	s15 =	simm.s32 $0xA;
	s4 =	simm.s32 $0x10  }
0x92: {  	[smem:s4], [sflag:s15] =	dma.local [hbm:s2], $0x1  }
0x93: {  	_ =	swait.eq [sflag:s15], $0x1  }
0x94: {  	[sflag:s15] =	ssyncset.done $0x0  }
0x95: {  	[sflag:s15] =	ssyncadd.s32 $0xFFFFFFFF  }
0x96: {  	s16 =	sld [smem:$0x11];
	(tm) =	ssettm $0x1  }
0x97: {  	s17 =	sld [smem:$0x3FFB];
	_ =	sdelay $0x3  }
0x98: {  	_ =	strace s17  }
0x99: {  	s3 =	sld [smem:$0x3FFC];
	_ =	sdelay $0x3  }
0x9a: {  	_ =	strace s3  }
0x9b: {  	s3 =	sld [smem:$0x3FFD];
	_ =	sdelay $0x3  }
0x9c: {  	_ =	strace s3  }
0x9d: {  	_ =	strace $0x8FFFFFFF  }
0x9e: {  	s18 =	sld [smem:$0x3FDB];
	_ =	sdelay $0x1  }
0x9f: {  	s19 =	simm.s32 $_scs_section_size  }
0xa0: {  	s5 =	simm.s32 $_size__tile_overlayer_lowered;
	s6 =	simm.s32 $_tile_overlayer_lowered  }
0xa1: {  	s22 =	simm.s32 $0x1BFF;
	s21 =	sshll.u32 s6, $0x1;
	s3 =	sadd.s32 s19, s18  }
0xa2: {  	s7 =	simm.s32 $0x0;
	s20 =	sshll.u32 s5, $0x1;
	s5 =	sadd.s32 s21, s3  }
0xa3: {  	[timem:s7], [sflag:s22] =	dma.local [hbm:s5], s20  }
0xa4: {  	_ =	swait.ge [sflag:s22], s20  }
0xa5: {  	s4 =	ssub.s32 $0x0, s20;
	[sflag:s22] =	ssyncset.done $0x0  }
0xa6: {  	[sflag:s22] =	ssyncadd.s32 s4;
	_ =	sdelay $0x1  }
0xa7: {  	s23 =	simm.s32 $0x1B8B  }
0xa8: {  	_ =	swait.ge [sflag:s23], $0x1  }
0xa9: {  	[sflag:s23] =	ssyncset.done $0x0  }
0xaa: {  	s25 =	simm.s32 $0x1B8E;
	s24 =	sld [smem:$0x3FFE];
	[sflag:s23] =	ssyncadd.s32 $0xFFFFFFFF  }
0xab: {  	s26 =	simm.s32 $execute0_lowered;
	[smem:$0x3FD2] =	sst s25  }
0xac: {  	s5 =	sshll.u32 s26, $0x1;
	_ =	strace $0x8000004F;
	[dreg:$0x1] =	wrdreg $0xFFFFFFFF  }
0xad: {  	s28 =	simm.s32 $_size_execute0_lowered;
	s3 =	sadd.s32 s3, s5;
	[dreg:$0x0] =	wrdreg $0x0  }
0xae: {  	s5 =	sshll.u32 s28, $0x1;
	[dreg:$0x2] =	wrdreg s3  }
0xaf: {  	[dreg:$0x3] =	wrdreg s5  }
0xb0: {  	[dreg:$0x4] =	wrdreg $0xC0  }
0xb1: {  	_ =	task [dreg:s7], $0x5FFFF  }
0xb2: {  	[dreg:$0x1] =	wrdreg $0xFFFFFFFF  }
0xb3: {  	[dreg:$0x0] =	wrdreg $0x60  }
0xb4: {  	[dreg:$0x2] =	wrdreg s16  }
0xb5: {  	[dreg:$0x3] =	wrdreg s24  }
0xb6: {  	[dreg:$0x4] =	wrdreg $0xBC000  }
0xb7: {  	[dreg:$0x5] =	wrdreg $0x9  }
0xb8: {  	_ =	task.clear_ibuf [dreg:s7], $0x6FFFF;
	_ =	strace $0x9000004F  }
0xb9: {  	s29 =	simm.s32 $0x9;
	_ =	strace $0x80000051  }
0xba: {  	_ =	swait.ge [sflag:s29], $0x1  }
0xbb: {  	[sflag:s29] =	ssyncadd.s32 $0xFFFFFFFF  }
0xbc: {  	_ =	strace $0x90000051  }
0xbd: {  	_ =	sfence  }
0xbe: {  	s30 =	sld [smem:$0x0];
	_ =	sdelay $0x2  }
0xbf: {  	s31 =	sshll.u32 s1, $0xD;
	s1 =	sshrl.u32 s1, $0x2  }
0xc0: {  	s3 =	sand.u32 $0x4000, s31;
	s1 =	sadd.s32 s1, s30  }
0xc1: {  	s0 =	sor.u32 s3, s0;
	s1 =	sshll.u32 s1, $0x11  }
0xc2: {  	s0 =	sor.u32 s1, s0  }
0xc3: {  	s0 =	sadd.s32 $0x8F2B, s0  }
0xc4: {  	[sflag:s0] =	ssyncadd.remote.s32 $0x1  }
0xc5: {  	_ =	sfence.sel $0xFFFF  }
0xc6: {  	[dreg:$0x0] =	wrdreg $0xFFFFFFFF;
	(pc) =	sbr.abs _section_cstart, $3  }
0xc7: {  	[dreg:$0x1] =	wrdreg $0xFFFFFFFF  }
0xc8: {  	_ =	task.clear_ibuf [dreg:s7], $0x2FFFF;
	_ =	strace $0x9FFFFFFF  }
0xc9: {  	(tm) =	ssettm $0x7FFFFFFF  }
tec
execute0_lowered:
.L_overlay_start_1:
0x0: {  	(tag) =	ssettag $0x1  }
0x1: {  	s1 =	rddreg [dreg:$0x0]  }
0x2: {  	s5 =	rddreg [dreg:$0x1]  }
0x3: {  	s2 =	rddreg [dreg:$0x2]  }
0x4: {  	s3 =	srdreg.scid;
	s0 =	rddreg [dreg:$0x3];
	s4 =	simm.s32 $0x0  }
0x5: {  	s16 =	simm.s32 $0x2800;
	s17 =	simm.s32 $0x6800;
	s18 =	simm.s32 $0x1480  }
0x6: {  	s19 =	simm.s32 $0x3;
	s20 =	simm.s32 $0x100;
	s21 =	simm.s32 $0x4  }
0x7: {  	s22 =	simm.s32 $0x0;
	s6 =	sand.u32 $0x1, s3;
	s3 =	stileid.u32  }
0x8: {  	[smem:$0x7FF] =	sst s4;
	s10 =	sadd.s32 $0x51C00, s5;
	s8 =	smul.u32 $0x27100, s6  }
0x9: {  	s12 =	sadd.s32 $0x5BC00, s5;
	s7 =	sshll.u32 s6, $0x4;
	s14 =	smul.u32 $0x5000, s3  }
0xa: {  	s6 =	ssub.s32 $0x2, s6;
	s15 =	smul.u32 $0x280, s3;
	s7 =	sor.u32 s3, s7  }
0xb: {  	_ =	strace $0x80000050;
	s11 =	sshrl.u32 s6, $0x1;
	s9 =	smul.u32 $0x500, s7  }
0xc: {  	s7 =	smul.u32 $0x2800, s7;
	s13 =	sadd.s32 s8, s5;
	s11 =	ssub.s32 s6, s11  }
0xd: {  	s30 =	sshrl.u32 s14, $0x2;
	s14 =	simm.s32 $0x2;
	s31 =	sadd.s32 s15, s13  }
0xe: {  	s13 =	simm.s32 $0x1;
	s15 =	simm.s32 $0x80;
	s7 =	sshrl.u32 s7, $0x3  }
0xf: {  	s5 =	sadd.s32 s10, s9;
	s6 =	sadd.s32 s12, s9;
	s29 =	sadd.s32 $0x280, s7  }
0x10: {  	s9 =	smax.u32 s11, $0x1;
	s11 =	sadd.s32 $0x3A00, s31;
	s7 =	sadd.s32 s10, s29  }
0x11: {  	v0 =	vimm.f32 $0.0e+00;
	s8 =	sadd.s32 s12, s29;
	s10 =	sadd.s32 s30, s2;
	s12 =	simm.s32 $0x1400  }
.LBB2_1:
0x12: {  	s23 =	simm.s32 $0x70;
	s24 =	simm.s32 $0x3C0  }
.LBB2_2:
0x13: {  	p0 =	sne.s32 s24, $0x4FC0;
	[tilespmem:s23+$0xA800] =	vst v0  }
0x14: {  	[tilespmem:s23+$0xA790] =	vst v0  }
0x15: {  	[tilespmem:s23+$0xA7A0] =	vst v0  }
.Ltmp0:
0x16: {  	[tilespmem:s23+$0xA7B0] =	vst v0;
	(pc) =	sbr.rel @p0 .LBB2_2-.Ltmp0, $4  }
0x17: {  	[tilespmem:s23+$0xA7C0] =	vst v0  }
0x18: {  	[tilespmem:s23+$0xA7D0] =	vst v0  }
0x19: {  	[tilespmem:s23+$0xA7E0] =	vst v0  }
0x1a: {  	[tilespmem:s23+$0xA7F0] =	vst v0;
	s23 =	sshra.s32 s24, $0x2;
	s24 =	sadd.s32 $0x200, s24  }
0x1b: {  	[tilespmem:s23+$0xA800] =	vst v0  }
0x1c: {  	[tilespmem:s23+$0xA790] =	vst v0  }
0x1d: {  	[tilespmem:s23+$0xA7A0] =	vst v0  }
0x1e: {  	[tilespmem:s23+$0xA7B0] =	vst v0  }
0x1f: {  	[tilespmem:s23+$0xA7C0] =	vst v0  }
0x20: {  	[tilespmem:s23+$0xA7D0] =	vst v0  }
0x21: {  	[tilespmem:s23+$0xA7E0] =	vst v0  }
0x22: {  	[tilespmem:s23+$0xA7F0] =	vst v0;
	s30 =	simm.s32 $0x0  }
0x23: {  	[tilespmem:s30], [sflag:$0x1] =	stream.linear.gather [hbm4b:s5+s30], $0x1400, $0x38;
	[tilespmem:$0x1F880] =	vst v63  }
0x24: {  	_ = 	snop  }
0x25: {  	[tilespmem:s12], [sflag:$0x2] =	stream.linear.gather [hbm4b:s6+s30], $0x1400, $0x38;
	[tilespmem:$0x1F880] =	vst v63  }
0x26: {  	_ =	swait.ge [sflag:s13], $0x1400  }
0x27: {  	[sflag:s13] =	ssyncset.done $0x0  }
0x28: {  	[sflag:s13] =	ssyncadd.s32 $0xFFFFEC00  }
0x29: {  	s31 =	sadd.s32 $0x0, s3;
	_ =	swait.ge [sflag:s14], $0x1400  }
0x2a: {  	p0 =	sgt.u32 s31, $0xF9;
	[sflag:s14] =	ssyncset.done $0x0  }
0x2b: {  	s23 =	simm.s32 @!p0 $0xA800;
	s26 =	simm.s32 @!p0 $0x5;
	[sflag:s14] =	ssyncadd.s32 $0xFFFFEC00  }
0x2c: {  	[spmem:s10] =	stream.linear.scatter @!p0 [tilespmem:s23], [sflag:$0x5], $0x1400, $0x38;
	[tilespmem:$0x1F880] =	vst v63  }
0x2d: {  	s24 =	simm.s32 $0x10;
	_ =	swait.ge @!p0 [sflag:s26], $0x1400  }
0x2e: {  	s25 =	simm.s32 $0x20;
	s23 =	sadd.s32 $0x14000, s10;
	[sflag:s26] =	ssyncset.done @!p0 $0x0  }
.LBB2_4:
0x2f: {  	s28 =	sadd.s32 s24, s3;
	s24 =	smov.u32 s25;
	s25 =	sadd.s32 $0x10, s25  }
0x30: {  	[sflag:s26] =	ssyncadd.s32 @!p0 $0xFFFFEC00;
	p1 =	sne.s32 s25, $0x100  }
.Ltmp1:
0x31: {  	p0 =	sgt.u32 s28, $0xF9;
	(pc) =	sbr.rel @p1 .LBB2_4-.Ltmp1, $4  }
0x32: {  	s28 =	simm.s32 @!p0 $0xA800;
	s26 =	simm.s32 @!p0 $0x5  }
0x33: {  	[spmem:s23] =	stream.linear.scatter @!p0 [tilespmem:s28], [sflag:$0x5], $0x1400, $0x38;
	[tilespmem:$0x1F880] =	vst v63  }
0x34: {  	_ =	swait.ge @!p0 [sflag:s26], $0x1400  }
0x35: {  	s23 =	sadd.s32 $0x14000, s23;
	[sflag:s26] =	ssyncset.done @!p0 $0x0  }
0x36: {  	s24 =	sadd.s32 s24, s3  }
0x37: {  	p1 =	sgt.u32 s24, $0xF9  }
0x38: {  	[sflag:s26] =	ssyncadd.s32 @!p0 $0xFFFFEC00;
	s24 =	simm.s32 @!p1 $0xA800;
	s25 =	simm.s32 @!p1 $0x5  }
0x39: {  	[spmem:s23] =	stream.linear.scatter @!p1 [tilespmem:s24], [sflag:$0x5], $0x1400, $0x38;
	[tilespmem:$0x1F880] =	vst v63  }
0x3a: {  	_ =	swait.ge @!p1 [sflag:s25], $0x1400  }
0x3b: {  	[sflag:s25] =	ssyncset.done @!p1 $0x0  }
0x3c: {  	[sflag:s25] =	ssyncadd.s32 @!p1 $0xFFFFEC00  }
0x3d: {  	[bflag:$0x0] =	sbarrier.arrive $0xFFFF  }
0x3e: {  	[tilespmem:s16], [sflag:$0x1] =	stream.indirect.gather [hbm4b:s1+s15], $0x80, s4, s15, $0xb8;
	[tilespmem:$0x1F880] =	vst v63  }
0x3f: {  	_ =	swait.ge [sflag:s13], $0x4000  }
0x40: {  	[sflag:s13] =	ssyncset.done $0x0  }
0x41: {  	[sflag:s13] =	ssyncadd.s32 $0xFFFFC000  }
0x42: {  	[spmem:s2] =	stream.indirect.scatter.add.f32 [tilespmem:s16], [sflag:$0x3], $0x80, s12, s15, $0xb8;
	[tilespmem:$0x1F880] =	vst v63  }
0x43: {  	_ = 	snop  }
0x44: {  	[tilespmem:s17], [sflag:$0x2] =	stream.indirect.gather [hbm4b:s1+s15], $0x80, s15, s15, $0xb8;
	[tilespmem:$0x1F880] =	vst v63  }
0x45: {  	_ =	swait.ge [sflag:s14], $0x4000  }
0x46: {  	[sflag:s14] =	ssyncset.done $0x0  }
0x47: {  	[sflag:s14] =	ssyncadd.s32 $0xFFFFC000  }
0x48: {  	[spmem:s2] =	stream.indirect.scatter.add.f32 [tilespmem:s17], [sflag:$0x4], $0x80, s18, s15, $0xb8;
	[tilespmem:$0x1F880] =	vst v63  }
0x49: {  	_ =	swait.ge [sflag:s19], $0x4000  }
0x4a: {  	[sflag:s19] =	ssyncset.done $0x0  }
0x4b: {  	s23 =	simm.s32 $0xFFFFB800;
	[sflag:s19] =	ssyncadd.s32 $0xFFFFC000  }
0x4c: {  	[tilespmem:s16], [sflag:$0x1] =	stream.indirect.gather [hbm4b:s1+s15], $0x80, s20, s15, $0xb8;
	[tilespmem:$0x1F880] =	vst v63  }
.LBB2_6:
0x4d: {  	_ =	swait.ge [sflag:s13], $0x4000  }
0x4e: {  	s24 =	sshra.s32 s23, $0x2;
	[sflag:s13] =	ssyncset.done $0x0  }
0x4f: {  	s25 =	sadd.s32 $0x2700, s24;
	[sflag:s13] =	ssyncadd.s32 $0xFFFFC000  }
0x50: {  	[spmem:s2] =	stream.indirect.scatter.add.f32 [tilespmem:s16], [sflag:$0x3], $0x80, s25, s15, $0xb8;
	[tilespmem:$0x1F880] =	vst v63  }
0x51: {  	_ =	swait.ge [sflag:s21], $0x4000  }
0x52: {  	[sflag:s21] =	ssyncset.done $0x0  }
0x53: {  	s30 =	sadd.s32 $0x1380, s24;
	[sflag:s21] =	ssyncadd.s32 $0xFFFFC000  }
0x54: {  	[tilespmem:s17], [sflag:$0x2] =	stream.indirect.gather [hbm4b:s1+s15], $0x80, s30, s15, $0xb8;
	[tilespmem:$0x1F880] =	vst v63  }
0x55: {  	_ =	swait.ge [sflag:s14], $0x4000  }
0x56: {  	p0 =	seq.s32 s23, $0x0;
	[sflag:s14] =	ssyncset.done $0x0  }
.Ltmp2:
0x57: {  	s31 =	sadd.s32 $0x2780, s24;
	[sflag:s14] =	ssyncadd.s32 $0xFFFFC000;
	(pc) =	sbr.rel @p0 .LBB2_8-.Ltmp2, $4  }
0x58: {  	[spmem:s2] =	stream.indirect.scatter.add.f32 [tilespmem:s17], [sflag:$0x4], $0x80, s31, s15, $0xb8;
	[tilespmem:$0x1F880] =	vst v63  }
0x59: {  	_ =	swait.ge [sflag:s19], $0x4000  }
0x5a: {  	[sflag:s19] =	ssyncset.done $0x0  }
0x5b: {  	[sflag:s19] =	ssyncadd.s32 $0xFFFFC000  }
.Ltmp3:
0x5c: {  	(pc) =	sbr.rel .LBB2_6-.Ltmp3, $3  }
0x5d: {  	_ =	sdelay $0x1  }
0x5e: {  	s24 =	sadd.s32 $0x1400, s24;
	s23 =	sadd.s32 $0x400, s23  }
0x5f: {  	[tilespmem:s16], [sflag:$0x1] =	stream.indirect.gather [hbm4b:s1+s15], $0x80, s24, s15, $0xb8;
	[tilespmem:$0x1F880] =	vst v63  }
.LBB2_8:
0x60: {  	_ =	swait.ge [sflag:s21], $0x4000  }
0x61: {  	[sflag:s21] =	ssyncset.done $0x0  }
0x62: {  	[sflag:s21] =	ssyncadd.s32 $0xFFFFC000  }
0x63: {  	[tilespmem:s4], [sflag:$0x1] =	stream.linear.gather [hbm4b:s7+s4], $0x1400, $0x38;
	[tilespmem:$0x1F880] =	vst v63  }
0x64: {  	_ = 	snop  }
0x65: {  	[tilespmem:s12], [sflag:$0x2] =	stream.linear.gather [hbm4b:s8+s4], $0x1400, $0x38;
	[tilespmem:$0x1F880] =	vst v63  }
0x66: {  	_ =	swait.ge [sflag:s13], $0x1400  }
0x67: {  	[sflag:s13] =	ssyncset.done $0x0  }
0x68: {  	[sflag:s13] =	ssyncadd.s32 $0xFFFFEC00  }
0x69: {  	_ =	swait.ge [sflag:s14], $0x1400  }
0x6a: {  	[sflag:s14] =	ssyncset.done $0x0  }
0x6b: {  	[sflag:s14] =	ssyncadd.s32 $0xFFFFEC00  }
0x6c: {  	[tilespmem:s16], [sflag:$0x1] =	stream.indirect.gather [hbm4b:s1+s15], $0x80, s4, s15, $0xb8;
	[tilespmem:$0x1F880] =	vst v63  }
0x6d: {  	_ =	swait.ge [sflag:s13], $0x4000  }
0x6e: {  	[sflag:s13] =	ssyncset.done $0x0  }
0x6f: {  	[sflag:s13] =	ssyncadd.s32 $0xFFFFC000  }
0x70: {  	[spmem:s2] =	stream.indirect.scatter.add.f32 [tilespmem:s16], [sflag:$0x3], $0x80, s12, s15, $0xb8;
	[tilespmem:$0x1F880] =	vst v63  }
0x71: {  	_ = 	snop  }
0x72: {  	[tilespmem:s17], [sflag:$0x2] =	stream.indirect.gather [hbm4b:s1+s15], $0x80, s15, s15, $0xb8;
	[tilespmem:$0x1F880] =	vst v63  }
0x73: {  	_ =	swait.ge [sflag:s14], $0x4000  }
0x74: {  	[sflag:s14] =	ssyncset.done $0x0  }
0x75: {  	[sflag:s14] =	ssyncadd.s32 $0xFFFFC000  }
0x76: {  	[spmem:s2] =	stream.indirect.scatter.add.f32 [tilespmem:s17], [sflag:$0x4], $0x80, s18, s15, $0xb8;
	[tilespmem:$0x1F880] =	vst v63  }
0x77: {  	_ =	swait.ge [sflag:s19], $0x4000  }
0x78: {  	[sflag:s19] =	ssyncset.done $0x0  }
0x79: {  	s23 =	simm.s32 $0xFFFFB800;
	[sflag:s19] =	ssyncadd.s32 $0xFFFFC000  }
0x7a: {  	[tilespmem:s16], [sflag:$0x1] =	stream.indirect.gather [hbm4b:s1+s15], $0x80, s20, s15, $0xb8;
	[tilespmem:$0x1F880] =	vst v63  }
.LBB2_9:
0x7b: {  	_ =	swait.ge [sflag:s13], $0x4000  }
0x7c: {  	s24 =	sshra.s32 s23, $0x2;
	[sflag:s13] =	ssyncset.done $0x0  }
0x7d: {  	s25 =	sadd.s32 $0x2700, s24;
	[sflag:s13] =	ssyncadd.s32 $0xFFFFC000  }
0x7e: {  	[spmem:s2] =	stream.indirect.scatter.add.f32 [tilespmem:s16], [sflag:$0x3], $0x80, s25, s15, $0xb8;
	[tilespmem:$0x1F880] =	vst v63  }
0x7f: {  	_ =	swait.ge [sflag:s21], $0x4000  }
0x80: {  	[sflag:s21] =	ssyncset.done $0x0  }
0x81: {  	s30 =	sadd.s32 $0x1380, s24;
	[sflag:s21] =	ssyncadd.s32 $0xFFFFC000  }
0x82: {  	[tilespmem:s17], [sflag:$0x2] =	stream.indirect.gather [hbm4b:s1+s15], $0x80, s30, s15, $0xb8;
	[tilespmem:$0x1F880] =	vst v63  }
0x83: {  	_ =	swait.ge [sflag:s14], $0x4000  }
0x84: {  	p0 =	seq.s32 s23, $0x0;
	[sflag:s14] =	ssyncset.done $0x0  }
.Ltmp4:
0x85: {  	s31 =	sadd.s32 $0x2780, s24;
	[sflag:s14] =	ssyncadd.s32 $0xFFFFC000;
	(pc) =	sbr.rel @p0 .LBB2_11-.Ltmp4, $4  }
0x86: {  	[spmem:s2] =	stream.indirect.scatter.add.f32 [tilespmem:s17], [sflag:$0x4], $0x80, s31, s15, $0xb8;
	[tilespmem:$0x1F880] =	vst v63  }
0x87: {  	_ =	swait.ge [sflag:s19], $0x4000  }
0x88: {  	[sflag:s19] =	ssyncset.done $0x0  }
0x89: {  	[sflag:s19] =	ssyncadd.s32 $0xFFFFC000  }
.Ltmp5:
0x8a: {  	(pc) =	sbr.rel .LBB2_9-.Ltmp5, $3  }
0x8b: {  	_ =	sdelay $0x1  }
0x8c: {  	s24 =	sadd.s32 $0x1400, s24;
	s23 =	sadd.s32 $0x400, s23  }
0x8d: {  	[tilespmem:s16], [sflag:$0x1] =	stream.indirect.gather [hbm4b:s1+s15], $0x80, s24, s15, $0xb8;
	[tilespmem:$0x1F880] =	vst v63  }
.LBB2_11:
0x8e: {  	_ =	swait.ge [sflag:s21], $0x4000;
	s23 =	sadd.s32 $0x0, s3  }
0x8f: {  	[sflag:s21] =	ssyncset.done $0x0;
	p0 =	sgt.u32 s23, $0xF9  }
0x90: {  	[sflag:s21] =	ssyncadd.s32 $0xFFFFC000;
	s23 =	sshll.u32 @!p0 s3, $0x6;
	s24 =	sshrl.u32 @!p0 s10, $0x3  }
0x91: {  	s26 =	simm.s32 @!p0 $0x5;
	[bflag:$0x0] =	sbarrier.arrive $0xFFFF;
	s23 =	sor.u32 @!p0 $0x1C05, s23  }
0x92: {  	[hbm:s11], [sflag:s23] =	dma.local @!p0 [spmem:s24], $0x280  }
0x93: {  	s28 =	sadd.s32 $0x10, s3;
	s25 =	sadd.s32 $0x14000, s10;
	_ =	swait.ge @!p0 [sflag:s26], $0x280  }
0x94: {  	s24 =	simm.s32 $0x20;
	s23 =	sadd.s32 $0x2800, s11;
	[sflag:s26] =	ssyncset.done @!p0 $0x0  }
.LBB2_12:
0x95: {  	[sflag:s26] =	ssyncadd.s32 @!p0 $0xFFFFFD80  }
0x96: {  	p0 =	sgt.u32 s28, $0xF9;
	s28 =	smov.u32 s24;
	s24 =	sadd.s32 $0x10, s24  }
0x97: {  	p1 =	sne.s32 s24, $0x100  }
.Ltmp6:
0x98: {  	s26 =	sshll.u32 @!p0 s3, $0x6;
	s29 =	sshrl.u32 @!p0 s25, $0x3;
	(pc) =	sbr.rel @p1 .LBB2_12-.Ltmp6, $4  }
0x99: {  	s30 =	sor.u32 @!p0 $0x1C05, s26;
	s26 =	simm.s32 @!p0 $0x5  }
0x9a: {  	[hbm:s23], [sflag:s30] =	dma.local @!p0 [spmem:s29], $0x280  }
0x9b: {  	s23 =	sadd.s32 $0x2800, s23;
	_ =	swait.ge @!p0 [sflag:s26], $0x280  }
0x9c: {  	s28 =	sadd.s32 s28, s3;
	s25 =	sadd.s32 $0x14000, s25;
	[sflag:s26] =	ssyncset.done @!p0 $0x0  }
0x9d: {  	p1 =	sgt.u32 s28, $0xF9;
	[sflag:s26] =	ssyncadd.s32 @!p0 $0xFFFFFD80;
	s22 =	sadd.s32 $0x1, s22  }
0x9e: {  	s24 =	sshll.u32 @!p1 s3, $0x6;
	s25 =	sshrl.u32 @!p1 s25, $0x3;
	p0 =	sne.s32 s22, s9  }
.Ltmp7:
0x9f: {  	s26 =	simm.s32 @!p1 $0x5;
	s24 =	sor.u32 @!p1 $0x1C05, s24;
	(pc) =	sbr.rel @p0 .LBB2_1-.Ltmp7, $4  }
0xa0: {  	[hbm:s23], [sflag:s24] =	dma.local @!p1 [spmem:s25], $0x280  }
0xa1: {  	_ =	swait.ge @!p1 [sflag:s26], $0x280  }
0xa2: {  	[sflag:s26] =	ssyncset.done @!p1 $0x0  }
0xa3: {  	[sflag:s26] =	ssyncadd.s32 @!p1 $0xFFFFFD80  }
0xa4: {  	_ =	sfence.sel $0x180000  }
0xa5: {  	[bflag:$0x0] =	sbarrier.arrive $0xFFFF  }
0xa6: {  	p0 =	sne.s32 s3, $0x0;
	_ =	strace $0x90000050  }
0xa7: {  	s0 =	sadd.s32 @!p0 $0x100000, s0;
	[bflag:$0x2] =	sbarrier.arrive $0xFFFF  }
0xa8: {  	[sflag:s0] =	ssyncadd.tile.s32 @!p0 $0x1;
	_ =	shalt  }
.Lfunc_end2:
_tile_overlayer_lowered:
.L_overlay_start_2:
0xa9: {  	(tag) =	ssettag $0x2  }
0xaa: {  	s0 =	rddreg [dreg:$0x0];
	s2 =	stileid.u32  }
0xab: {  	s1 =	rddreg [dreg:$0x1];
	p0 =	sne.s32 s2, $0x0  }
0xac: {  	s3 =	rddreg [dreg:$0x2];
	[bflag:$0x3] =	sbarrier.arrive $0xFFFF;
	s2 =	simm.s32 @!p0 $0x1C05  }
0xad: {  	[timem:s3], [sflag:s2] =	dma.local @!p0 [hbm:s0], s1  }
0xae: {  	s0 =	simm.s32 @!p0 $0x5  }
0xaf: {  	_ =	swait.ge @!p0 [sflag:s0], s1  }
0xb0: {  	s1 =	ssub.s32 @!p0 $0x0, s1;
	[sflag:s0] =	ssyncset.done @!p0 $0x0  }
0xb1: {  	[sflag:s0] =	ssyncadd.s32 @!p0 s1  }
0xb2: {  	[bflag:$0x3] =	sbarrier.arrive $0xFFFF  }
0xb3: {  	_ =	shalt  }

</sc_bundles>
